<compile_context>
chip_gen: v7x
topology: tpu7x:2x2x1
jax: 0.10.2.dev20260603
libtpu: 0.0.44.dev20260713+nightly
codegen_flags: <defaults>
</compile_context>

<pallas_src>
import functools

import jax
import jax.numpy as jnp
from jax import lax
from jax.experimental import pallas as pl
from jax.experimental.pallas import tpu as pltpu
from jax.experimental.pallas import tpu_sc as plsc

NC = 2
NS = 16
NW = NC * NS
CB = 64
NB = 4
NI = 8
F0 = 0.80


def _chunk_split(e):
    t = -(-e // CB)
    c0 = -(-int(t * F0) // NS)
    c0 += (-c0) % NB
    c1 = max(NI, -(-(t - NS * c0) // NS))
    c1 += (-c1) % NB
    return c0, c1


def _sc_aggregate(x, src_r, dst_r, n_pad, c0, c1):
    n, di = x.shape
    z_ch = n_pad // CB
    z_per_tile = (z_ch + NS - 1) // NS
    o_full = n // CB
    o_rem = n - o_full * CB
    o_per_tile = (o_full + NS - 1) // NS

    mesh = plsc.VectorSubcoreMesh(core_axis_name="c", subcore_axis_name="s")

    @functools.partial(
        pl.kernel,
        out_type=jax.ShapeDtypeStruct((NC, n, di), jnp.float32),
        mesh=mesh,
        scratch_types=[
            pltpu.VMEM((NI, CB), jnp.int32),
            pltpu.VMEM((NI, CB), jnp.int32),
            pltpu.VMEM((NB, CB, di), jnp.float32),
            pltpu.SemaphoreType.DMA,
            pltpu.SemaphoreType.DMA,
            pltpu.SemaphoreType.DMA,
            pltpu.SemaphoreType.DMA,
            pltpu.SemaphoreType.DMA,
            pltpu.SemaphoreType.DMA,
            pltpu.SemaphoreType.DMA,
            pltpu.SemaphoreType.DMA,
            pltpu.SemaphoreType.DMA,
            pltpu.SemaphoreType.DMA,
            pltpu.SemaphoreType.DMA,
            pltpu.SemaphoreType.DMA,
            pltpu.VMEM_SHARED((n_pad, di), jnp.float32),
        ],
    )
    def agg_kernel(src_hbm, dst_hbm, x_hbm, out_hbm, sidx_v, didx_v, rows_v,
                   g0, g1, g2, g3, s0, s1, s2, s3, i0, i1, i2, i3, acc_sh):
        cid = lax.axis_index("c")
        sid = lax.axis_index("s")
        gsems = (g0, g1, g2, g3)
        ssems = (s0, s1, s2, s3)
        isems = (i0, i1)
        jsems = (i2, i3)

        cnt = lax.select(cid == 0, jnp.int32(c0), jnp.int32(c1))
        base = cid * (NS * c0) + sid * cnt

        def fill_zero(i, _):
            rows_v[0, i // 8, pl.ds((i % 8) * 16, 16)] = jnp.zeros(
                (16,), jnp.float32)
            return 0
        lax.fori_loop(0, CB * (di // 16), fill_zero, 0)

        def zero_chunk(t, _):
            j = sid + NS * t

            @pl.when(j < z_ch)
            def _():
                pltpu.sync_copy(rows_v.at[0], acc_sh.at[pl.ds(j * CB, CB)])
            return 0
        lax.fori_loop(0, z_per_tile, zero_chunk, 0)
        plsc.subcore_barrier()

        def idx_load(j, p):
            pltpu.async_copy(src_hbm.at[base + j], sidx_v.at[j % NI],
                             isems[p])
            pltpu.async_copy(dst_hbm.at[base + j], didx_v.at[j % NI],
                             jsems[p])

        def wait_idx(p):
            pltpu.make_async_copy(src_hbm.at[0], sidx_v.at[0],
                                  isems[p]).wait()
            pltpu.make_async_copy(dst_hbm.at[0], didx_v.at[0],
                                  jsems[p]).wait()

        def gather(q, b):
            pltpu.async_copy(x_hbm.at[sidx_v.at[q]], rows_v.at[b],
                             gsems[b])

        def wait_gather(b):
            pltpu.make_async_copy(x_hbm.at[pl.ds(0, CB)], rows_v.at[b],
                                  gsems[b]).wait()

        def scatter(q, b):
            pltpu.async_copy(rows_v.at[b], acc_sh.at[didx_v.at[q]],
                             ssems[b], add=True)

        def wait_scatter(b):
            pltpu.make_async_copy(rows_v.at[b], acc_sh.at[pl.ds(0, CB)],
                                  ssems[b]).wait()

        for j in range(NI):
            idx_load(jnp.int32(j), j % 2)
        for b in range(NB):
            wait_idx(b % 2)
            gather(jnp.int32(b), b)

        def edge_group(t, _):
            a = NB * t
            for b in range(NB):
                j = a + b
                wait_gather(b)
                scatter(j % NI, b)
            for b in range(NB):
                j = a + b
                wait_scatter(b)

                @pl.when(j + NI < cnt)
                def _():
                    idx_load(j + NI, b % 2)

                @pl.when(j + NB < cnt)
                def _():
                    wait_idx(b % 2)
                    gather((j + NB) % NI, b)
            return 0
        lax.fori_loop(0, cnt // NB, edge_group, 0)
        plsc.subcore_barrier()

        def out_chunk(t, _):
            j = sid + NS * t

            @pl.when(j < o_full)
            def _():
                pltpu.sync_copy(acc_sh.at[pl.ds(j * CB, CB)],
                                out_hbm.at[cid].at[pl.ds(j * CB, CB)])
            return 0
        lax.fori_loop(0, o_per_tile, out_chunk, 0)

        if o_rem:
            @pl.when(sid == 0)
            def _():
                pltpu.sync_copy(acc_sh.at[pl.ds(o_full * CB, o_rem)],
                                out_hbm.at[cid].at[pl.ds(o_full * CB, o_rem)])

    return agg_kernel(src_r, dst_r, x)


def _mlp_body(x_ref, agg_ref, eps_ref, w1_ref, b1_ref, g1_ref, be1_ref,
              w2_ref, b2_ref, g2_ref, be2_ref, o_ref):
    h = x_ref[...] + eps_ref[...] * x_ref[...] + agg_ref[0] + agg_ref[1]
    h = jnp.dot(h, w1_ref[...], preferred_element_type=jnp.float32) + b1_ref[...]
    mu = jnp.mean(h, axis=0, keepdims=True)
    var = jnp.mean((h - mu) * (h - mu), axis=0, keepdims=True)
    h = g1_ref[...] * (h - mu) * lax.rsqrt(var + 1e-5) + be1_ref[...]
    h = jnp.maximum(h, 0.0)
    h = jnp.dot(h, w2_ref[...], preferred_element_type=jnp.float32) + b2_ref[...]
    mu2 = jnp.mean(h, axis=0, keepdims=True)
    var2 = jnp.mean((h - mu2) * (h - mu2), axis=0, keepdims=True)
    h = g2_ref[...] * (h - mu2) * lax.rsqrt(var2 + 1e-5) + be2_ref[...]
    o_ref[...] = jnp.maximum(h, 0.0)


def kernel(x, edge_index, eps, W1, b1, gamma1, beta1, W2, b2, gamma2, beta2):
    n, di = x.shape
    e = edge_index.shape[1]

    c0, c1 = _chunk_split(e)
    t_pad = NS * (c0 + c1)
    e_pad = t_pad * CB
    n_pad = -(-(n + 1) // CB) * CB
    dst = edge_index[0].astype(jnp.int32)
    src = edge_index[1].astype(jnp.int32)
    pad = e_pad - e
    if pad:
        trash = n + jnp.arange(pad, dtype=jnp.int32) % jnp.int32(n_pad - n)
        src = jnp.concatenate([src, jnp.zeros((pad,), jnp.int32)])
        dst = jnp.concatenate([dst, trash])
    agg = _sc_aggregate(x, src.reshape(t_pad, CB), dst.reshape(t_pad, CB),
                        n_pad, c0, c1)

    out = pl.pallas_call(
        _mlp_body,
        out_shape=jax.ShapeDtypeStruct((n, di), jnp.float32),
    )(x, agg, eps.reshape(1, 1), W1, b1.reshape(1, di),
      gamma1.reshape(1, di), beta1.reshape(1, di), W2, b2.reshape(1, di),
      gamma2.reshape(1, di), beta2.reshape(1, di))
    return out

# --- scband reference (transcript-rebuilt; emitter-appended) ---
"""Pipeline reference for scband-ginlayer-1769526526270 (READ-ONLY COPY).

The authoritative reference and input builder live on the scoring server;
editing this copy changes nothing except your own understanding.
"""

import jax, jax.numpy as jnp
import numpy as np

N = 10000
E = 320000
DI = 128
DO = 128


def setup_inputs(seed: int = 0) -> dict:
    key = jax.random.key(seed)
    k = jax.random.split(key, 8)
    x = jax.random.normal(k[0], (N, DI), dtype=jnp.float32)
    edge_index = jax.random.randint(k[1], (2, E), 0, N, dtype=jnp.int64)
    eps = jnp.zeros((1,), dtype=jnp.float32)
    W1 = jax.random.normal(k[2], (DI, DO), dtype=jnp.float32) * 0.05
    b1 = jnp.zeros((DO,), dtype=jnp.float32)
    gamma1 = jnp.ones((DO,), dtype=jnp.float32)
    beta1 = jnp.zeros((DO,), dtype=jnp.float32)
    W2 = jax.random.normal(k[3], (DO, DO), dtype=jnp.float32) * 0.05
    b2 = jnp.zeros((DO,), dtype=jnp.float32)
    gamma2 = jnp.ones((DO,), dtype=jnp.float32)
    beta2 = jnp.zeros((DO,), dtype=jnp.float32)
    return {"x": x, "edge_index": edge_index, "eps": eps, "W1": W1, "b1": b1,
            "gamma1": gamma1, "beta1": beta1, "W2": W2, "b2": b2,
            "gamma2": gamma2, "beta2": beta2}


def _batchnorm(h, gamma, beta):
    # BatchNorm1d in training mode: biased batch statistics
    mu = jnp.mean(h, axis=0)
    var = jnp.var(h, axis=0)
    return gamma * (h - mu) / jnp.sqrt(var + 1e-5) + beta


def reference(x, edge_index, eps, W1, b1, gamma1, beta1, W2, b2, gamma2, beta2):
    # torch.sparse.mm(a, x): result[row] += x[col] for each nonzero (row, col)
    dst = edge_index[0]
    src = edge_index[1]
    agg = jnp.zeros_like(x).at[dst].add(x[src])
    h = (1.0 + eps[0]) * x + agg
    h = h @ W1 + b1
    h = _batchnorm(h, gamma1, beta1)
    h = jax.nn.relu(h)
    h = h @ W2 + b2
    h = _batchnorm(h, gamma2, beta2)
    h = jax.nn.relu(h)
    return h

if __name__ == "__main__":
    import jax
    _d = setup_inputs()
    print(jax.jit(kernel)(*tuple(_d.values())))

</pallas_src>

<mosaic_0001>
#map = affine_map<(d0, d1) -> (0, 0)>
#map1 = affine_map<(d0, d1) -> (0, 0, 0)>
module attributes {stable_mosaic.version = 14 : i64} {
  func.func @agg_kernel(%arg0: i32, %arg1: i32, %arg2: memref<5056x64xi32, #tpu.memory_space<hbm>>, %arg3: memref<5056x64xi32, #tpu.memory_space<hbm>>, %arg4: memref<10000x128xf32, #tpu.memory_space<hbm>>, %arg5: memref<2x10000x128xf32, #tpu.memory_space<hbm>>, %arg6: memref<8x64xi32, #tpu.memory_space<vmem>>, %arg7: memref<8x64xi32, #tpu.memory_space<vmem>>, %arg8: memref<4x64x128xf32, #tpu.memory_space<vmem>>, %arg9: memref<!tpu.dma_semaphore, #tpu.memory_space<semaphore_mem>>, %arg10: memref<!tpu.dma_semaphore, #tpu.memory_space<semaphore_mem>>, %arg11: memref<!tpu.dma_semaphore, #tpu.memory_space<semaphore_mem>>, %arg12: memref<!tpu.dma_semaphore, #tpu.memory_space<semaphore_mem>>, %arg13: memref<!tpu.dma_semaphore, #tpu.memory_space<semaphore_mem>>, %arg14: memref<!tpu.dma_semaphore, #tpu.memory_space<semaphore_mem>>, %arg15: memref<!tpu.dma_semaphore, #tpu.memory_space<semaphore_mem>>, %arg16: memref<!tpu.dma_semaphore, #tpu.memory_space<semaphore_mem>>, %arg17: memref<!tpu.dma_semaphore, #tpu.memory_space<semaphore_mem>>, %arg18: memref<!tpu.dma_semaphore, #tpu.memory_space<semaphore_mem>>, %arg19: memref<!tpu.dma_semaphore, #tpu.memory_space<semaphore_mem>>, %arg20: memref<!tpu.dma_semaphore, #tpu.memory_space<semaphore_mem>>, %arg21: memref<10048x128xf32, #tpu.memory_space<vmem_shared>>) attributes {dimension_semantics = [#tpu.dimension_semantics<core_parallel>, #tpu.dimension_semantics<subcore_parallel>], iteration_bounds = array<i64: 2, 16>, scalar_prefetch = 0 : i64, scratch_operands = 16 : i64, tpu.core_type = #tpu.core_type<sc_vector_subcore>, window_params = [{transform_indices = #map}, {transform_indices = #map}, {transform_indices = #map}, {transform_indices = #map1}]} {
    %eq3A = arith.constant 0 : i32
    %eq3A_0 = arith.cmpi eq, %arg0, %eq3A : i32
    %select_n3A = arith.constant 64 : i32
    %select_n3A_1 = arith.constant 252 : i32
    %select_n3A_2 = arith.select %eq3A_0, %select_n3A_1, %select_n3A : i32
    %mul3A = arith.constant 4032 : i32
    %mul3A_3 = arith.muli %arg0, %mul3A : i32
    %mul3A_4 = arith.muli %arg1, %select_n3A_2 : i32
    %add3A = arith.addi %mul3A_3, %mul3A_4 : i32
    %scan3A = arith.constant 0 : i32
    %scan3A_5 = arith.constant 0 : i32
    %scan3A_6 = arith.constant 512 : i32
    %scan3A_7 = arith.addi %scan3A_5, %scan3A_6 : i32
    %scan3A_8 = arith.constant 1 : i32
    %scan3A_9 = scf.for %scan3A_710 = %scan3A_5 to %scan3A_7 step %scan3A_8 iter_args(%scan3A_711 = %scan3A) -> (i32)  : i32 {
      %broadcast_in_dim3A = arith.constant 0.000000e+00 : f32
      %broadcast_in_dim3A_712 = vector.broadcast %broadcast_in_dim3A : f32 to vector<16xf32>
      %jit3A_713 = arith.constant 8 : i32
      %div3A_714 = arith.divsi %scan3A_710, %jit3A_713 : i32
      %sign3A_715 = arith.constant 0 : i32
      %sign3A_716 = arith.cmpi sgt, %scan3A_710, %sign3A_715 : i32
      %sign3A_717 = arith.extui %sign3A_716 : i1 to i32
      %sign3A_718 = arith.constant 0 : i32
      %sign3A_719 = arith.cmpi slt, %scan3A_710, %sign3A_718 : i32
      %sign3A_720 = arith.extui %sign3A_719 : i1 to i32
      %sign3A_721 = arith.subi %sign3A_717, %sign3A_720 : i32
      %sign3A_722 = arith.constant 0 : i32
      %sign3A_723 = arith.cmpi sgt, %jit3A_713, %sign3A_722 : i32
      %sign3A_724 = arith.extui %sign3A_723 : i1 to i32
      %sign3A_725 = arith.constant 0 : i32
      %sign3A_726 = arith.cmpi slt, %jit3A_713, %sign3A_725 : i32
      %sign3A_727 = arith.extui %sign3A_726 : i1 to i32
      %sign3A_728 = arith.subi %sign3A_724, %sign3A_727 : i32
      %ne3A_729 = arith.cmpi ne, %sign3A_721, %sign3A_728 : i32
      %rem3A_730 = arith.remsi %scan3A_710, %jit3A_713 : i32
      %ne3A_731 = arith.constant 0 : i32
      %ne3A_732 = arith.cmpi ne, %rem3A_730, %ne3A_731 : i32
      %and3A_733 = arith.andi %ne3A_729, %ne3A_732 : i1
      %sub3A_734 = arith.constant 1 : i32
      %sub3A_735 = arith.subi %div3A_714, %sub3A_734 : i32
      %select_n3A_736 = arith.select %and3A_733, %sub3A_735, %div3A_714 : i32
      %jit3A_737 = arith.constant 8 : i32
      %eq3A_738 = arith.constant 0 : i32
      %eq3A_739 = arith.cmpi eq, %jit3A_737, %eq3A_738 : i32
      %jit3A_740 = arith.constant 1 : i32
      %select_n3A_741 = arith.select %eq3A_739, %jit3A_740, %jit3A_737 : i32
      %rem3A_742 = arith.remsi %scan3A_710, %select_n3A_741 : i32
      %ne3A_743 = arith.constant 0 : i32
      %ne3A_744 = arith.cmpi ne, %rem3A_742, %ne3A_743 : i32
      %lt3A_745 = arith.constant 0 : i32
      %lt3A_746 = arith.cmpi slt, %rem3A_742, %lt3A_745 : i32
      %lt3A_747 = arith.constant 0 : i32
      %lt3A_748 = arith.cmpi slt, %select_n3A_741, %lt3A_747 : i32
      %ne3A_749 = arith.xori %lt3A_746, %lt3A_748 : i1
      %and3A_750 = arith.andi %ne3A_749, %ne3A_744 : i1
      %add3A_751 = arith.addi %rem3A_742, %select_n3A_741 : i32
      %select_n3A_752 = arith.select %and3A_750, %add3A_751, %rem3A_742 : i32
      %mul3A_753 = arith.constant 16 : i32
      %mul3A_754 = arith.muli %select_n3A_752, %mul3A_753 : i32
      %swap3A = arith.constant 0 : i32
      %swap3A_755 = arith.index_cast %swap3A : i32 to index
      %swap3A_756 = arith.index_cast %select_n3A_736 : i32 to index
      %swap3A_757 = arith.index_cast %mul3A_754 : i32 to index
      %swap3A_758 = tpu.vector_load %arg8[%swap3A_755, %swap3A_756, %swap3A_757] {strides = array<i32>} : memref<4x64x128xf32, #tpu.memory_space<vmem>>, vector<1x1x16xf32>,
      %swap3A_759 = vector.shape_cast %swap3A_758 : vector<1x1x16xf32> to vector<16xf32>
      %swap3A_760 = vector.shape_cast %broadcast_in_dim3A_712 : vector<16xf32> to vector<1x1x16xf32>
      tpu.vector_store %arg8[%swap3A_755, %swap3A_756, %swap3A_757], %swap3A_760 {strides = array<i32>} : memref<4x64x128xf32, #tpu.memory_space<vmem>>, vector<1x1x16xf32>,
      %scan3A_761 = arith.constant 0 : i32
      scf.yield %scan3A_761 : i32
    }
    %scan3A_10 = arith.constant 512 : i32
    %scan3A_11 = arith.constant 0 : i32
    %scan3A_12 = arith.constant 0 : i32
    %scan3A_13 = arith.constant 10 : i32
    %scan3A_14 = arith.addi %scan3A_12, %scan3A_13 : i32
    %scan3A_15 = arith.constant 1 : i32
    %scan3A_16 = scf.for %scan3A_710 = %scan3A_12 to %scan3A_14 step %scan3A_15 iter_args(%scan3A_711 = %scan3A_11) -> (i32)  : i32 {
      %mul3A_712 = arith.constant 16 : i32
      %mul3A_713 = arith.muli %mul3A_712, %scan3A_710 : i32
      %add3A_714 = arith.addi %arg1, %mul3A_713 : i32
      %lt3A_715 = arith.constant 157 : i32
      %lt3A_716 = arith.cmpi slt, %add3A_714, %lt3A_715 : i32
      %convert_element_type3A_717 = arith.extui %lt3A_716 : i1 to i32
      %cond3A_718 = arith.constant 0 : i32
      %cond3A_719 = arith.cmpi ne, %convert_element_type3A_717, %cond3A_718 : i32
      scf.if %cond3A_719 {
        %mul3A_721 = arith.constant 64 : i32
        %mul3A_722 = arith.muli %add3A_714, %mul3A_721 : i32
        %run_scoped3A = arith.constant 0 : i32
        "tpu.region"() ({
          %run_scoped3A_723 = tpu.sem_alloc : memref<!tpu.dma_semaphore, #tpu.memory_space<semaphore_mem>>
          %dma_start3A_724 = arith.constant 0 : i32
          %dma_start3A_725 = arith.constant 0 : i32
          %dma_start3A_726 = tpu.memref_slice %arg8[%run_scoped3A, %dma_start3A_724, %dma_start3A_725] : memref<4x64x128xf32, #tpu.memory_space<vmem>> -> memref<1x64x128xf32, #tpu.memory_space<vmem>>
          %dma_start3A_727 = tpu.memref_squeeze %dma_start3A_726 : memref<1x64x128xf32, #tpu.memory_space<vmem>> -> memref<64x128xf32, #tpu.memory_space<vmem>>
          %dma_start3A_728 = arith.constant 0 : i32
          %dma_start3A_729 = tpu.memref_slice %arg21[%mul3A_722, %dma_start3A_728] : memref<10048x128xf32, #tpu.memory_space<vmem_shared>> -> memref<64x128xf32, #tpu.memory_space<vmem_shared>>
          %dma_start3A_730 = arith.constant 0 : i32
          %dma_start3A_731 = tpu.memref_slice %arg21[%mul3A_722, %dma_start3A_730] : memref<10048x128xf32, #tpu.memory_space<vmem_shared>> -> memref<64x128xf32, #tpu.memory_space<vmem_shared>>
          %dma_start3A_732 = arith.constant 0 : i32
          %dma_start3A_733 = arith.constant 0 : i32
          %dma_start3A_734 = tpu.memref_slice %arg8[%run_scoped3A, %dma_start3A_732, %dma_start3A_733] : memref<4x64x128xf32, #tpu.memory_space<vmem>> -> memref<1x64x128xf32, #tpu.memory_space<vmem>>
          %dma_start3A_735 = tpu.memref_squeeze %dma_start3A_734 : memref<1x64x128xf32, #tpu.memory_space<vmem>> -> memref<64x128xf32, #tpu.memory_space<vmem>>
          tpu.enqueue_dma source(%dma_start3A_735 : memref<64x128xf32, #tpu.memory_space<vmem>>) target(%dma_start3A_731 : memref<64x128xf32, #tpu.memory_space<vmem_shared>>) target_semaphore(%run_scoped3A_723 : memref<!tpu.dma_semaphore, #tpu.memory_space<semaphore_mem>>)
          %dma_wait3A_736 = arith.constant 0 : i32
          %dma_wait3A_737 = arith.constant 0 : i32
          %dma_wait3A_738 = tpu.memref_slice %arg8[%run_scoped3A, %dma_wait3A_736, %dma_wait3A_737] : memref<4x64x128xf32, #tpu.memory_space<vmem>> -> memref<1x64x128xf32, #tpu.memory_space<vmem>>
          %dma_wait3A_739 = tpu.memref_squeeze %dma_wait3A_738 : memref<1x64x128xf32, #tpu.memory_space<vmem>> -> memref<64x128xf32, #tpu.memory_space<vmem>>
          %dma_wait3A_740 = arith.constant 0 : i32
          %dma_wait3A_741 = tpu.memref_slice %arg21[%mul3A_722, %dma_wait3A_740] : memref<10048x128xf32, #tpu.memory_space<vmem_shared>> -> memref<64x128xf32, #tpu.memory_space<vmem_shared>>
          %dma_wait3A_742 = arith.constant 0 : i32
          %dma_wait3A_743 = tpu.memref_slice %arg21[%mul3A_722, %dma_wait3A_742] : memref<10048x128xf32, #tpu.memory_space<vmem_shared>> -> memref<64x128xf32, #tpu.memory_space<vmem_shared>>
          %dma_wait3A_744 = arith.constant 0 : i32
          %dma_wait3A_745 = arith.constant 0 : i32
          %dma_wait3A_746 = tpu.memref_slice %arg8[%run_scoped3A, %dma_wait3A_744, %dma_wait3A_745] : memref<4x64x128xf32, #tpu.memory_space<vmem>> -> memref<1x64x128xf32, #tpu.memory_space<vmem>>
          %dma_wait3A_747 = tpu.memref_squeeze %dma_wait3A_746 : memref<1x64x128xf32, #tpu.memory_space<vmem>> -> memref<64x128xf32, #tpu.memory_space<vmem>>
          tpu.wait_dma2 semaphore(%run_scoped3A_723 : memref<!tpu.dma_semaphore, #tpu.memory_space<semaphore_mem>>) src(%dma_wait3A_747 : memref<64x128xf32, #tpu.memory_space<vmem>>) dst(%dma_wait3A_743 : memref<64x128xf32, #tpu.memory_space<vmem_shared>>)
          tpu.yield
        }) : () -> ()
      } else {
      }
      %scan3A_720 = arith.constant 0 : i32
      scf.yield %scan3A_720 : i32
    }
    %scan3A_17 = arith.constant 10 : i32
    %barrier3A = arith.constant 0 : index
    tpu.barrier barrier_id(%barrier3A)
    %add3A_18 = arith.constant 0 : i32
    %add3A_19 = arith.addi %add3A, %add3A_18 : i32
    %jit3A = arith.constant 0 : i32
    %jit3A_20 = arith.constant 8 : i32
    %eq3A_21 = arith.constant 0 : i32
    %eq3A_22 = arith.cmpi eq, %jit3A_20, %eq3A_21 : i32
    %jit3A_23 = arith.constant 1 : i32
    %select_n3A_24 = arith.select %eq3A_22, %jit3A_23, %jit3A_20 : i32
    %rem3A = arith.remsi %jit3A, %select_n3A_24 : i32
    %ne3A = arith.constant 0 : i32
    %ne3A_25 = arith.cmpi ne, %rem3A, %ne3A : i32
    %lt3A = arith.constant 0 : i32
    %lt3A_26 = arith.cmpi slt, %rem3A, %lt3A : i32
    %lt3A_27 = arith.constant 0 : i32
    %lt3A_28 = arith.cmpi slt, %select_n3A_24, %lt3A_27 : i32
    %ne3A_29 = arith.xori %lt3A_26, %lt3A_28 : i1
    %and3A = arith.andi %ne3A_29, %ne3A_25 : i1
    %add3A_30 = arith.addi %rem3A, %select_n3A_24 : i32
    %select_n3A_31 = arith.select %and3A, %add3A_30, %rem3A : i32
    %dma_start3A = arith.constant 0 : i32
    %dma_start3A_32 = tpu.memref_slice %arg6[%select_n3A_31, %dma_start3A] : memref<8x64xi32, #tpu.memory_space<vmem>> -> memref<1x64xi32, #tpu.memory_space<vmem>>
    %dma_start3A_33 = tpu.memref_squeeze %dma_start3A_32 : memref<1x64xi32, #tpu.memory_space<vmem>> -> memref<64xi32, #tpu.memory_space<vmem>>
    %dma_start3A_34 = arith.constant 0 : i32
    %dma_start3A_35 = tpu.memref_slice %arg2[%add3A_19, %dma_start3A_34] : memref<5056x64xi32, #tpu.memory_space<hbm>> -> memref<1x64xi32, #tpu.memory_space<hbm>>
    %dma_start3A_36 = tpu.memref_squeeze %dma_start3A_35 : memref<1x64xi32, #tpu.memory_space<hbm>> -> memref<64xi32, #tpu.memory_space<hbm>>
    %dma_start3A_37 = arith.constant 0 : i32
    %dma_start3A_38 = tpu.memref_slice %arg6[%select_n3A_31, %dma_start3A_37] : memref<8x64xi32, #tpu.memory_space<vmem>> -> memref<1x64xi32, #tpu.memory_space<vmem>>
    %dma_start3A_39 = tpu.memref_squeeze %dma_start3A_38 : memref<1x64xi32, #tpu.memory_space<vmem>> -> memref<64xi32, #tpu.memory_space<vmem>>
    %dma_start3A_40 = arith.constant 0 : i32
    %dma_start3A_41 = tpu.memref_slice %arg2[%add3A_19, %dma_start3A_40] : memref<5056x64xi32, #tpu.memory_space<hbm>> -> memref<1x64xi32, #tpu.memory_space<hbm>>
    %dma_start3A_42 = tpu.memref_squeeze %dma_start3A_41 : memref<1x64xi32, #tpu.memory_space<hbm>> -> memref<64xi32, #tpu.memory_space<hbm>>
    tpu.enqueue_dma source(%dma_start3A_42 : memref<64xi32, #tpu.memory_space<hbm>>) target(%dma_start3A_39 : memref<64xi32, #tpu.memory_space<vmem>>) target_semaphore(%arg17 : memref<!tpu.dma_semaphore, #tpu.memory_space<semaphore_mem>>)
    %add3A_43 = arith.constant 0 : i32
    %add3A_44 = arith.addi %add3A, %add3A_43 : i32
    %jit3A_45 = arith.constant 0 : i32
    %jit3A_46 = arith.constant 8 : i32
    %eq3A_47 = arith.constant 0 : i32
    %eq3A_48 = arith.cmpi eq, %jit3A_46, %eq3A_47 : i32
    %jit3A_49 = arith.constant 1 : i32
    %select_n3A_50 = arith.select %eq3A_48, %jit3A_49, %jit3A_46 : i32
    %rem3A_51 = arith.remsi %jit3A_45, %select_n3A_50 : i32
    %ne3A_52 = arith.constant 0 : i32
    %ne3A_53 = arith.cmpi ne, %rem3A_51, %ne3A_52 : i32
    %lt3A_54 = arith.constant 0 : i32
    %lt3A_55 = arith.cmpi slt, %rem3A_51, %lt3A_54 : i32
    %lt3A_56 = arith.constant 0 : i32
    %lt3A_57 = arith.cmpi slt, %select_n3A_50, %lt3A_56 : i32
    %ne3A_58 = arith.xori %lt3A_55, %lt3A_57 : i1
    %and3A_59 = arith.andi %ne3A_58, %ne3A_53 : i1
    %add3A_60 = arith.addi %rem3A_51, %select_n3A_50 : i32
    %select_n3A_61 = arith.select %and3A_59, %add3A_60, %rem3A_51 : i32
    %dma_start3A_62 = arith.constant 0 : i32
    %dma_start3A_63 = tpu.memref_slice %arg7[%select_n3A_61, %dma_start3A_62] : memref<8x64xi32, #tpu.memory_space<vmem>> -> memref<1x64xi32, #tpu.memory_space<vmem>>
    %dma_start3A_64 = tpu.memref_squeeze %dma_start3A_63 : memref<1x64xi32, #tpu.memory_space<vmem>> -> memref<64xi32, #tpu.memory_space<vmem>>
    %dma_start3A_65 = arith.constant 0 : i32
    %dma_start3A_66 = tpu.memref_slice %arg3[%add3A_44, %dma_start3A_65] : memref<5056x64xi32, #tpu.memory_space<hbm>> -> memref<1x64xi32, #tpu.memory_space<hbm>>
    %dma_start3A_67 = tpu.memref_squeeze %dma_start3A_66 : memref<1x64xi32, #tpu.memory_space<hbm>> -> memref<64xi32, #tpu.memory_space<hbm>>
    %dma_start3A_68 = arith.constant 0 : i32
    %dma_start3A_69 = tpu.memref_slice %arg7[%select_n3A_61, %dma_start3A_68] : memref<8x64xi32, #tpu.memory_space<vmem>> -> memref<1x64xi32, #tpu.memory_space<vmem>>
    %dma_start3A_70 = tpu.memref_squeeze %dma_start3A_69 : memref<1x64xi32, #tpu.memory_space<vmem>> -> memref<64xi32, #tpu.memory_space<vmem>>
    %dma_start3A_71 = arith.constant 0 : i32
    %dma_start3A_72 = tpu.memref_slice %arg3[%add3A_44, %dma_start3A_71] : memref<5056x64xi32, #tpu.memory_space<hbm>> -> memref<1x64xi32, #tpu.memory_space<hbm>>
    %dma_start3A_73 = tpu.memref_squeeze %dma_start3A_72 : memref<1x64xi32, #tpu.memory_space<hbm>> -> memref<64xi32, #tpu.memory_space<hbm>>
    tpu.enqueue_dma source(%dma_start3A_73 : memref<64xi32, #tpu.memory_space<hbm>>) target(%dma_start3A_70 : memref<64xi32, #tpu.memory_space<vmem>>) target_semaphore(%arg19 : memref<!tpu.dma_semaphore, #tpu.memory_space<semaphore_mem>>)
    %add3A_74 = arith.constant 1 : i32
    %add3A_75 = arith.addi %add3A, %add3A_74 : i32
    %jit3A_76 = arith.constant 1 : i32
    %jit3A_77 = arith.constant 8 : i32
    %eq3A_78 = arith.constant 0 : i32
    %eq3A_79 = arith.cmpi eq, %jit3A_77, %eq3A_78 : i32
    %jit3A_80 = arith.constant 1 : i32
    %select_n3A_81 = arith.select %eq3A_79, %jit3A_80, %jit3A_77 : i32
    %rem3A_82 = arith.remsi %jit3A_76, %select_n3A_81 : i32
    %ne3A_83 = arith.constant 0 : i32
    %ne3A_84 = arith.cmpi ne, %rem3A_82, %ne3A_83 : i32
    %lt3A_85 = arith.constant 0 : i32
    %lt3A_86 = arith.cmpi slt, %rem3A_82, %lt3A_85 : i32
    %lt3A_87 = arith.constant 0 : i32
    %lt3A_88 = arith.cmpi slt, %select_n3A_81, %lt3A_87 : i32
    %ne3A_89 = arith.xori %lt3A_86, %lt3A_88 : i1
    %and3A_90 = arith.andi %ne3A_89, %ne3A_84 : i1
    %add3A_91 = arith.addi %rem3A_82, %select_n3A_81 : i32
    %select_n3A_92 = arith.select %and3A_90, %add3A_91, %rem3A_82 : i32
    %dma_start3A_93 = arith.constant 0 : i32
    %dma_start3A_94 = tpu.memref_slice %arg6[%select_n3A_92, %dma_start3A_93] : memref<8x64xi32, #tpu.memory_space<vmem>> -> memref<1x64xi32, #tpu.memory_space<vmem>>
    %dma_start3A_95 = tpu.memref_squeeze %dma_start3A_94 : memref<1x64xi32, #tpu.memory_space<vmem>> -> memref<64xi32, #tpu.memory_space<vmem>>
    %dma_start3A_96 = arith.constant 0 : i32
    %dma_start3A_97 = tpu.memref_slice %arg2[%add3A_75, %dma_start3A_96] : memref<5056x64xi32, #tpu.memory_space<hbm>> -> memref<1x64xi32, #tpu.memory_space<hbm>>
    %dma_start3A_98 = tpu.memref_squeeze %dma_start3A_97 : memref<1x64xi32, #tpu.memory_space<hbm>> -> memref<64xi32, #tpu.memory_space<hbm>>
    %dma_start3A_99 = arith.constant 0 : i32
    %dma_start3A_100 = tpu.memref_slice %arg6[%select_n3A_92, %dma_start3A_99] : memref<8x64xi32, #tpu.memory_space<vmem>> -> memref<1x64xi32, #tpu.memory_space<vmem>>
    %dma_start3A_101 = tpu.memref_squeeze %dma_start3A_100 : memref<1x64xi32, #tpu.memory_space<vmem>> -> memref<64xi32, #tpu.memory_space<vmem>>
    %dma_start3A_102 = arith.constant 0 : i32
    %dma_start3A_103 = tpu.memref_slice %arg2[%add3A_75, %dma_start3A_102] : memref<5056x64xi32, #tpu.memory_space<hbm>> -> memref<1x64xi32, #tpu.memory_space<hbm>>
    %dma_start3A_104 = tpu.memref_squeeze %dma_start3A_103 : memref<1x64xi32, #tpu.memory_space<hbm>> -> memref<64xi32, #tpu.memory_space<hbm>>
    tpu.enqueue_dma source(%dma_start3A_104 : memref<64xi32, #tpu.memory_space<hbm>>) target(%dma_start3A_101 : memref<64xi32, #tpu.memory_space<vmem>>) target_semaphore(%arg18 : memref<!tpu.dma_semaphore, #tpu.memory_space<semaphore_mem>>)
    %add3A_105 = arith.constant 1 : i32
    %add3A_106 = arith.addi %add3A, %add3A_105 : i32
    %jit3A_107 = arith.constant 1 : i32
    %jit3A_108 = arith.constant 8 : i32
    %eq3A_109 = arith.constant 0 : i32
    %eq3A_110 = arith.cmpi eq, %jit3A_108, %eq3A_109 : i32
    %jit3A_111 = arith.constant 1 : i32
    %select_n3A_112 = arith.select %eq3A_110, %jit3A_111, %jit3A_108 : i32
    %rem3A_113 = arith.remsi %jit3A_107, %select_n3A_112 : i32
    %ne3A_114 = arith.constant 0 : i32
    %ne3A_115 = arith.cmpi ne, %rem3A_113, %ne3A_114 : i32
    %lt3A_116 = arith.constant 0 : i32
    %lt3A_117 = arith.cmpi slt, %rem3A_113, %lt3A_116 : i32
    %lt3A_118 = arith.constant 0 : i32
    %lt3A_119 = arith.cmpi slt, %select_n3A_112, %lt3A_118 : i32
    %ne3A_120 = arith.xori %lt3A_117, %lt3A_119 : i1
    %and3A_121 = arith.andi %ne3A_120, %ne3A_115 : i1
    %add3A_122 = arith.addi %rem3A_113, %select_n3A_112 : i32
    %select_n3A_123 = arith.select %and3A_121, %add3A_122, %rem3A_113 : i32
    %dma_start3A_124 = arith.constant 0 : i32
    %dma_start3A_125 = tpu.memref_slice %arg7[%select_n3A_123, %dma_start3A_124] : memref<8x64xi32, #tpu.memory_space<vmem>> -> memref<1x64xi32, #tpu.memory_space<vmem>>
    %dma_start3A_126 = tpu.memref_squeeze %dma_start3A_125 : memref<1x64xi32, #tpu.memory_space<vmem>> -> memref<64xi32, #tpu.memory_space<vmem>>
    %dma_start3A_127 = arith.constant 0 : i32
    %dma_start3A_128 = tpu.memref_slice %arg3[%add3A_106, %dma_start3A_127] : memref<5056x64xi32, #tpu.memory_space<hbm>> -> memref<1x64xi32, #tpu.memory_space<hbm>>
    %dma_start3A_129 = tpu.memref_squeeze %dma_start3A_128 : memref<1x64xi32, #tpu.memory_space<hbm>> -> memref<64xi32, #tpu.memory_space<hbm>>
    %dma_start3A_130 = arith.constant 0 : i32
    %dma_start3A_131 = tpu.memref_slice %arg7[%select_n3A_123, %dma_start3A_130] : memref<8x64xi32, #tpu.memory_space<vmem>> -> memref<1x64xi32, #tpu.memory_space<vmem>>
    %dma_start3A_132 = tpu.memref_squeeze %dma_start3A_131 : memref<1x64xi32, #tpu.memory_space<vmem>> -> memref<64xi32, #tpu.memory_space<vmem>>
    %dma_start3A_133 = arith.constant 0 : i32
    %dma_start3A_134 = tpu.memref_slice %arg3[%add3A_106, %dma_start3A_133] : memref<5056x64xi32, #tpu.memory_space<hbm>> -> memref<1x64xi32, #tpu.memory_space<hbm>>
    %dma_start3A_135 = tpu.memref_squeeze %dma_start3A_134 : memref<1x64xi32, #tpu.memory_space<hbm>> -> memref<64xi32, #tpu.memory_space<hbm>>
    tpu.enqueue_dma source(%dma_start3A_135 : memref<64xi32, #tpu.memory_space<hbm>>) target(%dma_start3A_132 : memref<64xi32, #tpu.memory_space<vmem>>) target_semaphore(%arg20 : memref<!tpu.dma_semaphore, #tpu.memory_space<semaphore_mem>>)
    %add3A_136 = arith.constant 2 : i32
    %add3A_137 = arith.addi %add3A, %add3A_136 : i32
    %jit3A_138 = arith.constant 2 : i32
    %jit3A_139 = arith.constant 8 : i32
    %eq3A_140 = arith.constant 0 : i32
    %eq3A_141 = arith.cmpi eq, %jit3A_139, %eq3A_140 : i32
    %jit3A_142 = arith.constant 1 : i32
    %select_n3A_143 = arith.select %eq3A_141, %jit3A_142, %jit3A_139 : i32
    %rem3A_144 = arith.remsi %jit3A_138, %select_n3A_143 : i32
    %ne3A_145 = arith.constant 0 : i32
    %ne3A_146 = arith.cmpi ne, %rem3A_144, %ne3A_145 : i32
    %lt3A_147 = arith.constant 0 : i32
    %lt3A_148 = arith.cmpi slt, %rem3A_144, %lt3A_147 : i32
    %lt3A_149 = arith.constant 0 : i32
    %lt3A_150 = arith.cmpi slt, %select_n3A_143, %lt3A_149 : i32
    %ne3A_151 = arith.xori %lt3A_148, %lt3A_150 : i1
    %and3A_152 = arith.andi %ne3A_151, %ne3A_146 : i1
    %add3A_153 = arith.addi %rem3A_144, %select_n3A_143 : i32
    %select_n3A_154 = arith.select %and3A_152, %add3A_153, %rem3A_144 : i32
    %dma_start3A_155 = arith.constant 0 : i32
    %dma_start3A_156 = tpu.memref_slice %arg6[%select_n3A_154, %dma_start3A_155] : memref<8x64xi32, #tpu.memory_space<vmem>> -> memref<1x64xi32, #tpu.memory_space<vmem>>
    %dma_start3A_157 = tpu.memref_squeeze %dma_start3A_156 : memref<1x64xi32, #tpu.memory_space<vmem>> -> memref<64xi32, #tpu.memory_space<vmem>>
    %dma_start3A_158 = arith.constant 0 : i32
    %dma_start3A_159 = tpu.memref_slice %arg2[%add3A_137, %dma_start3A_158] : memref<5056x64xi32, #tpu.memory_space<hbm>> -> memref<1x64xi32, #tpu.memory_space<hbm>>
    %dma_start3A_160 = tpu.memref_squeeze %dma_start3A_159 : memref<1x64xi32, #tpu.memory_space<hbm>> -> memref<64xi32, #tpu.memory_space<hbm>>
    %dma_start3A_161 = arith.constant 0 : i32
    %dma_start3A_162 = tpu.memref_slice %arg6[%select_n3A_154, %dma_start3A_161] : memref<8x64xi32, #tpu.memory_space<vmem>> -> memref<1x64xi32, #tpu.memory_space<vmem>>
    %dma_start3A_163 = tpu.memref_squeeze %dma_start3A_162 : memref<1x64xi32, #tpu.memory_space<vmem>> -> memref<64xi32, #tpu.memory_space<vmem>>
    %dma_start3A_164 = arith.constant 0 : i32
    %dma_start3A_165 = tpu.memref_slice %arg2[%add3A_137, %dma_start3A_164] : memref<5056x64xi32, #tpu.memory_space<hbm>> -> memref<1x64xi32, #tpu.memory_space<hbm>>
    %dma_start3A_166 = tpu.memref_squeeze %dma_start3A_165 : memref<1x64xi32, #tpu.memory_space<hbm>> -> memref<64xi32, #tpu.memory_space<hbm>>
    tpu.enqueue_dma source(%dma_start3A_166 : memref<64xi32, #tpu.memory_space<hbm>>) target(%dma_start3A_163 : memref<64xi32, #tpu.memory_space<vmem>>) target_semaphore(%arg17 : memref<!tpu.dma_semaphore, #tpu.memory_space<semaphore_mem>>)
    %add3A_167 = arith.constant 2 : i32
    %add3A_168 = arith.addi %add3A, %add3A_167 : i32
    %jit3A_169 = arith.constant 2 : i32
    %jit3A_170 = arith.constant 8 : i32
    %eq3A_171 = arith.constant 0 : i32
    %eq3A_172 = arith.cmpi eq, %jit3A_170, %eq3A_171 : i32
    %jit3A_173 = arith.constant 1 : i32
    %select_n3A_174 = arith.select %eq3A_172, %jit3A_173, %jit3A_170 : i32
    %rem3A_175 = arith.remsi %jit3A_169, %select_n3A_174 : i32
    %ne3A_176 = arith.constant 0 : i32
    %ne3A_177 = arith.cmpi ne, %rem3A_175, %ne3A_176 : i32
    %lt3A_178 = arith.constant 0 : i32
    %lt3A_179 = arith.cmpi slt, %rem3A_175, %lt3A_178 : i32
    %lt3A_180 = arith.constant 0 : i32
    %lt3A_181 = arith.cmpi slt, %select_n3A_174, %lt3A_180 : i32
    %ne3A_182 = arith.xori %lt3A_179, %lt3A_181 : i1
    %and3A_183 = arith.andi %ne3A_182, %ne3A_177 : i1
    %add3A_184 = arith.addi %rem3A_175, %select_n3A_174 : i32
    %select_n3A_185 = arith.select %and3A_183, %add3A_184, %rem3A_175 : i32
    %dma_start3A_186 = arith.constant 0 : i32
    %dma_start3A_187 = tpu.memref_slice %arg7[%select_n3A_185, %dma_start3A_186] : memref<8x64xi32, #tpu.memory_space<vmem>> -> memref<1x64xi32, #tpu.memory_space<vmem>>
    %dma_start3A_188 = tpu.memref_squeeze %dma_start3A_187 : memref<1x64xi32, #tpu.memory_space<vmem>> -> memref<64xi32, #tpu.memory_space<vmem>>
    %dma_start3A_189 = arith.constant 0 : i32
    %dma_start3A_190 = tpu.memref_slice %arg3[%add3A_168, %dma_start3A_189] : memref<5056x64xi32, #tpu.memory_space<hbm>> -> memref<1x64xi32, #tpu.memory_space<hbm>>
    %dma_start3A_191 = tpu.memref_squeeze %dma_start3A_190 : memref<1x64xi32, #tpu.memory_space<hbm>> -> memref<64xi32, #tpu.memory_space<hbm>>
    %dma_start3A_192 = arith.constant 0 : i32
    %dma_start3A_193 = tpu.memref_slice %arg7[%select_n3A_185, %dma_start3A_192] : memref<8x64xi32, #tpu.memory_space<vmem>> -> memref<1x64xi32, #tpu.memory_space<vmem>>
    %dma_start3A_194 = tpu.memref_squeeze %dma_start3A_193 : memref<1x64xi32, #tpu.memory_space<vmem>> -> memref<64xi32, #tpu.memory_space<vmem>>
    %dma_start3A_195 = arith.constant 0 : i32
    %dma_start3A_196 = tpu.memref_slice %arg3[%add3A_168, %dma_start3A_195] : memref<5056x64xi32, #tpu.memory_space<hbm>> -> memref<1x64xi32, #tpu.memory_space<hbm>>
    %dma_start3A_197 = tpu.memref_squeeze %dma_start3A_196 : memref<1x64xi32, #tpu.memory_space<hbm>> -> memref<64xi32, #tpu.memory_space<hbm>>
    tpu.enqueue_dma source(%dma_start3A_197 : memref<64xi32, #tpu.memory_space<hbm>>) target(%dma_start3A_194 : memref<64xi32, #tpu.memory_space<vmem>>) target_semaphore(%arg19 : memref<!tpu.dma_semaphore, #tpu.memory_space<semaphore_mem>>)
    %add3A_198 = arith.constant 3 : i32
    %add3A_199 = arith.addi %add3A, %add3A_198 : i32
    %jit3A_200 = arith.constant 3 : i32
    %jit3A_201 = arith.constant 8 : i32
    %eq3A_202 = arith.constant 0 : i32
    %eq3A_203 = arith.cmpi eq, %jit3A_201, %eq3A_202 : i32
    %jit3A_204 = arith.constant 1 : i32
    %select_n3A_205 = arith.select %eq3A_203, %jit3A_204, %jit3A_201 : i32
    %rem3A_206 = arith.remsi %jit3A_200, %select_n3A_205 : i32
    %ne3A_207 = arith.constant 0 : i32
    %ne3A_208 = arith.cmpi ne, %rem3A_206, %ne3A_207 : i32
    %lt3A_209 = arith.constant 0 : i32
    %lt3A_210 = arith.cmpi slt, %rem3A_206, %lt3A_209 : i32
    %lt3A_211 = arith.constant 0 : i32
    %lt3A_212 = arith.cmpi slt, %select_n3A_205, %lt3A_211 : i32
    %ne3A_213 = arith.xori %lt3A_210, %lt3A_212 : i1
    %and3A_214 = arith.andi %ne3A_213, %ne3A_208 : i1
    %add3A_215 = arith.addi %rem3A_206, %select_n3A_205 : i32
    %select_n3A_216 = arith.select %and3A_214, %add3A_215, %rem3A_206 : i32
    %dma_start3A_217 = arith.constant 0 : i32
    %dma_start3A_218 = tpu.memref_slice %arg6[%select_n3A_216, %dma_start3A_217] : memref<8x64xi32, #tpu.memory_space<vmem>> -> memref<1x64xi32, #tpu.memory_space<vmem>>
    %dma_start3A_219 = tpu.memref_squeeze %dma_start3A_218 : memref<1x64xi32, #tpu.memory_space<vmem>> -> memref<64xi32, #tpu.memory_space<vmem>>
    %dma_start3A_220 = arith.constant 0 : i32
    %dma_start3A_221 = tpu.memref_slice %arg2[%add3A_199, %dma_start3A_220] : memref<5056x64xi32, #tpu.memory_space<hbm>> -> memref<1x64xi32, #tpu.memory_space<hbm>>
    %dma_start3A_222 = tpu.memref_squeeze %dma_start3A_221 : memref<1x64xi32, #tpu.memory_space<hbm>> -> memref<64xi32, #tpu.memory_space<hbm>>
    %dma_start3A_223 = arith.constant 0 : i32
    %dma_start3A_224 = tpu.memref_slice %arg6[%select_n3A_216, %dma_start3A_223] : memref<8x64xi32, #tpu.memory_space<vmem>> -> memref<1x64xi32, #tpu.memory_space<vmem>>
    %dma_start3A_225 = tpu.memref_squeeze %dma_start3A_224 : memref<1x64xi32, #tpu.memory_space<vmem>> -> memref<64xi32, #tpu.memory_space<vmem>>
    %dma_start3A_226 = arith.constant 0 : i32
    %dma_start3A_227 = tpu.memref_slice %arg2[%add3A_199, %dma_start3A_226] : memref<5056x64xi32, #tpu.memory_space<hbm>> -> memref<1x64xi32, #tpu.memory_space<hbm>>
    %dma_start3A_228 = tpu.memref_squeeze %dma_start3A_227 : memref<1x64xi32, #tpu.memory_space<hbm>> -> memref<64xi32, #tpu.memory_space<hbm>>
    tpu.enqueue_dma source(%dma_start3A_228 : memref<64xi32, #tpu.memory_space<hbm>>) target(%dma_start3A_225 : memref<64xi32, #tpu.memory_space<vmem>>) target_semaphore(%arg18 : memref<!tpu.dma_semaphore, #tpu.memory_space<semaphore_mem>>)
    %add3A_229 = arith.constant 3 : i32
    %add3A_230 = arith.addi %add3A, %add3A_229 : i32
    %jit3A_231 = arith.constant 3 : i32
    %jit3A_232 = arith.constant 8 : i32
    %eq3A_233 = arith.constant 0 : i32
    %eq3A_234 = arith.cmpi eq, %jit3A_232, %eq3A_233 : i32
    %jit3A_235 = arith.constant 1 : i32
    %select_n3A_236 = arith.select %eq3A_234, %jit3A_235, %jit3A_232 : i32
    %rem3A_237 = arith.remsi %jit3A_231, %select_n3A_236 : i32
    %ne3A_238 = arith.constant 0 : i32
    %ne3A_239 = arith.cmpi ne, %rem3A_237, %ne3A_238 : i32
    %lt3A_240 = arith.constant 0 : i32
    %lt3A_241 = arith.cmpi slt, %rem3A_237, %lt3A_240 : i32
    %lt3A_242 = arith.constant 0 : i32
    %lt3A_243 = arith.cmpi slt, %select_n3A_236, %lt3A_242 : i32
    %ne3A_244 = arith.xori %lt3A_241, %lt3A_243 : i1
    %and3A_245 = arith.andi %ne3A_244, %ne3A_239 : i1
    %add3A_246 = arith.addi %rem3A_237, %select_n3A_236 : i32
    %select_n3A_247 = arith.select %and3A_245, %add3A_246, %rem3A_237 : i32
    %dma_start3A_248 = arith.constant 0 : i32
    %dma_start3A_249 = tpu.memref_slice %arg7[%select_n3A_247, %dma_start3A_248] : memref<8x64xi32, #tpu.memory_space<vmem>> -> memref<1x64xi32, #tpu.memory_space<vmem>>
    %dma_start3A_250 = tpu.memref_squeeze %dma_start3A_249 : memref<1x64xi32, #tpu.memory_space<vmem>> -> memref<64xi32, #tpu.memory_space<vmem>>
    %dma_start3A_251 = arith.constant 0 : i32
    %dma_start3A_252 = tpu.memref_slice %arg3[%add3A_230, %dma_start3A_251] : memref<5056x64xi32, #tpu.memory_space<hbm>> -> memref<1x64xi32, #tpu.memory_space<hbm>>
    %dma_start3A_253 = tpu.memref_squeeze %dma_start3A_252 : memref<1x64xi32, #tpu.memory_space<hbm>> -> memref<64xi32, #tpu.memory_space<hbm>>
    %dma_start3A_254 = arith.constant 0 : i32
    %dma_start3A_255 = tpu.memref_slice %arg7[%select_n3A_247, %dma_start3A_254] : memref<8x64xi32, #tpu.memory_space<vmem>> -> memref<1x64xi32, #tpu.memory_space<vmem>>
    %dma_start3A_256 = tpu.memref_squeeze %dma_start3A_255 : memref<1x64xi32, #tpu.memory_space<vmem>> -> memref<64xi32, #tpu.memory_space<vmem>>
    %dma_start3A_257 = arith.constant 0 : i32
    %dma_start3A_258 = tpu.memref_slice %arg3[%add3A_230, %dma_start3A_257] : memref<5056x64xi32, #tpu.memory_space<hbm>> -> memref<1x64xi32, #tpu.memory_space<hbm>>
    %dma_start3A_259 = tpu.memref_squeeze %dma_start3A_258 : memref<1x64xi32, #tpu.memory_space<hbm>> -> memref<64xi32, #tpu.memory_space<hbm>>
    tpu.enqueue_dma source(%dma_start3A_259 : memref<64xi32, #tpu.memory_space<hbm>>) target(%dma_start3A_256 : memref<64xi32, #tpu.memory_space<vmem>>) target_semaphore(%arg20 : memref<!tpu.dma_semaphore, #tpu.memory_space<semaphore_mem>>)
    %add3A_260 = arith.constant 4 : i32
    %add3A_261 = arith.addi %add3A, %add3A_260 : i32
    %jit3A_262 = arith.constant 4 : i32
    %jit3A_263 = arith.constant 8 : i32
    %eq3A_264 = arith.constant 0 : i32
    %eq3A_265 = arith.cmpi eq, %jit3A_263, %eq3A_264 : i32
    %jit3A_266 = arith.constant 1 : i32
    %select_n3A_267 = arith.select %eq3A_265, %jit3A_266, %jit3A_263 : i32
    %rem3A_268 = arith.remsi %jit3A_262, %select_n3A_267 : i32
    %ne3A_269 = arith.constant 0 : i32
    %ne3A_270 = arith.cmpi ne, %rem3A_268, %ne3A_269 : i32
    %lt3A_271 = arith.constant 0 : i32
    %lt3A_272 = arith.cmpi slt, %rem3A_268, %lt3A_271 : i32
    %lt3A_273 = arith.constant 0 : i32
    %lt3A_274 = arith.cmpi slt, %select_n3A_267, %lt3A_273 : i32
    %ne3A_275 = arith.xori %lt3A_272, %lt3A_274 : i1
    %and3A_276 = arith.andi %ne3A_275, %ne3A_270 : i1
    %add3A_277 = arith.addi %rem3A_268, %select_n3A_267 : i32
    %select_n3A_278 = arith.select %and3A_276, %add3A_277, %rem3A_268 : i32
    %dma_start3A_279 = arith.constant 0 : i32
    %dma_start3A_280 = tpu.memref_slice %arg6[%select_n3A_278, %dma_start3A_279] : memref<8x64xi32, #tpu.memory_space<vmem>> -> memref<1x64xi32, #tpu.memory_space<vmem>>
    %dma_start3A_281 = tpu.memref_squeeze %dma_start3A_280 : memref<1x64xi32, #tpu.memory_space<vmem>> -> memref<64xi32, #tpu.memory_space<vmem>>
    %dma_start3A_282 = arith.constant 0 : i32
    %dma_start3A_283 = tpu.memref_slice %arg2[%add3A_261, %dma_start3A_282] : memref<5056x64xi32, #tpu.memory_space<hbm>> -> memref<1x64xi32, #tpu.memory_space<hbm>>
    %dma_start3A_284 = tpu.memref_squeeze %dma_start3A_283 : memref<1x64xi32, #tpu.memory_space<hbm>> -> memref<64xi32, #tpu.memory_space<hbm>>
    %dma_start3A_285 = arith.constant 0 : i32
    %dma_start3A_286 = tpu.memref_slice %arg6[%select_n3A_278, %dma_start3A_285] : memref<8x64xi32, #tpu.memory_space<vmem>> -> memref<1x64xi32, #tpu.memory_space<vmem>>
    %dma_start3A_287 = tpu.memref_squeeze %dma_start3A_286 : memref<1x64xi32, #tpu.memory_space<vmem>> -> memref<64xi32, #tpu.memory_space<vmem>>
    %dma_start3A_288 = arith.constant 0 : i32
    %dma_start3A_289 = tpu.memref_slice %arg2[%add3A_261, %dma_start3A_288] : memref<5056x64xi32, #tpu.memory_space<hbm>> -> memref<1x64xi32, #tpu.memory_space<hbm>>
    %dma_start3A_290 = tpu.memref_squeeze %dma_start3A_289 : memref<1x64xi32, #tpu.memory_space<hbm>> -> memref<64xi32, #tpu.memory_space<hbm>>
    tpu.enqueue_dma source(%dma_start3A_290 : memref<64xi32, #tpu.memory_space<hbm>>) target(%dma_start3A_287 : memref<64xi32, #tpu.memory_space<vmem>>) target_semaphore(%arg17 : memref<!tpu.dma_semaphore, #tpu.memory_space<semaphore_mem>>)
    %add3A_291 = arith.constant 4 : i32
    %add3A_292 = arith.addi %add3A, %add3A_291 : i32
    %jit3A_293 = arith.constant 4 : i32
    %jit3A_294 = arith.constant 8 : i32
    %eq3A_295 = arith.constant 0 : i32
    %eq3A_296 = arith.cmpi eq, %jit3A_294, %eq3A_295 : i32
    %jit3A_297 = arith.constant 1 : i32
    %select_n3A_298 = arith.select %eq3A_296, %jit3A_297, %jit3A_294 : i32
    %rem3A_299 = arith.remsi %jit3A_293, %select_n3A_298 : i32
    %ne3A_300 = arith.constant 0 : i32
    %ne3A_301 = arith.cmpi ne, %rem3A_299, %ne3A_300 : i32
    %lt3A_302 = arith.constant 0 : i32
    %lt3A_303 = arith.cmpi slt, %rem3A_299, %lt3A_302 : i32
    %lt3A_304 = arith.constant 0 : i32
    %lt3A_305 = arith.cmpi slt, %select_n3A_298, %lt3A_304 : i32
    %ne3A_306 = arith.xori %lt3A_303, %lt3A_305 : i1
    %and3A_307 = arith.andi %ne3A_306, %ne3A_301 : i1
    %add3A_308 = arith.addi %rem3A_299, %select_n3A_298 : i32
    %select_n3A_309 = arith.select %and3A_307, %add3A_308, %rem3A_299 : i32
    %dma_start3A_310 = arith.constant 0 : i32
    %dma_start3A_311 = tpu.memref_slice %arg7[%select_n3A_309, %dma_start3A_310] : memref<8x64xi32, #tpu.memory_space<vmem>> -> memref<1x64xi32, #tpu.memory_space<vmem>>
    %dma_start3A_312 = tpu.memref_squeeze %dma_start3A_311 : memref<1x64xi32, #tpu.memory_space<vmem>> -> memref<64xi32, #tpu.memory_space<vmem>>
    %dma_start3A_313 = arith.constant 0 : i32
    %dma_start3A_314 = tpu.memref_slice %arg3[%add3A_292, %dma_start3A_313] : memref<5056x64xi32, #tpu.memory_space<hbm>> -> memref<1x64xi32, #tpu.memory_space<hbm>>
    %dma_start3A_315 = tpu.memref_squeeze %dma_start3A_314 : memref<1x64xi32, #tpu.memory_space<hbm>> -> memref<64xi32, #tpu.memory_space<hbm>>
    %dma_start3A_316 = arith.constant 0 : i32
    %dma_start3A_317 = tpu.memref_slice %arg7[%select_n3A_309, %dma_start3A_316] : memref<8x64xi32, #tpu.memory_space<vmem>> -> memref<1x64xi32, #tpu.memory_space<vmem>>
    %dma_start3A_318 = tpu.memref_squeeze %dma_start3A_317 : memref<1x64xi32, #tpu.memory_space<vmem>> -> memref<64xi32, #tpu.memory_space<vmem>>
    %dma_start3A_319 = arith.constant 0 : i32
    %dma_start3A_320 = tpu.memref_slice %arg3[%add3A_292, %dma_start3A_319] : memref<5056x64xi32, #tpu.memory_space<hbm>> -> memref<1x64xi32, #tpu.memory_space<hbm>>
    %dma_start3A_321 = tpu.memref_squeeze %dma_start3A_320 : memref<1x64xi32, #tpu.memory_space<hbm>> -> memref<64xi32, #tpu.memory_space<hbm>>
    tpu.enqueue_dma source(%dma_start3A_321 : memref<64xi32, #tpu.memory_space<hbm>>) target(%dma_start3A_318 : memref<64xi32, #tpu.memory_space<vmem>>) target_semaphore(%arg19 : memref<!tpu.dma_semaphore, #tpu.memory_space<semaphore_mem>>)
    %add3A_322 = arith.constant 5 : i32
    %add3A_323 = arith.addi %add3A, %add3A_322 : i32
    %jit3A_324 = arith.constant 5 : i32
    %jit3A_325 = arith.constant 8 : i32
    %eq3A_326 = arith.constant 0 : i32
    %eq3A_327 = arith.cmpi eq, %jit3A_325, %eq3A_326 : i32
    %jit3A_328 = arith.constant 1 : i32
    %select_n3A_329 = arith.select %eq3A_327, %jit3A_328, %jit3A_325 : i32
    %rem3A_330 = arith.remsi %jit3A_324, %select_n3A_329 : i32
    %ne3A_331 = arith.constant 0 : i32
    %ne3A_332 = arith.cmpi ne, %rem3A_330, %ne3A_331 : i32
    %lt3A_333 = arith.constant 0 : i32
    %lt3A_334 = arith.cmpi slt, %rem3A_330, %lt3A_333 : i32
    %lt3A_335 = arith.constant 0 : i32
    %lt3A_336 = arith.cmpi slt, %select_n3A_329, %lt3A_335 : i32
    %ne3A_337 = arith.xori %lt3A_334, %lt3A_336 : i1
    %and3A_338 = arith.andi %ne3A_337, %ne3A_332 : i1
    %add3A_339 = arith.addi %rem3A_330, %select_n3A_329 : i32
    %select_n3A_340 = arith.select %and3A_338, %add3A_339, %rem3A_330 : i32
    %dma_start3A_341 = arith.constant 0 : i32
    %dma_start3A_342 = tpu.memref_slice %arg6[%select_n3A_340, %dma_start3A_341] : memref<8x64xi32, #tpu.memory_space<vmem>> -> memref<1x64xi32, #tpu.memory_space<vmem>>
    %dma_start3A_343 = tpu.memref_squeeze %dma_start3A_342 : memref<1x64xi32, #tpu.memory_space<vmem>> -> memref<64xi32, #tpu.memory_space<vmem>>
    %dma_start3A_344 = arith.constant 0 : i32
    %dma_start3A_345 = tpu.memref_slice %arg2[%add3A_323, %dma_start3A_344] : memref<5056x64xi32, #tpu.memory_space<hbm>> -> memref<1x64xi32, #tpu.memory_space<hbm>>
    %dma_start3A_346 = tpu.memref_squeeze %dma_start3A_345 : memref<1x64xi32, #tpu.memory_space<hbm>> -> memref<64xi32, #tpu.memory_space<hbm>>
    %dma_start3A_347 = arith.constant 0 : i32
    %dma_start3A_348 = tpu.memref_slice %arg6[%select_n3A_340, %dma_start3A_347] : memref<8x64xi32, #tpu.memory_space<vmem>> -> memref<1x64xi32, #tpu.memory_space<vmem>>
    %dma_start3A_349 = tpu.memref_squeeze %dma_start3A_348 : memref<1x64xi32, #tpu.memory_space<vmem>> -> memref<64xi32, #tpu.memory_space<vmem>>
    %dma_start3A_350 = arith.constant 0 : i32
    %dma_start3A_351 = tpu.memref_slice %arg2[%add3A_323, %dma_start3A_350] : memref<5056x64xi32, #tpu.memory_space<hbm>> -> memref<1x64xi32, #tpu.memory_space<hbm>>
    %dma_start3A_352 = tpu.memref_squeeze %dma_start3A_351 : memref<1x64xi32, #tpu.memory_space<hbm>> -> memref<64xi32, #tpu.memory_space<hbm>>
    tpu.enqueue_dma source(%dma_start3A_352 : memref<64xi32, #tpu.memory_space<hbm>>) target(%dma_start3A_349 : memref<64xi32, #tpu.memory_space<vmem>>) target_semaphore(%arg18 : memref<!tpu.dma_semaphore, #tpu.memory_space<semaphore_mem>>)
    %add3A_353 = arith.constant 5 : i32
    %add3A_354 = arith.addi %add3A, %add3A_353 : i32
    %jit3A_355 = arith.constant 5 : i32
    %jit3A_356 = arith.constant 8 : i32
    %eq3A_357 = arith.constant 0 : i32
    %eq3A_358 = arith.cmpi eq, %jit3A_356, %eq3A_357 : i32
    %jit3A_359 = arith.constant 1 : i32
    %select_n3A_360 = arith.select %eq3A_358, %jit3A_359, %jit3A_356 : i32
    %rem3A_361 = arith.remsi %jit3A_355, %select_n3A_360 : i32
    %ne3A_362 = arith.constant 0 : i32
    %ne3A_363 = arith.cmpi ne, %rem3A_361, %ne3A_362 : i32
    %lt3A_364 = arith.constant 0 : i32
    %lt3A_365 = arith.cmpi slt, %rem3A_361, %lt3A_364 : i32
    %lt3A_366 = arith.constant 0 : i32
    %lt3A_367 = arith.cmpi slt, %select_n3A_360, %lt3A_366 : i32
    %ne3A_368 = arith.xori %lt3A_365, %lt3A_367 : i1
    %and3A_369 = arith.andi %ne3A_368, %ne3A_363 : i1
    %add3A_370 = arith.addi %rem3A_361, %select_n3A_360 : i32
    %select_n3A_371 = arith.select %and3A_369, %add3A_370, %rem3A_361 : i32
    %dma_start3A_372 = arith.constant 0 : i32
    %dma_start3A_373 = tpu.memref_slice %arg7[%select_n3A_371, %dma_start3A_372] : memref<8x64xi32, #tpu.memory_space<vmem>> -> memref<1x64xi32, #tpu.memory_space<vmem>>
    %dma_start3A_374 = tpu.memref_squeeze %dma_start3A_373 : memref<1x64xi32, #tpu.memory_space<vmem>> -> memref<64xi32, #tpu.memory_space<vmem>>
    %dma_start3A_375 = arith.constant 0 : i32
    %dma_start3A_376 = tpu.memref_slice %arg3[%add3A_354, %dma_start3A_375] : memref<5056x64xi32, #tpu.memory_space<hbm>> -> memref<1x64xi32, #tpu.memory_space<hbm>>
    %dma_start3A_377 = tpu.memref_squeeze %dma_start3A_376 : memref<1x64xi32, #tpu.memory_space<hbm>> -> memref<64xi32, #tpu.memory_space<hbm>>
    %dma_start3A_378 = arith.constant 0 : i32
    %dma_start3A_379 = tpu.memref_slice %arg7[%select_n3A_371, %dma_start3A_378] : memref<8x64xi32, #tpu.memory_space<vmem>> -> memref<1x64xi32, #tpu.memory_space<vmem>>
    %dma_start3A_380 = tpu.memref_squeeze %dma_start3A_379 : memref<1x64xi32, #tpu.memory_space<vmem>> -> memref<64xi32, #tpu.memory_space<vmem>>
    %dma_start3A_381 = arith.constant 0 : i32
    %dma_start3A_382 = tpu.memref_slice %arg3[%add3A_354, %dma_start3A_381] : memref<5056x64xi32, #tpu.memory_space<hbm>> -> memref<1x64xi32, #tpu.memory_space<hbm>>
    %dma_start3A_383 = tpu.memref_squeeze %dma_start3A_382 : memref<1x64xi32, #tpu.memory_space<hbm>> -> memref<64xi32, #tpu.memory_space<hbm>>
    tpu.enqueue_dma source(%dma_start3A_383 : memref<64xi32, #tpu.memory_space<hbm>>) target(%dma_start3A_380 : memref<64xi32, #tpu.memory_space<vmem>>) target_semaphore(%arg20 : memref<!tpu.dma_semaphore, #tpu.memory_space<semaphore_mem>>)
    %add3A_384 = arith.constant 6 : i32
    %add3A_385 = arith.addi %add3A, %add3A_384 : i32
    %jit3A_386 = arith.constant 6 : i32
    %jit3A_387 = arith.constant 8 : i32
    %eq3A_388 = arith.constant 0 : i32
    %eq3A_389 = arith.cmpi eq, %jit3A_387, %eq3A_388 : i32
    %jit3A_390 = arith.constant 1 : i32
    %select_n3A_391 = arith.select %eq3A_389, %jit3A_390, %jit3A_387 : i32
    %rem3A_392 = arith.remsi %jit3A_386, %select_n3A_391 : i32
    %ne3A_393 = arith.constant 0 : i32
    %ne3A_394 = arith.cmpi ne, %rem3A_392, %ne3A_393 : i32
    %lt3A_395 = arith.constant 0 : i32
    %lt3A_396 = arith.cmpi slt, %rem3A_392, %lt3A_395 : i32
    %lt3A_397 = arith.constant 0 : i32
    %lt3A_398 = arith.cmpi slt, %select_n3A_391, %lt3A_397 : i32
    %ne3A_399 = arith.xori %lt3A_396, %lt3A_398 : i1
    %and3A_400 = arith.andi %ne3A_399, %ne3A_394 : i1
    %add3A_401 = arith.addi %rem3A_392, %select_n3A_391 : i32
    %select_n3A_402 = arith.select %and3A_400, %add3A_401, %rem3A_392 : i32
    %dma_start3A_403 = arith.constant 0 : i32
    %dma_start3A_404 = tpu.memref_slice %arg6[%select_n3A_402, %dma_start3A_403] : memref<8x64xi32, #tpu.memory_space<vmem>> -> memref<1x64xi32, #tpu.memory_space<vmem>>
    %dma_start3A_405 = tpu.memref_squeeze %dma_start3A_404 : memref<1x64xi32, #tpu.memory_space<vmem>> -> memref<64xi32, #tpu.memory_space<vmem>>
    %dma_start3A_406 = arith.constant 0 : i32
    %dma_start3A_407 = tpu.memref_slice %arg2[%add3A_385, %dma_start3A_406] : memref<5056x64xi32, #tpu.memory_space<hbm>> -> memref<1x64xi32, #tpu.memory_space<hbm>>
    %dma_start3A_408 = tpu.memref_squeeze %dma_start3A_407 : memref<1x64xi32, #tpu.memory_space<hbm>> -> memref<64xi32, #tpu.memory_space<hbm>>
    %dma_start3A_409 = arith.constant 0 : i32
    %dma_start3A_410 = tpu.memref_slice %arg6[%select_n3A_402, %dma_start3A_409] : memref<8x64xi32, #tpu.memory_space<vmem>> -> memref<1x64xi32, #tpu.memory_space<vmem>>
    %dma_start3A_411 = tpu.memref_squeeze %dma_start3A_410 : memref<1x64xi32, #tpu.memory_space<vmem>> -> memref<64xi32, #tpu.memory_space<vmem>>
    %dma_start3A_412 = arith.constant 0 : i32
    %dma_start3A_413 = tpu.memref_slice %arg2[%add3A_385, %dma_start3A_412] : memref<5056x64xi32, #tpu.memory_space<hbm>> -> memref<1x64xi32, #tpu.memory_space<hbm>>
    %dma_start3A_414 = tpu.memref_squeeze %dma_start3A_413 : memref<1x64xi32, #tpu.memory_space<hbm>> -> memref<64xi32, #tpu.memory_space<hbm>>
    tpu.enqueue_dma source(%dma_start3A_414 : memref<64xi32, #tpu.memory_space<hbm>>) target(%dma_start3A_411 : memref<64xi32, #tpu.memory_space<vmem>>) target_semaphore(%arg17 : memref<!tpu.dma_semaphore, #tpu.memory_space<semaphore_mem>>)
    %add3A_415 = arith.constant 6 : i32
    %add3A_416 = arith.addi %add3A, %add3A_415 : i32
    %jit3A_417 = arith.constant 6 : i32
    %jit3A_418 = arith.constant 8 : i32
    %eq3A_419 = arith.constant 0 : i32
    %eq3A_420 = arith.cmpi eq, %jit3A_418, %eq3A_419 : i32
    %jit3A_421 = arith.constant 1 : i32
    %select_n3A_422 = arith.select %eq3A_420, %jit3A_421, %jit3A_418 : i32
    %rem3A_423 = arith.remsi %jit3A_417, %select_n3A_422 : i32
    %ne3A_424 = arith.constant 0 : i32
    %ne3A_425 = arith.cmpi ne, %rem3A_423, %ne3A_424 : i32
    %lt3A_426 = arith.constant 0 : i32
    %lt3A_427 = arith.cmpi slt, %rem3A_423, %lt3A_426 : i32
    %lt3A_428 = arith.constant 0 : i32
    %lt3A_429 = arith.cmpi slt, %select_n3A_422, %lt3A_428 : i32
    %ne3A_430 = arith.xori %lt3A_427, %lt3A_429 : i1
    %and3A_431 = arith.andi %ne3A_430, %ne3A_425 : i1
    %add3A_432 = arith.addi %rem3A_423, %select_n3A_422 : i32
    %select_n3A_433 = arith.select %and3A_431, %add3A_432, %rem3A_423 : i32
    %dma_start3A_434 = arith.constant 0 : i32
    %dma_start3A_435 = tpu.memref_slice %arg7[%select_n3A_433, %dma_start3A_434] : memref<8x64xi32, #tpu.memory_space<vmem>> -> memref<1x64xi32, #tpu.memory_space<vmem>>
    %dma_start3A_436 = tpu.memref_squeeze %dma_start3A_435 : memref<1x64xi32, #tpu.memory_space<vmem>> -> memref<64xi32, #tpu.memory_space<vmem>>
    %dma_start3A_437 = arith.constant 0 : i32
    %dma_start3A_438 = tpu.memref_slice %arg3[%add3A_416, %dma_start3A_437] : memref<5056x64xi32, #tpu.memory_space<hbm>> -> memref<1x64xi32, #tpu.memory_space<hbm>>
    %dma_start3A_439 = tpu.memref_squeeze %dma_start3A_438 : memref<1x64xi32, #tpu.memory_space<hbm>> -> memref<64xi32, #tpu.memory_space<hbm>>
    %dma_start3A_440 = arith.constant 0 : i32
    %dma_start3A_441 = tpu.memref_slice %arg7[%select_n3A_433, %dma_start3A_440] : memref<8x64xi32, #tpu.memory_space<vmem>> -> memref<1x64xi32, #tpu.memory_space<vmem>>
    %dma_start3A_442 = tpu.memref_squeeze %dma_start3A_441 : memref<1x64xi32, #tpu.memory_space<vmem>> -> memref<64xi32, #tpu.memory_space<vmem>>
    %dma_start3A_443 = arith.constant 0 : i32
    %dma_start3A_444 = tpu.memref_slice %arg3[%add3A_416, %dma_start3A_443] : memref<5056x64xi32, #tpu.memory_space<hbm>> -> memref<1x64xi32, #tpu.memory_space<hbm>>
    %dma_start3A_445 = tpu.memref_squeeze %dma_start3A_444 : memref<1x64xi32, #tpu.memory_space<hbm>> -> memref<64xi32, #tpu.memory_space<hbm>>
    tpu.enqueue_dma source(%dma_start3A_445 : memref<64xi32, #tpu.memory_space<hbm>>) target(%dma_start3A_442 : memref<64xi32, #tpu.memory_space<vmem>>) target_semaphore(%arg19 : memref<!tpu.dma_semaphore, #tpu.memory_space<semaphore_mem>>)
    %add3A_446 = arith.constant 7 : i32
    %add3A_447 = arith.addi %add3A, %add3A_446 : i32
    %jit3A_448 = arith.constant 7 : i32
    %jit3A_449 = arith.constant 8 : i32
    %eq3A_450 = arith.constant 0 : i32
    %eq3A_451 = arith.cmpi eq, %jit3A_449, %eq3A_450 : i32
    %jit3A_452 = arith.constant 1 : i32
    %select_n3A_453 = arith.select %eq3A_451, %jit3A_452, %jit3A_449 : i32
    %rem3A_454 = arith.remsi %jit3A_448, %select_n3A_453 : i32
    %ne3A_455 = arith.constant 0 : i32
    %ne3A_456 = arith.cmpi ne, %rem3A_454, %ne3A_455 : i32
    %lt3A_457 = arith.constant 0 : i32
    %lt3A_458 = arith.cmpi slt, %rem3A_454, %lt3A_457 : i32
    %lt3A_459 = arith.constant 0 : i32
    %lt3A_460 = arith.cmpi slt, %select_n3A_453, %lt3A_459 : i32
    %ne3A_461 = arith.xori %lt3A_458, %lt3A_460 : i1
    %and3A_462 = arith.andi %ne3A_461, %ne3A_456 : i1
    %add3A_463 = arith.addi %rem3A_454, %select_n3A_453 : i32
    %select_n3A_464 = arith.select %and3A_462, %add3A_463, %rem3A_454 : i32
    %dma_start3A_465 = arith.constant 0 : i32
    %dma_start3A_466 = tpu.memref_slice %arg6[%select_n3A_464, %dma_start3A_465] : memref<8x64xi32, #tpu.memory_space<vmem>> -> memref<1x64xi32, #tpu.memory_space<vmem>>
    %dma_start3A_467 = tpu.memref_squeeze %dma_start3A_466 : memref<1x64xi32, #tpu.memory_space<vmem>> -> memref<64xi32, #tpu.memory_space<vmem>>
    %dma_start3A_468 = arith.constant 0 : i32
    %dma_start3A_469 = tpu.memref_slice %arg2[%add3A_447, %dma_start3A_468] : memref<5056x64xi32, #tpu.memory_space<hbm>> -> memref<1x64xi32, #tpu.memory_space<hbm>>
    %dma_start3A_470 = tpu.memref_squeeze %dma_start3A_469 : memref<1x64xi32, #tpu.memory_space<hbm>> -> memref<64xi32, #tpu.memory_space<hbm>>
    %dma_start3A_471 = arith.constant 0 : i32
    %dma_start3A_472 = tpu.memref_slice %arg6[%select_n3A_464, %dma_start3A_471] : memref<8x64xi32, #tpu.memory_space<vmem>> -> memref<1x64xi32, #tpu.memory_space<vmem>>
    %dma_start3A_473 = tpu.memref_squeeze %dma_start3A_472 : memref<1x64xi32, #tpu.memory_space<vmem>> -> memref<64xi32, #tpu.memory_space<vmem>>
    %dma_start3A_474 = arith.constant 0 : i32
    %dma_start3A_475 = tpu.memref_slice %arg2[%add3A_447, %dma_start3A_474] : memref<5056x64xi32, #tpu.memory_space<hbm>> -> memref<1x64xi32, #tpu.memory_space<hbm>>
    %dma_start3A_476 = tpu.memref_squeeze %dma_start3A_475 : memref<1x64xi32, #tpu.memory_space<hbm>> -> memref<64xi32, #tpu.memory_space<hbm>>
    tpu.enqueue_dma source(%dma_start3A_476 : memref<64xi32, #tpu.memory_space<hbm>>) target(%dma_start3A_473 : memref<64xi32, #tpu.memory_space<vmem>>) target_semaphore(%arg18 : memref<!tpu.dma_semaphore, #tpu.memory_space<semaphore_mem>>)
    %add3A_477 = arith.constant 7 : i32
    %add3A_478 = arith.addi %add3A, %add3A_477 : i32
    %jit3A_479 = arith.constant 7 : i32
    %jit3A_480 = arith.constant 8 : i32
    %eq3A_481 = arith.constant 0 : i32
    %eq3A_482 = arith.cmpi eq, %jit3A_480, %eq3A_481 : i32
    %jit3A_483 = arith.constant 1 : i32
    %select_n3A_484 = arith.select %eq3A_482, %jit3A_483, %jit3A_480 : i32
    %rem3A_485 = arith.remsi %jit3A_479, %select_n3A_484 : i32
    %ne3A_486 = arith.constant 0 : i32
    %ne3A_487 = arith.cmpi ne, %rem3A_485, %ne3A_486 : i32
    %lt3A_488 = arith.constant 0 : i32
    %lt3A_489 = arith.cmpi slt, %rem3A_485, %lt3A_488 : i32
    %lt3A_490 = arith.constant 0 : i32
    %lt3A_491 = arith.cmpi slt, %select_n3A_484, %lt3A_490 : i32
    %ne3A_492 = arith.xori %lt3A_489, %lt3A_491 : i1
    %and3A_493 = arith.andi %ne3A_492, %ne3A_487 : i1
    %add3A_494 = arith.addi %rem3A_485, %select_n3A_484 : i32
    %select_n3A_495 = arith.select %and3A_493, %add3A_494, %rem3A_485 : i32
    %dma_start3A_496 = arith.constant 0 : i32
    %dma_start3A_497 = tpu.memref_slice %arg7[%select_n3A_495, %dma_start3A_496] : memref<8x64xi32, #tpu.memory_space<vmem>> -> memref<1x64xi32, #tpu.memory_space<vmem>>
    %dma_start3A_498 = tpu.memref_squeeze %dma_start3A_497 : memref<1x64xi32, #tpu.memory_space<vmem>> -> memref<64xi32, #tpu.memory_space<vmem>>
    %dma_start3A_499 = arith.constant 0 : i32
    %dma_start3A_500 = tpu.memref_slice %arg3[%add3A_478, %dma_start3A_499] : memref<5056x64xi32, #tpu.memory_space<hbm>> -> memref<1x64xi32, #tpu.memory_space<hbm>>
    %dma_start3A_501 = tpu.memref_squeeze %dma_start3A_500 : memref<1x64xi32, #tpu.memory_space<hbm>> -> memref<64xi32, #tpu.memory_space<hbm>>
    %dma_start3A_502 = arith.constant 0 : i32
    %dma_start3A_503 = tpu.memref_slice %arg7[%select_n3A_495, %dma_start3A_502] : memref<8x64xi32, #tpu.memory_space<vmem>> -> memref<1x64xi32, #tpu.memory_space<vmem>>
    %dma_start3A_504 = tpu.memref_squeeze %dma_start3A_503 : memref<1x64xi32, #tpu.memory_space<vmem>> -> memref<64xi32, #tpu.memory_space<vmem>>
    %dma_start3A_505 = arith.constant 0 : i32
    %dma_start3A_506 = tpu.memref_slice %arg3[%add3A_478, %dma_start3A_505] : memref<5056x64xi32, #tpu.memory_space<hbm>> -> memref<1x64xi32, #tpu.memory_space<hbm>>
    %dma_start3A_507 = tpu.memref_squeeze %dma_start3A_506 : memref<1x64xi32, #tpu.memory_space<hbm>> -> memref<64xi32, #tpu.memory_space<hbm>>
    tpu.enqueue_dma source(%dma_start3A_507 : memref<64xi32, #tpu.memory_space<hbm>>) target(%dma_start3A_504 : memref<64xi32, #tpu.memory_space<vmem>>) target_semaphore(%arg20 : memref<!tpu.dma_semaphore, #tpu.memory_space<semaphore_mem>>)
    %dma_wait3A = arith.constant 0 : i32
    %dma_wait3A_508 = arith.constant 0 : i32
    %dma_wait3A_509 = arith.constant 0 : i32
    %dma_wait3A_510 = tpu.memref_slice %arg6[%dma_wait3A_508, %dma_wait3A_509] : memref<8x64xi32, #tpu.memory_space<vmem>> -> memref<1x64xi32, #tpu.memory_space<vmem>>
    %dma_wait3A_511 = tpu.memref_squeeze %dma_wait3A_510 : memref<1x64xi32, #tpu.memory_space<vmem>> -> memref<64xi32, #tpu.memory_space<vmem>>
    %dma_wait3A_512 = arith.constant 0 : i32
    %dma_wait3A_513 = tpu.memref_slice %arg2[%dma_wait3A, %dma_wait3A_512] : memref<5056x64xi32, #tpu.memory_space<hbm>> -> memref<1x64xi32, #tpu.memory_space<hbm>>
    %dma_wait3A_514 = tpu.memref_squeeze %dma_wait3A_513 : memref<1x64xi32, #tpu.memory_space<hbm>> -> memref<64xi32, #tpu.memory_space<hbm>>
    %dma_wait3A_515 = arith.constant 0 : i32
    %dma_wait3A_516 = tpu.memref_slice %arg6[%dma_wait3A_508, %dma_wait3A_515] : memref<8x64xi32, #tpu.memory_space<vmem>> -> memref<1x64xi32, #tpu.memory_space<vmem>>
    %dma_wait3A_517 = tpu.memref_squeeze %dma_wait3A_516 : memref<1x64xi32, #tpu.memory_space<vmem>> -> memref<64xi32, #tpu.memory_space<vmem>>
    %dma_wait3A_518 = arith.constant 0 : i32
    %dma_wait3A_519 = tpu.memref_slice %arg2[%dma_wait3A, %dma_wait3A_518] : memref<5056x64xi32, #tpu.memory_space<hbm>> -> memref<1x64xi32, #tpu.memory_space<hbm>>
    %dma_wait3A_520 = tpu.memref_squeeze %dma_wait3A_519 : memref<1x64xi32, #tpu.memory_space<hbm>> -> memref<64xi32, #tpu.memory_space<hbm>>
    tpu.wait_dma2 semaphore(%arg17 : memref<!tpu.dma_semaphore, #tpu.memory_space<semaphore_mem>>) src(%dma_wait3A_520 : memref<64xi32, #tpu.memory_space<hbm>>) dst(%dma_wait3A_517 : memref<64xi32, #tpu.memory_space<vmem>>)
    %dma_wait3A_521 = arith.constant 0 : i32
    %dma_wait3A_522 = arith.constant 0 : i32
    %dma_wait3A_523 = arith.constant 0 : i32
    %dma_wait3A_524 = tpu.memref_slice %arg7[%dma_wait3A_522, %dma_wait3A_523] : memref<8x64xi32, #tpu.memory_space<vmem>> -> memref<1x64xi32, #tpu.memory_space<vmem>>
    %dma_wait3A_525 = tpu.memref_squeeze %dma_wait3A_524 : memref<1x64xi32, #tpu.memory_space<vmem>> -> memref<64xi32, #tpu.memory_space<vmem>>
    %dma_wait3A_526 = arith.constant 0 : i32
    %dma_wait3A_527 = tpu.memref_slice %arg3[%dma_wait3A_521, %dma_wait3A_526] : memref<5056x64xi32, #tpu.memory_space<hbm>> -> memref<1x64xi32, #tpu.memory_space<hbm>>
    %dma_wait3A_528 = tpu.memref_squeeze %dma_wait3A_527 : memref<1x64xi32, #tpu.memory_space<hbm>> -> memref<64xi32, #tpu.memory_space<hbm>>
    %dma_wait3A_529 = arith.constant 0 : i32
    %dma_wait3A_530 = tpu.memref_slice %arg7[%dma_wait3A_522, %dma_wait3A_529] : memref<8x64xi32, #tpu.memory_space<vmem>> -> memref<1x64xi32, #tpu.memory_space<vmem>>
    %dma_wait3A_531 = tpu.memref_squeeze %dma_wait3A_530 : memref<1x64xi32, #tpu.memory_space<vmem>> -> memref<64xi32, #tpu.memory_space<vmem>>
    %dma_wait3A_532 = arith.constant 0 : i32
    %dma_wait3A_533 = tpu.memref_slice %arg3[%dma_wait3A_521, %dma_wait3A_532] : memref<5056x64xi32, #tpu.memory_space<hbm>> -> memref<1x64xi32, #tpu.memory_space<hbm>>
    %dma_wait3A_534 = tpu.memref_squeeze %dma_wait3A_533 : memref<1x64xi32, #tpu.memory_space<hbm>> -> memref<64xi32, #tpu.memory_space<hbm>>
    tpu.wait_dma2 semaphore(%arg19 : memref<!tpu.dma_semaphore, #tpu.memory_space<semaphore_mem>>) src(%dma_wait3A_534 : memref<64xi32, #tpu.memory_space<hbm>>) dst(%dma_wait3A_531 : memref<64xi32, #tpu.memory_space<vmem>>)
    %dma_start3A_535 = arith.constant 0 : i32
    %dma_start3A_536 = arith.constant 0 : i32
    %dma_start3A_537 = arith.constant 0 : i32
    %dma_start3A_538 = arith.constant 0 : i32
    %dma_start3A_539 = tpu.memref_slice %arg8[%dma_start3A_536, %dma_start3A_537, %dma_start3A_538] : memref<4x64x128xf32, #tpu.memory_space<vmem>> -> memref<1x64x128xf32, #tpu.memory_space<vmem>>
    %dma_start3A_540 = tpu.memref_squeeze %dma_start3A_539 : memref<1x64x128xf32, #tpu.memory_space<vmem>> -> memref<64x128xf32, #tpu.memory_space<vmem>>
    %dma_start3A_541 = arith.constant 0 : i32
    %dma_start3A_542 = tpu.memref_slice %arg6[%dma_start3A_535, %dma_start3A_541] : memref<8x64xi32, #tpu.memory_space<vmem>> -> memref<1x64xi32, #tpu.memory_space<vmem>>
    %dma_start3A_543 = tpu.memref_squeeze %dma_start3A_542 : memref<1x64xi32, #tpu.memory_space<vmem>> -> memref<64xi32, #tpu.memory_space<vmem>>
    %dma_start3A_544 = arith.constant 0 : i32
    %dma_start3A_545 = arith.constant 0 : i32
    %dma_start3A_546 = tpu.memref_slice %arg4[%dma_start3A_544, %dma_start3A_545] : memref<10000x128xf32, #tpu.memory_space<hbm>> -> memref<10000x128xf32, #tpu.memory_space<hbm>>
    tpu.enqueue_indirect_dma source(%dma_start3A_546 : memref<10000x128xf32, #tpu.memory_space<hbm>>) target(%dma_start3A_540 : memref<64x128xf32, #tpu.memory_space<vmem>>) offsets(%dma_start3A_543 : memref<64xi32, #tpu.memory_space<vmem>>) semaphore(%arg9 : memref<!tpu.dma_semaphore, #tpu.memory_space<semaphore_mem>>)
    %dma_wait3A_547 = arith.constant 0 : i32
    %dma_wait3A_548 = arith.constant 0 : i32
    %dma_wait3A_549 = arith.constant 0 : i32
    %dma_wait3A_550 = tpu.memref_slice %arg6[%dma_wait3A_548, %dma_wait3A_549] : memref<8x64xi32, #tpu.memory_space<vmem>> -> memref<1x64xi32, #tpu.memory_space<vmem>>
    %dma_wait3A_551 = tpu.memref_squeeze %dma_wait3A_550 : memref<1x64xi32, #tpu.memory_space<vmem>> -> memref<64xi32, #tpu.memory_space<vmem>>
    %dma_wait3A_552 = arith.constant 0 : i32
    %dma_wait3A_553 = tpu.memref_slice %arg2[%dma_wait3A_547, %dma_wait3A_552] : memref<5056x64xi32, #tpu.memory_space<hbm>> -> memref<1x64xi32, #tpu.memory_space<hbm>>
    %dma_wait3A_554 = tpu.memref_squeeze %dma_wait3A_553 : memref<1x64xi32, #tpu.memory_space<hbm>> -> memref<64xi32, #tpu.memory_space<hbm>>
    %dma_wait3A_555 = arith.constant 0 : i32
    %dma_wait3A_556 = tpu.memref_slice %arg6[%dma_wait3A_548, %dma_wait3A_555] : memref<8x64xi32, #tpu.memory_space<vmem>> -> memref<1x64xi32, #tpu.memory_space<vmem>>
    %dma_wait3A_557 = tpu.memref_squeeze %dma_wait3A_556 : memref<1x64xi32, #tpu.memory_space<vmem>> -> memref<64xi32, #tpu.memory_space<vmem>>
    %dma_wait3A_558 = arith.constant 0 : i32
    %dma_wait3A_559 = tpu.memref_slice %arg2[%dma_wait3A_547, %dma_wait3A_558] : memref<5056x64xi32, #tpu.memory_space<hbm>> -> memref<1x64xi32, #tpu.memory_space<hbm>>
    %dma_wait3A_560 = tpu.memref_squeeze %dma_wait3A_559 : memref<1x64xi32, #tpu.memory_space<hbm>> -> memref<64xi32, #tpu.memory_space<hbm>>
    tpu.wait_dma2 semaphore(%arg18 : memref<!tpu.dma_semaphore, #tpu.memory_space<semaphore_mem>>) src(%dma_wait3A_560 : memref<64xi32, #tpu.memory_space<hbm>>) dst(%dma_wait3A_557 : memref<64xi32, #tpu.memory_space<vmem>>)
    %dma_wait3A_561 = arith.constant 0 : i32
    %dma_wait3A_562 = arith.constant 0 : i32
    %dma_wait3A_563 = arith.constant 0 : i32
    %dma_wait3A_564 = tpu.memref_slice %arg7[%dma_wait3A_562, %dma_wait3A_563] : memref<8x64xi32, #tpu.memory_space<vmem>> -> memref<1x64xi32, #tpu.memory_space<vmem>>
    %dma_wait3A_565 = tpu.memref_squeeze %dma_wait3A_564 : memref<1x64xi32, #tpu.memory_space<vmem>> -> memref<64xi32, #tpu.memory_space<vmem>>
    %dma_wait3A_566 = arith.constant 0 : i32
    %dma_wait3A_567 = tpu.memref_slice %arg3[%dma_wait3A_561, %dma_wait3A_566] : memref<5056x64xi32, #tpu.memory_space<hbm>> -> memref<1x64xi32, #tpu.memory_space<hbm>>
    %dma_wait3A_568 = tpu.memref_squeeze %dma_wait3A_567 : memref<1x64xi32, #tpu.memory_space<hbm>> -> memref<64xi32, #tpu.memory_space<hbm>>
    %dma_wait3A_569 = arith.constant 0 : i32
    %dma_wait3A_570 = tpu.memref_slice %arg7[%dma_wait3A_562, %dma_wait3A_569] : memref<8x64xi32, #tpu.memory_space<vmem>> -> memref<1x64xi32, #tpu.memory_space<vmem>>
    %dma_wait3A_571 = tpu.memref_squeeze %dma_wait3A_570 : memref<1x64xi32, #tpu.memory_space<vmem>> -> memref<64xi32, #tpu.memory_space<vmem>>
    %dma_wait3A_572 = arith.constant 0 : i32
    %dma_wait3A_573 = tpu.memref_slice %arg3[%dma_wait3A_561, %dma_wait3A_572] : memref<5056x64xi32, #tpu.memory_space<hbm>> -> memref<1x64xi32, #tpu.memory_space<hbm>>
    %dma_wait3A_574 = tpu.memref_squeeze %dma_wait3A_573 : memref<1x64xi32, #tpu.memory_space<hbm>> -> memref<64xi32, #tpu.memory_space<hbm>>
    tpu.wait_dma2 semaphore(%arg20 : memref<!tpu.dma_semaphore, #tpu.memory_space<semaphore_mem>>) src(%dma_wait3A_574 : memref<64xi32, #tpu.memory_space<hbm>>) dst(%dma_wait3A_571 : memref<64xi32, #tpu.memory_space<vmem>>)
    %dma_start3A_575 = arith.constant 1 : i32
    %dma_start3A_576 = arith.constant 1 : i32
    %dma_start3A_577 = arith.constant 0 : i32
    %dma_start3A_578 = arith.constant 0 : i32
    %dma_start3A_579 = tpu.memref_slice %arg8[%dma_start3A_576, %dma_start3A_577, %dma_start3A_578] : memref<4x64x128xf32, #tpu.memory_space<vmem>> -> memref<1x64x128xf32, #tpu.memory_space<vmem>>
    %dma_start3A_580 = tpu.memref_squeeze %dma_start3A_579 : memref<1x64x128xf32, #tpu.memory_space<vmem>> -> memref<64x128xf32, #tpu.memory_space<vmem>>
    %dma_start3A_581 = arith.constant 0 : i32
    %dma_start3A_582 = tpu.memref_slice %arg6[%dma_start3A_575, %dma_start3A_581] : memref<8x64xi32, #tpu.memory_space<vmem>> -> memref<1x64xi32, #tpu.memory_space<vmem>>
    %dma_start3A_583 = tpu.memref_squeeze %dma_start3A_582 : memref<1x64xi32, #tpu.memory_space<vmem>> -> memref<64xi32, #tpu.memory_space<vmem>>
    %dma_start3A_584 = arith.constant 0 : i32
    %dma_start3A_585 = arith.constant 0 : i32
    %dma_start3A_586 = tpu.memref_slice %arg4[%dma_start3A_584, %dma_start3A_585] : memref<10000x128xf32, #tpu.memory_space<hbm>> -> memref<10000x128xf32, #tpu.memory_space<hbm>>
    tpu.enqueue_indirect_dma source(%dma_start3A_586 : memref<10000x128xf32, #tpu.memory_space<hbm>>) target(%dma_start3A_580 : memref<64x128xf32, #tpu.memory_space<vmem>>) offsets(%dma_start3A_583 : memref<64xi32, #tpu.memory_space<vmem>>) semaphore(%arg10 : memref<!tpu.dma_semaphore, #tpu.memory_space<semaphore_mem>>)
    %dma_wait3A_587 = arith.constant 0 : i32
    %dma_wait3A_588 = arith.constant 0 : i32
    %dma_wait3A_589 = arith.constant 0 : i32
    %dma_wait3A_590 = tpu.memref_slice %arg6[%dma_wait3A_588, %dma_wait3A_589] : memref<8x64xi32, #tpu.memory_space<vmem>> -> memref<1x64xi32, #tpu.memory_space<vmem>>
    %dma_wait3A_591 = tpu.memref_squeeze %dma_wait3A_590 : memref<1x64xi32, #tpu.memory_space<vmem>> -> memref<64xi32, #tpu.memory_space<vmem>>
    %dma_wait3A_592 = arith.constant 0 : i32
    %dma_wait3A_593 = tpu.memref_slice %arg2[%dma_wait3A_587, %dma_wait3A_592] : memref<5056x64xi32, #tpu.memory_space<hbm>> -> memref<1x64xi32, #tpu.memory_space<hbm>>
    %dma_wait3A_594 = tpu.memref_squeeze %dma_wait3A_593 : memref<1x64xi32, #tpu.memory_space<hbm>> -> memref<64xi32, #tpu.memory_space<hbm>>
    %dma_wait3A_595 = arith.constant 0 : i32
    %dma_wait3A_596 = tpu.memref_slice %arg6[%dma_wait3A_588, %dma_wait3A_595] : memref<8x64xi32, #tpu.memory_space<vmem>> -> memref<1x64xi32, #tpu.memory_space<vmem>>
    %dma_wait3A_597 = tpu.memref_squeeze %dma_wait3A_596 : memref<1x64xi32, #tpu.memory_space<vmem>> -> memref<64xi32, #tpu.memory_space<vmem>>
    %dma_wait3A_598 = arith.constant 0 : i32
    %dma_wait3A_599 = tpu.memref_slice %arg2[%dma_wait3A_587, %dma_wait3A_598] : memref<5056x64xi32, #tpu.memory_space<hbm>> -> memref<1x64xi32, #tpu.memory_space<hbm>>
    %dma_wait3A_600 = tpu.memref_squeeze %dma_wait3A_599 : memref<1x64xi32, #tpu.memory_space<hbm>> -> memref<64xi32, #tpu.memory_space<hbm>>
    tpu.wait_dma2 semaphore(%arg17 : memref<!tpu.dma_semaphore, #tpu.memory_space<semaphore_mem>>) src(%dma_wait3A_600 : memref<64xi32, #tpu.memory_space<hbm>>) dst(%dma_wait3A_597 : memref<64xi32, #tpu.memory_space<vmem>>)
    %dma_wait3A_601 = arith.constant 0 : i32
    %dma_wait3A_602 = arith.constant 0 : i32
    %dma_wait3A_603 = arith.constant 0 : i32
    %dma_wait3A_604 = tpu.memref_slice %arg7[%dma_wait3A_602, %dma_wait3A_603] : memref<8x64xi32, #tpu.memory_space<vmem>> -> memref<1x64xi32, #tpu.memory_space<vmem>>
    %dma_wait3A_605 = tpu.memref_squeeze %dma_wait3A_604 : memref<1x64xi32, #tpu.memory_space<vmem>> -> memref<64xi32, #tpu.memory_space<vmem>>
    %dma_wait3A_606 = arith.constant 0 : i32
    %dma_wait3A_607 = tpu.memref_slice %arg3[%dma_wait3A_601, %dma_wait3A_606] : memref<5056x64xi32, #tpu.memory_space<hbm>> -> memref<1x64xi32, #tpu.memory_space<hbm>>
    %dma_wait3A_608 = tpu.memref_squeeze %dma_wait3A_607 : memref<1x64xi32, #tpu.memory_space<hbm>> -> memref<64xi32, #tpu.memory_space<hbm>>
    %dma_wait3A_609 = arith.constant 0 : i32
    %dma_wait3A_610 = tpu.memref_slice %arg7[%dma_wait3A_602, %dma_wait3A_609] : memref<8x64xi32, #tpu.memory_space<vmem>> -> memref<1x64xi32, #tpu.memory_space<vmem>>
    %dma_wait3A_611 = tpu.memref_squeeze %dma_wait3A_610 : memref<1x64xi32, #tpu.memory_space<vmem>> -> memref<64xi32, #tpu.memory_space<vmem>>
    %dma_wait3A_612 = arith.constant 0 : i32
    %dma_wait3A_613 = tpu.memref_slice %arg3[%dma_wait3A_601, %dma_wait3A_612] : memref<5056x64xi32, #tpu.memory_space<hbm>> -> memref<1x64xi32, #tpu.memory_space<hbm>>
    %dma_wait3A_614 = tpu.memref_squeeze %dma_wait3A_613 : memref<1x64xi32, #tpu.memory_space<hbm>> -> memref<64xi32, #tpu.memory_space<hbm>>
    tpu.wait_dma2 semaphore(%arg19 : memref<!tpu.dma_semaphore, #tpu.memory_space<semaphore_mem>>) src(%dma_wait3A_614 : memref<64xi32, #tpu.memory_space<hbm>>) dst(%dma_wait3A_611 : memref<64xi32, #tpu.memory_space<vmem>>)
    %dma_start3A_615 = arith.constant 2 : i32
    %dma_start3A_616 = arith.constant 2 : i32
    %dma_start3A_617 = arith.constant 0 : i32
    %dma_start3A_618 = arith.constant 0 : i32
    %dma_start3A_619 = tpu.memref_slice %arg8[%dma_start3A_616, %dma_start3A_617, %dma_start3A_618] : memref<4x64x128xf32, #tpu.memory_space<vmem>> -> memref<1x64x128xf32, #tpu.memory_space<vmem>>
    %dma_start3A_620 = tpu.memref_squeeze %dma_start3A_619 : memref<1x64x128xf32, #tpu.memory_space<vmem>> -> memref<64x128xf32, #tpu.memory_space<vmem>>
    %dma_start3A_621 = arith.constant 0 : i32
    %dma_start3A_622 = tpu.memref_slice %arg6[%dma_start3A_615, %dma_start3A_621] : memref<8x64xi32, #tpu.memory_space<vmem>> -> memref<1x64xi32, #tpu.memory_space<vmem>>
    %dma_start3A_623 = tpu.memref_squeeze %dma_start3A_622 : memref<1x64xi32, #tpu.memory_space<vmem>> -> memref<64xi32, #tpu.memory_space<vmem>>
    %dma_start3A_624 = arith.constant 0 : i32
    %dma_start3A_625 = arith.constant 0 : i32
    %dma_start3A_626 = tpu.memref_slice %arg4[%dma_start3A_624, %dma_start3A_625] : memref<10000x128xf32, #tpu.memory_space<hbm>> -> memref<10000x128xf32, #tpu.memory_space<hbm>>
    tpu.enqueue_indirect_dma source(%dma_start3A_626 : memref<10000x128xf32, #tpu.memory_space<hbm>>) target(%dma_start3A_620 : memref<64x128xf32, #tpu.memory_space<vmem>>) offsets(%dma_start3A_623 : memref<64xi32, #tpu.memory_space<vmem>>) semaphore(%arg11 : memref<!tpu.dma_semaphore, #tpu.memory_space<semaphore_mem>>)
    %dma_wait3A_627 = arith.constant 0 : i32
    %dma_wait3A_628 = arith.constant 0 : i32
    %dma_wait3A_629 = arith.constant 0 : i32
    %dma_wait3A_630 = tpu.memref_slice %arg6[%dma_wait3A_628, %dma_wait3A_629] : memref<8x64xi32, #tpu.memory_space<vmem>> -> memref<1x64xi32, #tpu.memory_space<vmem>>
    %dma_wait3A_631 = tpu.memref_squeeze %dma_wait3A_630 : memref<1x64xi32, #tpu.memory_space<vmem>> -> memref<64xi32, #tpu.memory_space<vmem>>
    %dma_wait3A_632 = arith.constant 0 : i32
    %dma_wait3A_633 = tpu.memref_slice %arg2[%dma_wait3A_627, %dma_wait3A_632] : memref<5056x64xi32, #tpu.memory_space<hbm>> -> memref<1x64xi32, #tpu.memory_space<hbm>>
    %dma_wait3A_634 = tpu.memref_squeeze %dma_wait3A_633 : memref<1x64xi32, #tpu.memory_space<hbm>> -> memref<64xi32, #tpu.memory_space<hbm>>
    %dma_wait3A_635 = arith.constant 0 : i32
    %dma_wait3A_636 = tpu.memref_slice %arg6[%dma_wait3A_628, %dma_wait3A_635] : memref<8x64xi32, #tpu.memory_space<vmem>> -> memref<1x64xi32, #tpu.memory_space<vmem>>
    %dma_wait3A_637 = tpu.memref_squeeze %dma_wait3A_636 : memref<1x64xi32, #tpu.memory_space<vmem>> -> memref<64xi32, #tpu.memory_space<vmem>>
    %dma_wait3A_638 = arith.constant 0 : i32
    %dma_wait3A_639 = tpu.memref_slice %arg2[%dma_wait3A_627, %dma_wait3A_638] : memref<5056x64xi32, #tpu.memory_space<hbm>> -> memref<1x64xi32, #tpu.memory_space<hbm>>
    %dma_wait3A_640 = tpu.memref_squeeze %dma_wait3A_639 : memref<1x64xi32, #tpu.memory_space<hbm>> -> memref<64xi32, #tpu.memory_space<hbm>>
    tpu.wait_dma2 semaphore(%arg18 : memref<!tpu.dma_semaphore, #tpu.memory_space<semaphore_mem>>) src(%dma_wait3A_640 : memref<64xi32, #tpu.memory_space<hbm>>) dst(%dma_wait3A_637 : memref<64xi32, #tpu.memory_space<vmem>>)
    %dma_wait3A_641 = arith.constant 0 : i32
    %dma_wait3A_642 = arith.constant 0 : i32
    %dma_wait3A_643 = arith.constant 0 : i32
    %dma_wait3A_644 = tpu.memref_slice %arg7[%dma_wait3A_642, %dma_wait3A_643] : memref<8x64xi32, #tpu.memory_space<vmem>> -> memref<1x64xi32, #tpu.memory_space<vmem>>
    %dma_wait3A_645 = tpu.memref_squeeze %dma_wait3A_644 : memref<1x64xi32, #tpu.memory_space<vmem>> -> memref<64xi32, #tpu.memory_space<vmem>>
    %dma_wait3A_646 = arith.constant 0 : i32
    %dma_wait3A_647 = tpu.memref_slice %arg3[%dma_wait3A_641, %dma_wait3A_646] : memref<5056x64xi32, #tpu.memory_space<hbm>> -> memref<1x64xi32, #tpu.memory_space<hbm>>
    %dma_wait3A_648 = tpu.memref_squeeze %dma_wait3A_647 : memref<1x64xi32, #tpu.memory_space<hbm>> -> memref<64xi32, #tpu.memory_space<hbm>>
    %dma_wait3A_649 = arith.constant 0 : i32
    %dma_wait3A_650 = tpu.memref_slice %arg7[%dma_wait3A_642, %dma_wait3A_649] : memref<8x64xi32, #tpu.memory_space<vmem>> -> memref<1x64xi32, #tpu.memory_space<vmem>>
    %dma_wait3A_651 = tpu.memref_squeeze %dma_wait3A_650 : memref<1x64xi32, #tpu.memory_space<vmem>> -> memref<64xi32, #tpu.memory_space<vmem>>
    %dma_wait3A_652 = arith.constant 0 : i32
    %dma_wait3A_653 = tpu.memref_slice %arg3[%dma_wait3A_641, %dma_wait3A_652] : memref<5056x64xi32, #tpu.memory_space<hbm>> -> memref<1x64xi32, #tpu.memory_space<hbm>>
    %dma_wait3A_654 = tpu.memref_squeeze %dma_wait3A_653 : memref<1x64xi32, #tpu.memory_space<hbm>> -> memref<64xi32, #tpu.memory_space<hbm>>
    tpu.wait_dma2 semaphore(%arg20 : memref<!tpu.dma_semaphore, #tpu.memory_space<semaphore_mem>>) src(%dma_wait3A_654 : memref<64xi32, #tpu.memory_space<hbm>>) dst(%dma_wait3A_651 : memref<64xi32, #tpu.memory_space<vmem>>)
    %dma_start3A_655 = arith.constant 3 : i32
    %dma_start3A_656 = arith.constant 3 : i32
    %dma_start3A_657 = arith.constant 0 : i32
    %dma_start3A_658 = arith.constant 0 : i32
    %dma_start3A_659 = tpu.memref_slice %arg8[%dma_start3A_656, %dma_start3A_657, %dma_start3A_658] : memref<4x64x128xf32, #tpu.memory_space<vmem>> -> memref<1x64x128xf32, #tpu.memory_space<vmem>>
    %dma_start3A_660 = tpu.memref_squeeze %dma_start3A_659 : memref<1x64x128xf32, #tpu.memory_space<vmem>> -> memref<64x128xf32, #tpu.memory_space<vmem>>
    %dma_start3A_661 = arith.constant 0 : i32
    %dma_start3A_662 = tpu.memref_slice %arg6[%dma_start3A_655, %dma_start3A_661] : memref<8x64xi32, #tpu.memory_space<vmem>> -> memref<1x64xi32, #tpu.memory_space<vmem>>
    %dma_start3A_663 = tpu.memref_squeeze %dma_start3A_662 : memref<1x64xi32, #tpu.memory_space<vmem>> -> memref<64xi32, #tpu.memory_space<vmem>>
    %dma_start3A_664 = arith.constant 0 : i32
    %dma_start3A_665 = arith.constant 0 : i32
    %dma_start3A_666 = tpu.memref_slice %arg4[%dma_start3A_664, %dma_start3A_665] : memref<10000x128xf32, #tpu.memory_space<hbm>> -> memref<10000x128xf32, #tpu.memory_space<hbm>>
    tpu.enqueue_indirect_dma source(%dma_start3A_666 : memref<10000x128xf32, #tpu.memory_space<hbm>>) target(%dma_start3A_660 : memref<64x128xf32, #tpu.memory_space<vmem>>) offsets(%dma_start3A_663 : memref<64xi32, #tpu.memory_space<vmem>>) semaphore(%arg12 : memref<!tpu.dma_semaphore, #tpu.memory_space<semaphore_mem>>)
    %jit3A_667 = arith.constant 4 : i32
    %div3A = arith.divsi %select_n3A_2, %jit3A_667 : i32
    %sign3A = arith.constant 0 : i32
    %sign3A_668 = arith.cmpi sgt, %select_n3A_2, %sign3A : i32
    %sign3A_669 = arith.extui %sign3A_668 : i1 to i32
    %sign3A_670 = arith.constant 0 : i32
    %sign3A_671 = arith.cmpi slt, %select_n3A_2, %sign3A_670 : i32
    %sign3A_672 = arith.extui %sign3A_671 : i1 to i32
    %sign3A_673 = arith.subi %sign3A_669, %sign3A_672 : i32
    %sign3A_674 = arith.constant 0 : i32
    %sign3A_675 = arith.cmpi sgt, %jit3A_667, %sign3A_674 : i32
    %sign3A_676 = arith.extui %sign3A_675 : i1 to i32
    %sign3A_677 = arith.constant 0 : i32
    %sign3A_678 = arith.cmpi slt, %jit3A_667, %sign3A_677 : i32
    %sign3A_679 = arith.extui %sign3A_678 : i1 to i32
    %sign3A_680 = arith.subi %sign3A_676, %sign3A_679 : i32
    %ne3A_681 = arith.cmpi ne, %sign3A_673, %sign3A_680 : i32
    %rem3A_682 = arith.remsi %select_n3A_2, %jit3A_667 : i32
    %ne3A_683 = arith.constant 0 : i32
    %ne3A_684 = arith.cmpi ne, %rem3A_682, %ne3A_683 : i32
    %and3A_685 = arith.andi %ne3A_681, %ne3A_684 : i1
    %sub3A = arith.constant 1 : i32
    %sub3A_686 = arith.subi %div3A, %sub3A : i32
    %select_n3A_687 = arith.select %and3A_685, %sub3A_686, %div3A : i32
    %while3A = arith.constant 0 : i32
    %while3A_688 = arith.constant 0 : i32
    %while3A_689 = arith.subi %select_n3A_687, %while3A : i32
    %while3A_690 = arith.addi %while3A, %while3A_689 : i32
    %while3A_691 = arith.constant 1 : i32
    %while3A_692 = arith.divsi %while3A_689, %while3A_691 : i32
    %while3A_693 = arith.muli %while3A_692, %while3A_691 : i32
    %while3A_694 = arith.addi %while3A, %while3A_693 : i32
    %while3A_695 = arith.constant 1 : i32
    %while3A_696 = scf.for %while3A_710 = %while3A to %while3A_694 step %while3A_695 iter_args(%while3A_711 = %while3A_688) -> (i32)  : i32 {
      %mul3A_712 = arith.constant 4 : i32
      %mul3A_713 = arith.muli %mul3A_712, %while3A_710 : i32
      %add3A_714 = arith.constant 0 : i32
      %add3A_715 = arith.addi %mul3A_713, %add3A_714 : i32
      %dma_wait3A_716 = arith.constant 0 : i32
      %dma_wait3A_717 = arith.constant 0 : i32
      %dma_wait3A_718 = arith.constant 0 : i32
      %dma_wait3A_719 = tpu.memref_slice %arg8[%dma_wait3A_716, %dma_wait3A_717, %dma_wait3A_718] : memref<4x64x128xf32, #tpu.memory_space<vmem>> -> memref<1x64x128xf32, #tpu.memory_space<vmem>>
      %dma_wait3A_720 = tpu.memref_squeeze %dma_wait3A_719 : memref<1x64x128xf32, #tpu.memory_space<vmem>> -> memref<64x128xf32, #tpu.memory_space<vmem>>
      %dma_wait3A_721 = arith.constant 0 : i32
      %dma_wait3A_722 = arith.constant 0 : i32
      %dma_wait3A_723 = tpu.memref_slice %arg4[%dma_wait3A_721, %dma_wait3A_722] : memref<10000x128xf32, #tpu.memory_space<hbm>> -> memref<64x128xf32, #tpu.memory_space<hbm>>
      %dma_wait3A_724 = arith.constant 0 : i32
      %dma_wait3A_725 = arith.constant 0 : i32
      %dma_wait3A_726 = tpu.memref_slice %arg8[%dma_wait3A_716, %dma_wait3A_724, %dma_wait3A_725] : memref<4x64x128xf32, #tpu.memory_space<vmem>> -> memref<1x64x128xf32, #tpu.memory_space<vmem>>
      %dma_wait3A_727 = tpu.memref_squeeze %dma_wait3A_726 : memref<1x64x128xf32, #tpu.memory_space<vmem>> -> memref<64x128xf32, #tpu.memory_space<vmem>>
      %dma_wait3A_728 = arith.constant 0 : i32
      %dma_wait3A_729 = arith.constant 0 : i32
      %dma_wait3A_730 = tpu.memref_slice %arg4[%dma_wait3A_728, %dma_wait3A_729] : memref<10000x128xf32, #tpu.memory_space<hbm>> -> memref<64x128xf32, #tpu.memory_space<hbm>>
      tpu.wait_dma2 semaphore(%arg9 : memref<!tpu.dma_semaphore, #tpu.memory_space<semaphore_mem>>) src(%dma_wait3A_730 : memref<64x128xf32, #tpu.memory_space<hbm>>) dst(%dma_wait3A_727 : memref<64x128xf32, #tpu.memory_space<vmem>>)
      %jit3A_731 = arith.constant 8 : i32
      %eq3A_732 = arith.constant 0 : i32
      %eq3A_733 = arith.cmpi eq, %jit3A_731, %eq3A_732 : i32
      %jit3A_734 = arith.constant 1 : i32
      %select_n3A_735 = arith.select %eq3A_733, %jit3A_734, %jit3A_731 : i32
      %rem3A_736 = arith.remsi %add3A_715, %select_n3A_735 : i32
      %ne3A_737 = arith.constant 0 : i32
      %ne3A_738 = arith.cmpi ne, %rem3A_736, %ne3A_737 : i32
      %lt3A_739 = arith.constant 0 : i32
      %lt3A_740 = arith.cmpi slt, %rem3A_736, %lt3A_739 : i32
      %lt3A_741 = arith.constant 0 : i32
      %lt3A_742 = arith.cmpi slt, %select_n3A_735, %lt3A_741 : i32
      %ne3A_743 = arith.xori %lt3A_740, %lt3A_742 : i1
      %and3A_744 = arith.andi %ne3A_743, %ne3A_738 : i1
      %add3A_745 = arith.addi %rem3A_736, %select_n3A_735 : i32
      %select_n3A_746 = arith.select %and3A_744, %add3A_745, %rem3A_736 : i32
      %dma_start3A_747 = arith.constant 0 : i32
      %dma_start3A_748 = arith.constant 0 : i32
      %dma_start3A_749 = arith.constant 0 : i32
      %dma_start3A_750 = tpu.memref_slice %arg8[%dma_start3A_747, %dma_start3A_748, %dma_start3A_749] : memref<4x64x128xf32, #tpu.memory_space<vmem>> -> memref<1x64x128xf32, #tpu.memory_space<vmem>>
      %dma_start3A_751 = tpu.memref_squeeze %dma_start3A_750 : memref<1x64x128xf32, #tpu.memory_space<vmem>> -> memref<64x128xf32, #tpu.memory_space<vmem>>
      %dma_start3A_752 = arith.constant 0 : i32
      %dma_start3A_753 = tpu.memref_slice %arg7[%select_n3A_746, %dma_start3A_752] : memref<8x64xi32, #tpu.memory_space<vmem>> -> memref<1x64xi32, #tpu.memory_space<vmem>>
      %dma_start3A_754 = tpu.memref_squeeze %dma_start3A_753 : memref<1x64xi32, #tpu.memory_space<vmem>> -> memref<64xi32, #tpu.memory_space<vmem>>
      %dma_start3A_755 = arith.constant 0 : i32
      %dma_start3A_756 = arith.constant 0 : i32
      %dma_start3A_757 = tpu.memref_slice %arg21[%dma_start3A_755, %dma_start3A_756] : memref<10048x128xf32, #tpu.memory_space<vmem_shared>> -> memref<10048x128xf32, #tpu.memory_space<vmem_shared>>
      tpu.enqueue_indirect_dma source(%dma_start3A_751 : memref<64x128xf32, #tpu.memory_space<vmem>>) target(%dma_start3A_757 : memref<10048x128xf32, #tpu.memory_space<vmem_shared>>) offsets(%dma_start3A_754 : memref<64xi32, #tpu.memory_space<vmem>>) semaphore(%arg13 : memref<!tpu.dma_semaphore, #tpu.memory_space<semaphore_mem>>) {add = true}
      %add3A_758 = arith.constant 1 : i32
      %add3A_759 = arith.addi %mul3A_713, %add3A_758 : i32
      %dma_wait3A_760 = arith.constant 1 : i32
      %dma_wait3A_761 = arith.constant 0 : i32
      %dma_wait3A_762 = arith.constant 0 : i32
      %dma_wait3A_763 = tpu.memref_slice %arg8[%dma_wait3A_760, %dma_wait3A_761, %dma_wait3A_762] : memref<4x64x128xf32, #tpu.memory_space<vmem>> -> memref<1x64x128xf32, #tpu.memory_space<vmem>>
      %dma_wait3A_764 = tpu.memref_squeeze %dma_wait3A_763 : memref<1x64x128xf32, #tpu.memory_space<vmem>> -> memref<64x128xf32, #tpu.memory_space<vmem>>
      %dma_wait3A_765 = arith.constant 0 : i32
      %dma_wait3A_766 = arith.constant 0 : i32
      %dma_wait3A_767 = tpu.memref_slice %arg4[%dma_wait3A_765, %dma_wait3A_766] : memref<10000x128xf32, #tpu.memory_space<hbm>> -> memref<64x128xf32, #tpu.memory_space<hbm>>
      %dma_wait3A_768 = arith.constant 0 : i32
      %dma_wait3A_769 = arith.constant 0 : i32
      %dma_wait3A_770 = tpu.memref_slice %arg8[%dma_wait3A_760, %dma_wait3A_768, %dma_wait3A_769] : memref<4x64x128xf32, #tpu.memory_space<vmem>> -> memref<1x64x128xf32, #tpu.memory_space<vmem>>
      %dma_wait3A_771 = tpu.memref_squeeze %dma_wait3A_770 : memref<1x64x128xf32, #tpu.memory_space<vmem>> -> memref<64x128xf32, #tpu.memory_space<vmem>>
      %dma_wait3A_772 = arith.constant 0 : i32
      %dma_wait3A_773 = arith.constant 0 : i32
      %dma_wait3A_774 = tpu.memref_slice %arg4[%dma_wait3A_772, %dma_wait3A_773] : memref<10000x128xf32, #tpu.memory_space<hbm>> -> memref<64x128xf32, #tpu.memory_space<hbm>>
      tpu.wait_dma2 semaphore(%arg10 : memref<!tpu.dma_semaphore, #tpu.memory_space<semaphore_mem>>) src(%dma_wait3A_774 : memref<64x128xf32, #tpu.memory_space<hbm>>) dst(%dma_wait3A_771 : memref<64x128xf32, #tpu.memory_space<vmem>>)
      %jit3A_775 = arith.constant 8 : i32
      %eq3A_776 = arith.constant 0 : i32
      %eq3A_777 = arith.cmpi eq, %jit3A_775, %eq3A_776 : i32
      %jit3A_778 = arith.constant 1 : i32
      %select_n3A_779 = arith.select %eq3A_777, %jit3A_778, %jit3A_775 : i32
      %rem3A_780 = arith.remsi %add3A_759, %select_n3A_779 : i32
      %ne3A_781 = arith.constant 0 : i32
      %ne3A_782 = arith.cmpi ne, %rem3A_780, %ne3A_781 : i32
      %lt3A_783 = arith.constant 0 : i32
      %lt3A_784 = arith.cmpi slt, %rem3A_780, %lt3A_783 : i32
      %lt3A_785 = arith.constant 0 : i32
      %lt3A_786 = arith.cmpi slt, %select_n3A_779, %lt3A_785 : i32
      %ne3A_787 = arith.xori %lt3A_784, %lt3A_786 : i1
      %and3A_788 = arith.andi %ne3A_787, %ne3A_782 : i1
      %add3A_789 = arith.addi %rem3A_780, %select_n3A_779 : i32
      %select_n3A_790 = arith.select %and3A_788, %add3A_789, %rem3A_780 : i32
      %dma_start3A_791 = arith.constant 1 : i32
      %dma_start3A_792 = arith.constant 0 : i32
      %dma_start3A_793 = arith.constant 0 : i32
      %dma_start3A_794 = tpu.memref_slice %arg8[%dma_start3A_791, %dma_start3A_792, %dma_start3A_793] : memref<4x64x128xf32, #tpu.memory_space<vmem>> -> memref<1x64x128xf32, #tpu.memory_space<vmem>>
      %dma_start3A_795 = tpu.memref_squeeze %dma_start3A_794 : memref<1x64x128xf32, #tpu.memory_space<vmem>> -> memref<64x128xf32, #tpu.memory_space<vmem>>
      %dma_start3A_796 = arith.constant 0 : i32
      %dma_start3A_797 = tpu.memref_slice %arg7[%select_n3A_790, %dma_start3A_796] : memref<8x64xi32, #tpu.memory_space<vmem>> -> memref<1x64xi32, #tpu.memory_space<vmem>>
      %dma_start3A_798 = tpu.memref_squeeze %dma_start3A_797 : memref<1x64xi32, #tpu.memory_space<vmem>> -> memref<64xi32, #tpu.memory_space<vmem>>
      %dma_start3A_799 = arith.constant 0 : i32
      %dma_start3A_800 = arith.constant 0 : i32
      %dma_start3A_801 = tpu.memref_slice %arg21[%dma_start3A_799, %dma_start3A_800] : memref<10048x128xf32, #tpu.memory_space<vmem_shared>> -> memref<10048x128xf32, #tpu.memory_space<vmem_shared>>
      tpu.enqueue_indirect_dma source(%dma_start3A_795 : memref<64x128xf32, #tpu.memory_space<vmem>>) target(%dma_start3A_801 : memref<10048x128xf32, #tpu.memory_space<vmem_shared>>) offsets(%dma_start3A_798 : memref<64xi32, #tpu.memory_space<vmem>>) semaphore(%arg14 : memref<!tpu.dma_semaphore, #tpu.memory_space<semaphore_mem>>) {add = true}
      %add3A_802 = arith.constant 2 : i32
      %add3A_803 = arith.addi %mul3A_713, %add3A_802 : i32
      %dma_wait3A_804 = arith.constant 2 : i32
      %dma_wait3A_805 = arith.constant 0 : i32
      %dma_wait3A_806 = arith.constant 0 : i32
      %dma_wait3A_807 = tpu.memref_slice %arg8[%dma_wait3A_804, %dma_wait3A_805, %dma_wait3A_806] : memref<4x64x128xf32, #tpu.memory_space<vmem>> -> memref<1x64x128xf32, #tpu.memory_space<vmem>>
      %dma_wait3A_808 = tpu.memref_squeeze %dma_wait3A_807 : memref<1x64x128xf32, #tpu.memory_space<vmem>> -> memref<64x128xf32, #tpu.memory_space<vmem>>
      %dma_wait3A_809 = arith.constant 0 : i32
      %dma_wait3A_810 = arith.constant 0 : i32
      %dma_wait3A_811 = tpu.memref_slice %arg4[%dma_wait3A_809, %dma_wait3A_810] : memref<10000x128xf32, #tpu.memory_space<hbm>> -> memref<64x128xf32, #tpu.memory_space<hbm>>
      %dma_wait3A_812 = arith.constant 0 : i32
      %dma_wait3A_813 = arith.constant 0 : i32
      %dma_wait3A_814 = tpu.memref_slice %arg8[%dma_wait3A_804, %dma_wait3A_812, %dma_wait3A_813] : memref<4x64x128xf32, #tpu.memory_space<vmem>> -> memref<1x64x128xf32, #tpu.memory_space<vmem>>
      %dma_wait3A_815 = tpu.memref_squeeze %dma_wait3A_814 : memref<1x64x128xf32, #tpu.memory_space<vmem>> -> memref<64x128xf32, #tpu.memory_space<vmem>>
      %dma_wait3A_816 = arith.constant 0 : i32
      %dma_wait3A_817 = arith.constant 0 : i32
      %dma_wait3A_818 = tpu.memref_slice %arg4[%dma_wait3A_816, %dma_wait3A_817] : memref<10000x128xf32, #tpu.memory_space<hbm>> -> memref<64x128xf32, #tpu.memory_space<hbm>>
      tpu.wait_dma2 semaphore(%arg11 : memref<!tpu.dma_semaphore, #tpu.memory_space<semaphore_mem>>) src(%dma_wait3A_818 : memref<64x128xf32, #tpu.memory_space<hbm>>) dst(%dma_wait3A_815 : memref<64x128xf32, #tpu.memory_space<vmem>>)
      %jit3A_819 = arith.constant 8 : i32
      %eq3A_820 = arith.constant 0 : i32
      %eq3A_821 = arith.cmpi eq, %jit3A_819, %eq3A_820 : i32
      %jit3A_822 = arith.constant 1 : i32
      %select_n3A_823 = arith.select %eq3A_821, %jit3A_822, %jit3A_819 : i32
      %rem3A_824 = arith.remsi %add3A_803, %select_n3A_823 : i32
      %ne3A_825 = arith.constant 0 : i32
      %ne3A_826 = arith.cmpi ne, %rem3A_824, %ne3A_825 : i32
      %lt3A_827 = arith.constant 0 : i32
      %lt3A_828 = arith.cmpi slt, %rem3A_824, %lt3A_827 : i32
      %lt3A_829 = arith.constant 0 : i32
      %lt3A_830 = arith.cmpi slt, %select_n3A_823, %lt3A_829 : i32
      %ne3A_831 = arith.xori %lt3A_828, %lt3A_830 : i1
      %and3A_832 = arith.andi %ne3A_831, %ne3A_826 : i1
      %add3A_833 = arith.addi %rem3A_824, %select_n3A_823 : i32
      %select_n3A_834 = arith.select %and3A_832, %add3A_833, %rem3A_824 : i32
      %dma_start3A_835 = arith.constant 2 : i32
      %dma_start3A_836 = arith.constant 0 : i32
      %dma_start3A_837 = arith.constant 0 : i32
      %dma_start3A_838 = tpu.memref_slice %arg8[%dma_start3A_835, %dma_start3A_836, %dma_start3A_837] : memref<4x64x128xf32, #tpu.memory_space<vmem>> -> memref<1x64x128xf32, #tpu.memory_space<vmem>>
      %dma_start3A_839 = tpu.memref_squeeze %dma_start3A_838 : memref<1x64x128xf32, #tpu.memory_space<vmem>> -> memref<64x128xf32, #tpu.memory_space<vmem>>
      %dma_start3A_840 = arith.constant 0 : i32
      %dma_start3A_841 = tpu.memref_slice %arg7[%select_n3A_834, %dma_start3A_840] : memref<8x64xi32, #tpu.memory_space<vmem>> -> memref<1x64xi32, #tpu.memory_space<vmem>>
      %dma_start3A_842 = tpu.memref_squeeze %dma_start3A_841 : memref<1x64xi32, #tpu.memory_space<vmem>> -> memref<64xi32, #tpu.memory_space<vmem>>
      %dma_start3A_843 = arith.constant 0 : i32
      %dma_start3A_844 = arith.constant 0 : i32
      %dma_start3A_845 = tpu.memref_slice %arg21[%dma_start3A_843, %dma_start3A_844] : memref<10048x128xf32, #tpu.memory_space<vmem_shared>> -> memref<10048x128xf32, #tpu.memory_space<vmem_shared>>
      tpu.enqueue_indirect_dma source(%dma_start3A_839 : memref<64x128xf32, #tpu.memory_space<vmem>>) target(%dma_start3A_845 : memref<10048x128xf32, #tpu.memory_space<vmem_shared>>) offsets(%dma_start3A_842 : memref<64xi32, #tpu.memory_space<vmem>>) semaphore(%arg15 : memref<!tpu.dma_semaphore, #tpu.memory_space<semaphore_mem>>) {add = true}
      %add3A_846 = arith.constant 3 : i32
      %add3A_847 = arith.addi %mul3A_713, %add3A_846 : i32
      %dma_wait3A_848 = arith.constant 3 : i32
      %dma_wait3A_849 = arith.constant 0 : i32
      %dma_wait3A_850 = arith.constant 0 : i32
      %dma_wait3A_851 = tpu.memref_slice %arg8[%dma_wait3A_848, %dma_wait3A_849, %dma_wait3A_850] : memref<4x64x128xf32, #tpu.memory_space<vmem>> -> memref<1x64x128xf32, #tpu.memory_space<vmem>>
      %dma_wait3A_852 = tpu.memref_squeeze %dma_wait3A_851 : memref<1x64x128xf32, #tpu.memory_space<vmem>> -> memref<64x128xf32, #tpu.memory_space<vmem>>
      %dma_wait3A_853 = arith.constant 0 : i32
      %dma_wait3A_854 = arith.constant 0 : i32
      %dma_wait3A_855 = tpu.memref_slice %arg4[%dma_wait3A_853, %dma_wait3A_854] : memref<10000x128xf32, #tpu.memory_space<hbm>> -> memref<64x128xf32, #tpu.memory_space<hbm>>
      %dma_wait3A_856 = arith.constant 0 : i32
      %dma_wait3A_857 = arith.constant 0 : i32
      %dma_wait3A_858 = tpu.memref_slice %arg8[%dma_wait3A_848, %dma_wait3A_856, %dma_wait3A_857] : memref<4x64x128xf32, #tpu.memory_space<vmem>> -> memref<1x64x128xf32, #tpu.memory_space<vmem>>
      %dma_wait3A_859 = tpu.memref_squeeze %dma_wait3A_858 : memref<1x64x128xf32, #tpu.memory_space<vmem>> -> memref<64x128xf32, #tpu.memory_space<vmem>>
      %dma_wait3A_860 = arith.constant 0 : i32
      %dma_wait3A_861 = arith.constant 0 : i32
      %dma_wait3A_862 = tpu.memref_slice %arg4[%dma_wait3A_860, %dma_wait3A_861] : memref<10000x128xf32, #tpu.memory_space<hbm>> -> memref<64x128xf32, #tpu.memory_space<hbm>>
      tpu.wait_dma2 semaphore(%arg12 : memref<!tpu.dma_semaphore, #tpu.memory_space<semaphore_mem>>) src(%dma_wait3A_862 : memref<64x128xf32, #tpu.memory_space<hbm>>) dst(%dma_wait3A_859 : memref<64x128xf32, #tpu.memory_space<vmem>>)
      %jit3A_863 = arith.constant 8 : i32
      %eq3A_864 = arith.constant 0 : i32
      %eq3A_865 = arith.cmpi eq, %jit3A_863, %eq3A_864 : i32
      %jit3A_866 = arith.constant 1 : i32
      %select_n3A_867 = arith.select %eq3A_865, %jit3A_866, %jit3A_863 : i32
      %rem3A_868 = arith.remsi %add3A_847, %select_n3A_867 : i32
      %ne3A_869 = arith.constant 0 : i32
      %ne3A_870 = arith.cmpi ne, %rem3A_868, %ne3A_869 : i32
      %lt3A_871 = arith.constant 0 : i32
      %lt3A_872 = arith.cmpi slt, %rem3A_868, %lt3A_871 : i32
      %lt3A_873 = arith.constant 0 : i32
      %lt3A_874 = arith.cmpi slt, %select_n3A_867, %lt3A_873 : i32
      %ne3A_875 = arith.xori %lt3A_872, %lt3A_874 : i1
      %and3A_876 = arith.andi %ne3A_875, %ne3A_870 : i1
      %add3A_877 = arith.addi %rem3A_868, %select_n3A_867 : i32
      %select_n3A_878 = arith.select %and3A_876, %add3A_877, %rem3A_868 : i32
      %dma_start3A_879 = arith.constant 3 : i32
      %dma_start3A_880 = arith.constant 0 : i32
      %dma_start3A_881 = arith.constant 0 : i32
      %dma_start3A_882 = tpu.memref_slice %arg8[%dma_start3A_879, %dma_start3A_880, %dma_start3A_881] : memref<4x64x128xf32, #tpu.memory_space<vmem>> -> memref<1x64x128xf32, #tpu.memory_space<vmem>>
      %dma_start3A_883 = tpu.memref_squeeze %dma_start3A_882 : memref<1x64x128xf32, #tpu.memory_space<vmem>> -> memref<64x128xf32, #tpu.memory_space<vmem>>
      %dma_start3A_884 = arith.constant 0 : i32
      %dma_start3A_885 = tpu.memref_slice %arg7[%select_n3A_878, %dma_start3A_884] : memref<8x64xi32, #tpu.memory_space<vmem>> -> memref<1x64xi32, #tpu.memory_space<vmem>>
      %dma_start3A_886 = tpu.memref_squeeze %dma_start3A_885 : memref<1x64xi32, #tpu.memory_space<vmem>> -> memref<64xi32, #tpu.memory_space<vmem>>
      %dma_start3A_887 = arith.constant 0 : i32
      %dma_start3A_888 = arith.constant 0 : i32
      %dma_start3A_889 = tpu.memref_slice %arg21[%dma_start3A_887, %dma_start3A_888] : memref<10048x128xf32, #tpu.memory_space<vmem_shared>> -> memref<10048x128xf32, #tpu.memory_space<vmem_shared>>
      tpu.enqueue_indirect_dma source(%dma_start3A_883 : memref<64x128xf32, #tpu.memory_space<vmem>>) target(%dma_start3A_889 : memref<10048x128xf32, #tpu.memory_space<vmem_shared>>) offsets(%dma_start3A_886 : memref<64xi32, #tpu.memory_space<vmem>>) semaphore(%arg16 : memref<!tpu.dma_semaphore, #tpu.memory_space<semaphore_mem>>) {add = true}
      %add3A_890 = arith.constant 0 : i32
      %add3A_891 = arith.addi %mul3A_713, %add3A_890 : i32
      %dma_wait3A_892 = arith.constant 0 : i32
      %dma_wait3A_893 = arith.constant 0 : i32
      %dma_wait3A_894 = arith.constant 0 : i32
      %dma_wait3A_895 = tpu.memref_slice %arg8[%dma_wait3A_892, %dma_wait3A_893, %dma_wait3A_894] : memref<4x64x128xf32, #tpu.memory_space<vmem>> -> memref<1x64x128xf32, #tpu.memory_space<vmem>>
      %dma_wait3A_896 = tpu.memref_squeeze %dma_wait3A_895 : memref<1x64x128xf32, #tpu.memory_space<vmem>> -> memref<64x128xf32, #tpu.memory_space<vmem>>
      %dma_wait3A_897 = arith.constant 0 : i32
      %dma_wait3A_898 = arith.constant 0 : i32
      %dma_wait3A_899 = tpu.memref_slice %arg21[%dma_wait3A_897, %dma_wait3A_898] : memref<10048x128xf32, #tpu.memory_space<vmem_shared>> -> memref<64x128xf32, #tpu.memory_space<vmem_shared>>
      %dma_wait3A_900 = arith.constant 0 : i32
      %dma_wait3A_901 = arith.constant 0 : i32
      %dma_wait3A_902 = tpu.memref_slice %arg21[%dma_wait3A_900, %dma_wait3A_901] : memref<10048x128xf32, #tpu.memory_space<vmem_shared>> -> memref<64x128xf32, #tpu.memory_space<vmem_shared>>
      %dma_wait3A_903 = arith.constant 0 : i32
      %dma_wait3A_904 = arith.constant 0 : i32
      %dma_wait3A_905 = tpu.memref_slice %arg8[%dma_wait3A_892, %dma_wait3A_903, %dma_wait3A_904] : memref<4x64x128xf32, #tpu.memory_space<vmem>> -> memref<1x64x128xf32, #tpu.memory_space<vmem>>
      %dma_wait3A_906 = tpu.memref_squeeze %dma_wait3A_905 : memref<1x64x128xf32, #tpu.memory_space<vmem>> -> memref<64x128xf32, #tpu.memory_space<vmem>>
      tpu.wait_dma2 semaphore(%arg13 : memref<!tpu.dma_semaphore, #tpu.memory_space<semaphore_mem>>) src(%dma_wait3A_906 : memref<64x128xf32, #tpu.memory_space<vmem>>) dst(%dma_wait3A_902 : memref<64x128xf32, #tpu.memory_space<vmem_shared>>)
      %add3A_907 = arith.constant 8 : i32
      %add3A_908 = arith.addi %add3A_891, %add3A_907 : i32
      %lt3A_909 = arith.cmpi slt, %add3A_908, %select_n3A_2 : i32
      %convert_element_type3A_910 = arith.extui %lt3A_909 : i1 to i32
      %cond3A_911 = arith.constant 0 : i32
      %cond3A_912 = arith.cmpi ne, %convert_element_type3A_910, %cond3A_911 : i32
      scf.if %cond3A_912 {
        %add3A_1007 = arith.constant 8 : i32
        %add3A_1008 = arith.addi %add3A_891, %add3A_1007 : i32
        %add3A_1009 = arith.addi %add3A, %add3A_1008 : i32
        %jit3A_1010 = arith.constant 8 : i32
        %eq3A_1011 = arith.constant 0 : i32
        %eq3A_1012 = arith.cmpi eq, %jit3A_1010, %eq3A_1011 : i32
        %jit3A_1013 = arith.constant 1 : i32
        %select_n3A_1014 = arith.select %eq3A_1012, %jit3A_1013, %jit3A_1010 : i32
        %rem3A_1015 = arith.remsi %add3A_1008, %select_n3A_1014 : i32
        %ne3A_1016 = arith.constant 0 : i32
        %ne3A_1017 = arith.cmpi ne, %rem3A_1015, %ne3A_1016 : i32
        %lt3A_1018 = arith.constant 0 : i32
        %lt3A_1019 = arith.cmpi slt, %rem3A_1015, %lt3A_1018 : i32
        %lt3A_1020 = arith.constant 0 : i32
        %lt3A_1021 = arith.cmpi slt, %select_n3A_1014, %lt3A_1020 : i32
        %ne3A_1022 = arith.xori %lt3A_1019, %lt3A_1021 : i1
        %and3A_1023 = arith.andi %ne3A_1022, %ne3A_1017 : i1
        %add3A_1024 = arith.addi %rem3A_1015, %select_n3A_1014 : i32
        %select_n3A_1025 = arith.select %and3A_1023, %add3A_1024, %rem3A_1015 : i32
        %dma_start3A_1026 = arith.constant 0 : i32
        %dma_start3A_1027 = tpu.memref_slice %arg6[%select_n3A_1025, %dma_start3A_1026] : memref<8x64xi32, #tpu.memory_space<vmem>> -> memref<1x64xi32, #tpu.memory_space<vmem>>
        %dma_start3A_1028 = tpu.memref_squeeze %dma_start3A_1027 : memref<1x64xi32, #tpu.memory_space<vmem>> -> memref<64xi32, #tpu.memory_space<vmem>>
        %dma_start3A_1029 = arith.constant 0 : i32
        %dma_start3A_1030 = tpu.memref_slice %arg2[%add3A_1009, %dma_start3A_1029] : memref<5056x64xi32, #tpu.memory_space<hbm>> -> memref<1x64xi32, #tpu.memory_space<hbm>>
        %dma_start3A_1031 = tpu.memref_squeeze %dma_start3A_1030 : memref<1x64xi32, #tpu.memory_space<hbm>> -> memref<64xi32, #tpu.memory_space<hbm>>
        %dma_start3A_1032 = arith.constant 0 : i32
        %dma_start3A_1033 = tpu.memref_slice %arg6[%select_n3A_1025, %dma_start3A_1032] : memref<8x64xi32, #tpu.memory_space<vmem>> -> memref<1x64xi32, #tpu.memory_space<vmem>>
        %dma_start3A_1034 = tpu.memref_squeeze %dma_start3A_1033 : memref<1x64xi32, #tpu.memory_space<vmem>> -> memref<64xi32, #tpu.memory_space<vmem>>
        %dma_start3A_1035 = arith.constant 0 : i32
        %dma_start3A_1036 = tpu.memref_slice %arg2[%add3A_1009, %dma_start3A_1035] : memref<5056x64xi32, #tpu.memory_space<hbm>> -> memref<1x64xi32, #tpu.memory_space<hbm>>
        %dma_start3A_1037 = tpu.memref_squeeze %dma_start3A_1036 : memref<1x64xi32, #tpu.memory_space<hbm>> -> memref<64xi32, #tpu.memory_space<hbm>>
        tpu.enqueue_dma source(%dma_start3A_1037 : memref<64xi32, #tpu.memory_space<hbm>>) target(%dma_start3A_1034 : memref<64xi32, #tpu.memory_space<vmem>>) target_semaphore(%arg17 : memref<!tpu.dma_semaphore, #tpu.memory_space<semaphore_mem>>)
        %add3A_1038 = arith.addi %add3A, %add3A_1008 : i32
        %jit3A_1039 = arith.constant 8 : i32
        %eq3A_1040 = arith.constant 0 : i32
        %eq3A_1041 = arith.cmpi eq, %jit3A_1039, %eq3A_1040 : i32
        %jit3A_1042 = arith.constant 1 : i32
        %select_n3A_1043 = arith.select %eq3A_1041, %jit3A_1042, %jit3A_1039 : i32
        %rem3A_1044 = arith.remsi %add3A_1008, %select_n3A_1043 : i32
        %ne3A_1045 = arith.constant 0 : i32
        %ne3A_1046 = arith.cmpi ne, %rem3A_1044, %ne3A_1045 : i32
        %lt3A_1047 = arith.constant 0 : i32
        %lt3A_1048 = arith.cmpi slt, %rem3A_1044, %lt3A_1047 : i32
        %lt3A_1049 = arith.constant 0 : i32
        %lt3A_1050 = arith.cmpi slt, %select_n3A_1043, %lt3A_1049 : i32
        %ne3A_1051 = arith.xori %lt3A_1048, %lt3A_1050 : i1
        %and3A_1052 = arith.andi %ne3A_1051, %ne3A_1046 : i1
        %add3A_1053 = arith.addi %rem3A_1044, %select_n3A_1043 : i32
        %select_n3A_1054 = arith.select %and3A_1052, %add3A_1053, %rem3A_1044 : i32
        %dma_start3A_1055 = arith.constant 0 : i32
        %dma_start3A_1056 = tpu.memref_slice %arg7[%select_n3A_1054, %dma_start3A_1055] : memref<8x64xi32, #tpu.memory_space<vmem>> -> memref<1x64xi32, #tpu.memory_space<vmem>>
        %dma_start3A_1057 = tpu.memref_squeeze %dma_start3A_1056 : memref<1x64xi32, #tpu.memory_space<vmem>> -> memref<64xi32, #tpu.memory_space<vmem>>
        %dma_start3A_1058 = arith.constant 0 : i32
        %dma_start3A_1059 = tpu.memref_slice %arg3[%add3A_1038, %dma_start3A_1058] : memref<5056x64xi32, #tpu.memory_space<hbm>> -> memref<1x64xi32, #tpu.memory_space<hbm>>
        %dma_start3A_1060 = tpu.memref_squeeze %dma_start3A_1059 : memref<1x64xi32, #tpu.memory_space<hbm>> -> memref<64xi32, #tpu.memory_space<hbm>>
        %dma_start3A_1061 = arith.constant 0 : i32
        %dma_start3A_1062 = tpu.memref_slice %arg7[%select_n3A_1054, %dma_start3A_1061] : memref<8x64xi32, #tpu.memory_space<vmem>> -> memref<1x64xi32, #tpu.memory_space<vmem>>
        %dma_start3A_1063 = tpu.memref_squeeze %dma_start3A_1062 : memref<1x64xi32, #tpu.memory_space<vmem>> -> memref<64xi32, #tpu.memory_space<vmem>>
        %dma_start3A_1064 = arith.constant 0 : i32
        %dma_start3A_1065 = tpu.memref_slice %arg3[%add3A_1038, %dma_start3A_1064] : memref<5056x64xi32, #tpu.memory_space<hbm>> -> memref<1x64xi32, #tpu.memory_space<hbm>>
        %dma_start3A_1066 = tpu.memref_squeeze %dma_start3A_1065 : memref<1x64xi32, #tpu.memory_space<hbm>> -> memref<64xi32, #tpu.memory_space<hbm>>
        tpu.enqueue_dma source(%dma_start3A_1066 : memref<64xi32, #tpu.memory_space<hbm>>) target(%dma_start3A_1063 : memref<64xi32, #tpu.memory_space<vmem>>) target_semaphore(%arg19 : memref<!tpu.dma_semaphore, #tpu.memory_space<semaphore_mem>>)
      } else {
      }
      %add3A_913 = arith.constant 4 : i32
      %add3A_914 = arith.addi %add3A_891, %add3A_913 : i32
      %lt3A_915 = arith.cmpi slt, %add3A_914, %select_n3A_2 : i32
      %convert_element_type3A_916 = arith.extui %lt3A_915 : i1 to i32
      %cond3A_917 = arith.constant 0 : i32
      %cond3A_918 = arith.cmpi ne, %convert_element_type3A_916, %cond3A_917 : i32
      scf.if %cond3A_918 {
        %dma_wait3A_1007 = arith.constant 0 : i32
        %dma_wait3A_1008 = arith.constant 0 : i32
        %dma_wait3A_1009 = arith.constant 0 : i32
        %dma_wait3A_1010 = tpu.memref_slice %arg6[%dma_wait3A_1008, %dma_wait3A_1009] : memref<8x64xi32, #tpu.memory_space<vmem>> -> memref<1x64xi32, #tpu.memory_space<vmem>>
        %dma_wait3A_1011 = tpu.memref_squeeze %dma_wait3A_1010 : memref<1x64xi32, #tpu.memory_space<vmem>> -> memref<64xi32, #tpu.memory_space<vmem>>
        %dma_wait3A_1012 = arith.constant 0 : i32
        %dma_wait3A_1013 = tpu.memref_slice %arg2[%dma_wait3A_1007, %dma_wait3A_1012] : memref<5056x64xi32, #tpu.memory_space<hbm>> -> memref<1x64xi32, #tpu.memory_space<hbm>>
        %dma_wait3A_1014 = tpu.memref_squeeze %dma_wait3A_1013 : memref<1x64xi32, #tpu.memory_space<hbm>> -> memref<64xi32, #tpu.memory_space<hbm>>
        %dma_wait3A_1015 = arith.constant 0 : i32
        %dma_wait3A_1016 = tpu.memref_slice %arg6[%dma_wait3A_1008, %dma_wait3A_1015] : memref<8x64xi32, #tpu.memory_space<vmem>> -> memref<1x64xi32, #tpu.memory_space<vmem>>
        %dma_wait3A_1017 = tpu.memref_squeeze %dma_wait3A_1016 : memref<1x64xi32, #tpu.memory_space<vmem>> -> memref<64xi32, #tpu.memory_space<vmem>>
        %dma_wait3A_1018 = arith.constant 0 : i32
        %dma_wait3A_1019 = tpu.memref_slice %arg2[%dma_wait3A_1007, %dma_wait3A_1018] : memref<5056x64xi32, #tpu.memory_space<hbm>> -> memref<1x64xi32, #tpu.memory_space<hbm>>
        %dma_wait3A_1020 = tpu.memref_squeeze %dma_wait3A_1019 : memref<1x64xi32, #tpu.memory_space<hbm>> -> memref<64xi32, #tpu.memory_space<hbm>>
        tpu.wait_dma2 semaphore(%arg17 : memref<!tpu.dma_semaphore, #tpu.memory_space<semaphore_mem>>) src(%dma_wait3A_1020 : memref<64xi32, #tpu.memory_space<hbm>>) dst(%dma_wait3A_1017 : memref<64xi32, #tpu.memory_space<vmem>>)
        %dma_wait3A_1021 = arith.constant 0 : i32
        %dma_wait3A_1022 = arith.constant 0 : i32
        %dma_wait3A_1023 = arith.constant 0 : i32
        %dma_wait3A_1024 = tpu.memref_slice %arg7[%dma_wait3A_1022, %dma_wait3A_1023] : memref<8x64xi32, #tpu.memory_space<vmem>> -> memref<1x64xi32, #tpu.memory_space<vmem>>
        %dma_wait3A_1025 = tpu.memref_squeeze %dma_wait3A_1024 : memref<1x64xi32, #tpu.memory_space<vmem>> -> memref<64xi32, #tpu.memory_space<vmem>>
        %dma_wait3A_1026 = arith.constant 0 : i32
        %dma_wait3A_1027 = tpu.memref_slice %arg3[%dma_wait3A_1021, %dma_wait3A_1026] : memref<5056x64xi32, #tpu.memory_space<hbm>> -> memref<1x64xi32, #tpu.memory_space<hbm>>
        %dma_wait3A_1028 = tpu.memref_squeeze %dma_wait3A_1027 : memref<1x64xi32, #tpu.memory_space<hbm>> -> memref<64xi32, #tpu.memory_space<hbm>>
        %dma_wait3A_1029 = arith.constant 0 : i32
        %dma_wait3A_1030 = tpu.memref_slice %arg7[%dma_wait3A_1022, %dma_wait3A_1029] : memref<8x64xi32, #tpu.memory_space<vmem>> -> memref<1x64xi32, #tpu.memory_space<vmem>>
        %dma_wait3A_1031 = tpu.memref_squeeze %dma_wait3A_1030 : memref<1x64xi32, #tpu.memory_space<vmem>> -> memref<64xi32, #tpu.memory_space<vmem>>
        %dma_wait3A_1032 = arith.constant 0 : i32
        %dma_wait3A_1033 = tpu.memref_slice %arg3[%dma_wait3A_1021, %dma_wait3A_1032] : memref<5056x64xi32, #tpu.memory_space<hbm>> -> memref<1x64xi32, #tpu.memory_space<hbm>>
        %dma_wait3A_1034 = tpu.memref_squeeze %dma_wait3A_1033 : memref<1x64xi32, #tpu.memory_space<hbm>> -> memref<64xi32, #tpu.memory_space<hbm>>
        tpu.wait_dma2 semaphore(%arg19 : memref<!tpu.dma_semaphore, #tpu.memory_space<semaphore_mem>>) src(%dma_wait3A_1034 : memref<64xi32, #tpu.memory_space<hbm>>) dst(%dma_wait3A_1031 : memref<64xi32, #tpu.memory_space<vmem>>)
        %add3A_1035 = arith.constant 4 : i32
        %add3A_1036 = arith.addi %add3A_891, %add3A_1035 : i32
        %jit3A_1037 = arith.constant 8 : i32
        %eq3A_1038 = arith.constant 0 : i32
        %eq3A_1039 = arith.cmpi eq, %jit3A_1037, %eq3A_1038 : i32
        %jit3A_1040 = arith.constant 1 : i32
        %select_n3A_1041 = arith.select %eq3A_1039, %jit3A_1040, %jit3A_1037 : i32
        %rem3A_1042 = arith.remsi %add3A_1036, %select_n3A_1041 : i32
        %ne3A_1043 = arith.constant 0 : i32
        %ne3A_1044 = arith.cmpi ne, %rem3A_1042, %ne3A_1043 : i32
        %lt3A_1045 = arith.constant 0 : i32
        %lt3A_1046 = arith.cmpi slt, %rem3A_1042, %lt3A_1045 : i32
        %lt3A_1047 = arith.constant 0 : i32
        %lt3A_1048 = arith.cmpi slt, %select_n3A_1041, %lt3A_1047 : i32
        %ne3A_1049 = arith.xori %lt3A_1046, %lt3A_1048 : i1
        %and3A_1050 = arith.andi %ne3A_1049, %ne3A_1044 : i1
        %add3A_1051 = arith.addi %rem3A_1042, %select_n3A_1041 : i32
        %select_n3A_1052 = arith.select %and3A_1050, %add3A_1051, %rem3A_1042 : i32
        %dma_start3A_1053 = arith.constant 0 : i32
        %dma_start3A_1054 = arith.constant 0 : i32
        %dma_start3A_1055 = arith.constant 0 : i32
        %dma_start3A_1056 = tpu.memref_slice %arg8[%dma_start3A_1053, %dma_start3A_1054, %dma_start3A_1055] : memref<4x64x128xf32, #tpu.memory_space<vmem>> -> memref<1x64x128xf32, #tpu.memory_space<vmem>>
        %dma_start3A_1057 = tpu.memref_squeeze %dma_start3A_1056 : memref<1x64x128xf32, #tpu.memory_space<vmem>> -> memref<64x128xf32, #tpu.memory_space<vmem>>
        %dma_start3A_1058 = arith.constant 0 : i32
        %dma_start3A_1059 = tpu.memref_slice %arg6[%select_n3A_1052, %dma_start3A_1058] : memref<8x64xi32, #tpu.memory_space<vmem>> -> memref<1x64xi32, #tpu.memory_space<vmem>>
        %dma_start3A_1060 = tpu.memref_squeeze %dma_start3A_1059 : memref<1x64xi32, #tpu.memory_space<vmem>> -> memref<64xi32, #tpu.memory_space<vmem>>
        %dma_start3A_1061 = arith.constant 0 : i32
        %dma_start3A_1062 = arith.constant 0 : i32
        %dma_start3A_1063 = tpu.memref_slice %arg4[%dma_start3A_1061, %dma_start3A_1062] : memref<10000x128xf32, #tpu.memory_space<hbm>> -> memref<10000x128xf32, #tpu.memory_space<hbm>>
        tpu.enqueue_indirect_dma source(%dma_start3A_1063 : memref<10000x128xf32, #tpu.memory_space<hbm>>) target(%dma_start3A_1057 : memref<64x128xf32, #tpu.memory_space<vmem>>) offsets(%dma_start3A_1060 : memref<64xi32, #tpu.memory_space<vmem>>) semaphore(%arg9 : memref<!tpu.dma_semaphore, #tpu.memory_space<semaphore_mem>>)
      } else {
      }
      %add3A_919 = arith.constant 1 : i32
      %add3A_920 = arith.addi %mul3A_713, %add3A_919 : i32
      %dma_wait3A_921 = arith.constant 1 : i32
      %dma_wait3A_922 = arith.constant 0 : i32
      %dma_wait3A_923 = arith.constant 0 : i32
      %dma_wait3A_924 = tpu.memref_slice %arg8[%dma_wait3A_921, %dma_wait3A_922, %dma_wait3A_923] : memref<4x64x128xf32, #tpu.memory_space<vmem>> -> memref<1x64x128xf32, #tpu.memory_space<vmem>>
      %dma_wait3A_925 = tpu.memref_squeeze %dma_wait3A_924 : memref<1x64x128xf32, #tpu.memory_space<vmem>> -> memref<64x128xf32, #tpu.memory_space<vmem>>
      %dma_wait3A_926 = arith.constant 0 : i32
      %dma_wait3A_927 = arith.constant 0 : i32
      %dma_wait3A_928 = tpu.memref_slice %arg21[%dma_wait3A_926, %dma_wait3A_927] : memref<10048x128xf32, #tpu.memory_space<vmem_shared>> -> memref<64x128xf32, #tpu.memory_space<vmem_shared>>
      %dma_wait3A_929 = arith.constant 0 : i32
      %dma_wait3A_930 = arith.constant 0 : i32
      %dma_wait3A_931 = tpu.memref_slice %arg21[%dma_wait3A_929, %dma_wait3A_930] : memref<10048x128xf32, #tpu.memory_space<vmem_shared>> -> memref<64x128xf32, #tpu.memory_space<vmem_shared>>
      %dma_wait3A_932 = arith.constant 0 : i32
      %dma_wait3A_933 = arith.constant 0 : i32
      %dma_wait3A_934 = tpu.memref_slice %arg8[%dma_wait3A_921, %dma_wait3A_932, %dma_wait3A_933] : memref<4x64x128xf32, #tpu.memory_space<vmem>> -> memref<1x64x128xf32, #tpu.memory_space<vmem>>
      %dma_wait3A_935 = tpu.memref_squeeze %dma_wait3A_934 : memref<1x64x128xf32, #tpu.memory_space<vmem>> -> memref<64x128xf32, #tpu.memory_space<vmem>>
      tpu.wait_dma2 semaphore(%arg14 : memref<!tpu.dma_semaphore, #tpu.memory_space<semaphore_mem>>) src(%dma_wait3A_935 : memref<64x128xf32, #tpu.memory_space<vmem>>) dst(%dma_wait3A_931 : memref<64x128xf32, #tpu.memory_space<vmem_shared>>)
      %add3A_936 = arith.constant 8 : i32
      %add3A_937 = arith.addi %add3A_920, %add3A_936 : i32
      %lt3A_938 = arith.cmpi slt, %add3A_937, %select_n3A_2 : i32
      %convert_element_type3A_939 = arith.extui %lt3A_938 : i1 to i32
      %cond3A_940 = arith.constant 0 : i32
      %cond3A_941 = arith.cmpi ne, %convert_element_type3A_939, %cond3A_940 : i32
      scf.if %cond3A_941 {
        %add3A_1007 = arith.constant 8 : i32
        %add3A_1008 = arith.addi %add3A_920, %add3A_1007 : i32
        %add3A_1009 = arith.addi %add3A, %add3A_1008 : i32
        %jit3A_1010 = arith.constant 8 : i32
        %eq3A_1011 = arith.constant 0 : i32
        %eq3A_1012 = arith.cmpi eq, %jit3A_1010, %eq3A_1011 : i32
        %jit3A_1013 = arith.constant 1 : i32
        %select_n3A_1014 = arith.select %eq3A_1012, %jit3A_1013, %jit3A_1010 : i32
        %rem3A_1015 = arith.remsi %add3A_1008, %select_n3A_1014 : i32
        %ne3A_1016 = arith.constant 0 : i32
        %ne3A_1017 = arith.cmpi ne, %rem3A_1015, %ne3A_1016 : i32
        %lt3A_1018 = arith.constant 0 : i32
        %lt3A_1019 = arith.cmpi slt, %rem3A_1015, %lt3A_1018 : i32
        %lt3A_1020 = arith.constant 0 : i32
        %lt3A_1021 = arith.cmpi slt, %select_n3A_1014, %lt3A_1020 : i32
        %ne3A_1022 = arith.xori %lt3A_1019, %lt3A_1021 : i1
        %and3A_1023 = arith.andi %ne3A_1022, %ne3A_1017 : i1
        %add3A_1024 = arith.addi %rem3A_1015, %select_n3A_1014 : i32
        %select_n3A_1025 = arith.select %and3A_1023, %add3A_1024, %rem3A_1015 : i32
        %dma_start3A_1026 = arith.constant 0 : i32
        %dma_start3A_1027 = tpu.memref_slice %arg6[%select_n3A_1025, %dma_start3A_1026] : memref<8x64xi32, #tpu.memory_space<vmem>> -> memref<1x64xi32, #tpu.memory_space<vmem>>
        %dma_start3A_1028 = tpu.memref_squeeze %dma_start3A_1027 : memref<1x64xi32, #tpu.memory_space<vmem>> -> memref<64xi32, #tpu.memory_space<vmem>>
        %dma_start3A_1029 = arith.constant 0 : i32
        %dma_start3A_1030 = tpu.memref_slice %arg2[%add3A_1009, %dma_start3A_1029] : memref<5056x64xi32, #tpu.memory_space<hbm>> -> memref<1x64xi32, #tpu.memory_space<hbm>>
        %dma_start3A_1031 = tpu.memref_squeeze %dma_start3A_1030 : memref<1x64xi32, #tpu.memory_space<hbm>> -> memref<64xi32, #tpu.memory_space<hbm>>
        %dma_start3A_1032 = arith.constant 0 : i32
        %dma_start3A_1033 = tpu.memref_slice %arg6[%select_n3A_1025, %dma_start3A_1032] : memref<8x64xi32, #tpu.memory_space<vmem>> -> memref<1x64xi32, #tpu.memory_space<vmem>>
        %dma_start3A_1034 = tpu.memref_squeeze %dma_start3A_1033 : memref<1x64xi32, #tpu.memory_space<vmem>> -> memref<64xi32, #tpu.memory_space<vmem>>
        %dma_start3A_1035 = arith.constant 0 : i32
        %dma_start3A_1036 = tpu.memref_slice %arg2[%add3A_1009, %dma_start3A_1035] : memref<5056x64xi32, #tpu.memory_space<hbm>> -> memref<1x64xi32, #tpu.memory_space<hbm>>
        %dma_start3A_1037 = tpu.memref_squeeze %dma_start3A_1036 : memref<1x64xi32, #tpu.memory_space<hbm>> -> memref<64xi32, #tpu.memory_space<hbm>>
        tpu.enqueue_dma source(%dma_start3A_1037 : memref<64xi32, #tpu.memory_space<hbm>>) target(%dma_start3A_1034 : memref<64xi32, #tpu.memory_space<vmem>>) target_semaphore(%arg18 : memref<!tpu.dma_semaphore, #tpu.memory_space<semaphore_mem>>)
        %add3A_1038 = arith.addi %add3A, %add3A_1008 : i32
        %jit3A_1039 = arith.constant 8 : i32
        %eq3A_1040 = arith.constant 0 : i32
        %eq3A_1041 = arith.cmpi eq, %jit3A_1039, %eq3A_1040 : i32
        %jit3A_1042 = arith.constant 1 : i32
        %select_n3A_1043 = arith.select %eq3A_1041, %jit3A_1042, %jit3A_1039 : i32
        %rem3A_1044 = arith.remsi %add3A_1008, %select_n3A_1043 : i32
        %ne3A_1045 = arith.constant 0 : i32
        %ne3A_1046 = arith.cmpi ne, %rem3A_1044, %ne3A_1045 : i32
        %lt3A_1047 = arith.constant 0 : i32
        %lt3A_1048 = arith.cmpi slt, %rem3A_1044, %lt3A_1047 : i32
        %lt3A_1049 = arith.constant 0 : i32
        %lt3A_1050 = arith.cmpi slt, %select_n3A_1043, %lt3A_1049 : i32
        %ne3A_1051 = arith.xori %lt3A_1048, %lt3A_1050 : i1
        %and3A_1052 = arith.andi %ne3A_1051, %ne3A_1046 : i1
        %add3A_1053 = arith.addi %rem3A_1044, %select_n3A_1043 : i32
        %select_n3A_1054 = arith.select %and3A_1052, %add3A_1053, %rem3A_1044 : i32
        %dma_start3A_1055 = arith.constant 0 : i32
        %dma_start3A_1056 = tpu.memref_slice %arg7[%select_n3A_1054, %dma_start3A_1055] : memref<8x64xi32, #tpu.memory_space<vmem>> -> memref<1x64xi32, #tpu.memory_space<vmem>>
        %dma_start3A_1057 = tpu.memref_squeeze %dma_start3A_1056 : memref<1x64xi32, #tpu.memory_space<vmem>> -> memref<64xi32, #tpu.memory_space<vmem>>
        %dma_start3A_1058 = arith.constant 0 : i32
        %dma_start3A_1059 = tpu.memref_slice %arg3[%add3A_1038, %dma_start3A_1058] : memref<5056x64xi32, #tpu.memory_space<hbm>> -> memref<1x64xi32, #tpu.memory_space<hbm>>
        %dma_start3A_1060 = tpu.memref_squeeze %dma_start3A_1059 : memref<1x64xi32, #tpu.memory_space<hbm>> -> memref<64xi32, #tpu.memory_space<hbm>>
        %dma_start3A_1061 = arith.constant 0 : i32
        %dma_start3A_1062 = tpu.memref_slice %arg7[%select_n3A_1054, %dma_start3A_1061] : memref<8x64xi32, #tpu.memory_space<vmem>> -> memref<1x64xi32, #tpu.memory_space<vmem>>
        %dma_start3A_1063 = tpu.memref_squeeze %dma_start3A_1062 : memref<1x64xi32, #tpu.memory_space<vmem>> -> memref<64xi32, #tpu.memory_space<vmem>>
        %dma_start3A_1064 = arith.constant 0 : i32
        %dma_start3A_1065 = tpu.memref_slice %arg3[%add3A_1038, %dma_start3A_1064] : memref<5056x64xi32, #tpu.memory_space<hbm>> -> memref<1x64xi32, #tpu.memory_space<hbm>>
        %dma_start3A_1066 = tpu.memref_squeeze %dma_start3A_1065 : memref<1x64xi32, #tpu.memory_space<hbm>> -> memref<64xi32, #tpu.memory_space<hbm>>
        tpu.enqueue_dma source(%dma_start3A_1066 : memref<64xi32, #tpu.memory_space<hbm>>) target(%dma_start3A_1063 : memref<64xi32, #tpu.memory_space<vmem>>) target_semaphore(%arg20 : memref<!tpu.dma_semaphore, #tpu.memory_space<semaphore_mem>>)
      } else {
      }
      %add3A_942 = arith.constant 4 : i32
      %add3A_943 = arith.addi %add3A_920, %add3A_942 : i32
      %lt3A_944 = arith.cmpi slt, %add3A_943, %select_n3A_2 : i32
      %convert_element_type3A_945 = arith.extui %lt3A_944 : i1 to i32
      %cond3A_946 = arith.constant 0 : i32
      %cond3A_947 = arith.cmpi ne, %convert_element_type3A_945, %cond3A_946 : i32
      scf.if %cond3A_947 {
        %dma_wait3A_1007 = arith.constant 0 : i32
        %dma_wait3A_1008 = arith.constant 0 : i32
        %dma_wait3A_1009 = arith.constant 0 : i32
        %dma_wait3A_1010 = tpu.memref_slice %arg6[%dma_wait3A_1008, %dma_wait3A_1009] : memref<8x64xi32, #tpu.memory_space<vmem>> -> memref<1x64xi32, #tpu.memory_space<vmem>>
        %dma_wait3A_1011 = tpu.memref_squeeze %dma_wait3A_1010 : memref<1x64xi32, #tpu.memory_space<vmem>> -> memref<64xi32, #tpu.memory_space<vmem>>
        %dma_wait3A_1012 = arith.constant 0 : i32
        %dma_wait3A_1013 = tpu.memref_slice %arg2[%dma_wait3A_1007, %dma_wait3A_1012] : memref<5056x64xi32, #tpu.memory_space<hbm>> -> memref<1x64xi32, #tpu.memory_space<hbm>>
        %dma_wait3A_1014 = tpu.memref_squeeze %dma_wait3A_1013 : memref<1x64xi32, #tpu.memory_space<hbm>> -> memref<64xi32, #tpu.memory_space<hbm>>
        %dma_wait3A_1015 = arith.constant 0 : i32
        %dma_wait3A_1016 = tpu.memref_slice %arg6[%dma_wait3A_1008, %dma_wait3A_1015] : memref<8x64xi32, #tpu.memory_space<vmem>> -> memref<1x64xi32, #tpu.memory_space<vmem>>
        %dma_wait3A_1017 = tpu.memref_squeeze %dma_wait3A_1016 : memref<1x64xi32, #tpu.memory_space<vmem>> -> memref<64xi32, #tpu.memory_space<vmem>>
        %dma_wait3A_1018 = arith.constant 0 : i32
        %dma_wait3A_1019 = tpu.memref_slice %arg2[%dma_wait3A_1007, %dma_wait3A_1018] : memref<5056x64xi32, #tpu.memory_space<hbm>> -> memref<1x64xi32, #tpu.memory_space<hbm>>
        %dma_wait3A_1020 = tpu.memref_squeeze %dma_wait3A_1019 : memref<1x64xi32, #tpu.memory_space<hbm>> -> memref<64xi32, #tpu.memory_space<hbm>>
        tpu.wait_dma2 semaphore(%arg18 : memref<!tpu.dma_semaphore, #tpu.memory_space<semaphore_mem>>) src(%dma_wait3A_1020 : memref<64xi32, #tpu.memory_space<hbm>>) dst(%dma_wait3A_1017 : memref<64xi32, #tpu.memory_space<vmem>>)
        %dma_wait3A_1021 = arith.constant 0 : i32
        %dma_wait3A_1022 = arith.constant 0 : i32
        %dma_wait3A_1023 = arith.constant 0 : i32
        %dma_wait3A_1024 = tpu.memref_slice %arg7[%dma_wait3A_1022, %dma_wait3A_1023] : memref<8x64xi32, #tpu.memory_space<vmem>> -> memref<1x64xi32, #tpu.memory_space<vmem>>
        %dma_wait3A_1025 = tpu.memref_squeeze %dma_wait3A_1024 : memref<1x64xi32, #tpu.memory_space<vmem>> -> memref<64xi32, #tpu.memory_space<vmem>>
        %dma_wait3A_1026 = arith.constant 0 : i32
        %dma_wait3A_1027 = tpu.memref_slice %arg3[%dma_wait3A_1021, %dma_wait3A_1026] : memref<5056x64xi32, #tpu.memory_space<hbm>> -> memref<1x64xi32, #tpu.memory_space<hbm>>
        %dma_wait3A_1028 = tpu.memref_squeeze %dma_wait3A_1027 : memref<1x64xi32, #tpu.memory_space<hbm>> -> memref<64xi32, #tpu.memory_space<hbm>>
        %dma_wait3A_1029 = arith.constant 0 : i32
        %dma_wait3A_1030 = tpu.memref_slice %arg7[%dma_wait3A_1022, %dma_wait3A_1029] : memref<8x64xi32, #tpu.memory_space<vmem>> -> memref<1x64xi32, #tpu.memory_space<vmem>>
        %dma_wait3A_1031 = tpu.memref_squeeze %dma_wait3A_1030 : memref<1x64xi32, #tpu.memory_space<vmem>> -> memref<64xi32, #tpu.memory_space<vmem>>
        %dma_wait3A_1032 = arith.constant 0 : i32
        %dma_wait3A_1033 = tpu.memref_slice %arg3[%dma_wait3A_1021, %dma_wait3A_1032] : memref<5056x64xi32, #tpu.memory_space<hbm>> -> memref<1x64xi32, #tpu.memory_space<hbm>>
        %dma_wait3A_1034 = tpu.memref_squeeze %dma_wait3A_1033 : memref<1x64xi32, #tpu.memory_space<hbm>> -> memref<64xi32, #tpu.memory_space<hbm>>
        tpu.wait_dma2 semaphore(%arg20 : memref<!tpu.dma_semaphore, #tpu.memory_space<semaphore_mem>>) src(%dma_wait3A_1034 : memref<64xi32, #tpu.memory_space<hbm>>) dst(%dma_wait3A_1031 : memref<64xi32, #tpu.memory_space<vmem>>)
        %add3A_1035 = arith.constant 4 : i32
        %add3A_1036 = arith.addi %add3A_920, %add3A_1035 : i32
        %jit3A_1037 = arith.constant 8 : i32
        %eq3A_1038 = arith.constant 0 : i32
        %eq3A_1039 = arith.cmpi eq, %jit3A_1037, %eq3A_1038 : i32
        %jit3A_1040 = arith.constant 1 : i32
        %select_n3A_1041 = arith.select %eq3A_1039, %jit3A_1040, %jit3A_1037 : i32
        %rem3A_1042 = arith.remsi %add3A_1036, %select_n3A_1041 : i32
        %ne3A_1043 = arith.constant 0 : i32
        %ne3A_1044 = arith.cmpi ne, %rem3A_1042, %ne3A_1043 : i32
        %lt3A_1045 = arith.constant 0 : i32
        %lt3A_1046 = arith.cmpi slt, %rem3A_1042, %lt3A_1045 : i32
        %lt3A_1047 = arith.constant 0 : i32
        %lt3A_1048 = arith.cmpi slt, %select_n3A_1041, %lt3A_1047 : i32
        %ne3A_1049 = arith.xori %lt3A_1046, %lt3A_1048 : i1
        %and3A_1050 = arith.andi %ne3A_1049, %ne3A_1044 : i1
        %add3A_1051 = arith.addi %rem3A_1042, %select_n3A_1041 : i32
        %select_n3A_1052 = arith.select %and3A_1050, %add3A_1051, %rem3A_1042 : i32
        %dma_start3A_1053 = arith.constant 1 : i32
        %dma_start3A_1054 = arith.constant 0 : i32
        %dma_start3A_1055 = arith.constant 0 : i32
        %dma_start3A_1056 = tpu.memref_slice %arg8[%dma_start3A_1053, %dma_start3A_1054, %dma_start3A_1055] : memref<4x64x128xf32, #tpu.memory_space<vmem>> -> memref<1x64x128xf32, #tpu.memory_space<vmem>>
        %dma_start3A_1057 = tpu.memref_squeeze %dma_start3A_1056 : memref<1x64x128xf32, #tpu.memory_space<vmem>> -> memref<64x128xf32, #tpu.memory_space<vmem>>
        %dma_start3A_1058 = arith.constant 0 : i32
        %dma_start3A_1059 = tpu.memref_slice %arg6[%select_n3A_1052, %dma_start3A_1058] : memref<8x64xi32, #tpu.memory_space<vmem>> -> memref<1x64xi32, #tpu.memory_space<vmem>>
        %dma_start3A_1060 = tpu.memref_squeeze %dma_start3A_1059 : memref<1x64xi32, #tpu.memory_space<vmem>> -> memref<64xi32, #tpu.memory_space<vmem>>
        %dma_start3A_1061 = arith.constant 0 : i32
        %dma_start3A_1062 = arith.constant 0 : i32
        %dma_start3A_1063 = tpu.memref_slice %arg4[%dma_start3A_1061, %dma_start3A_1062] : memref<10000x128xf32, #tpu.memory_space<hbm>> -> memref<10000x128xf32, #tpu.memory_space<hbm>>
        tpu.enqueue_indirect_dma source(%dma_start3A_1063 : memref<10000x128xf32, #tpu.memory_space<hbm>>) target(%dma_start3A_1057 : memref<64x128xf32, #tpu.memory_space<vmem>>) offsets(%dma_start3A_1060 : memref<64xi32, #tpu.memory_space<vmem>>) semaphore(%arg10 : memref<!tpu.dma_semaphore, #tpu.memory_space<semaphore_mem>>)
      } else {
      }
      %add3A_948 = arith.constant 2 : i32
      %add3A_949 = arith.addi %mul3A_713, %add3A_948 : i32
      %dma_wait3A_950 = arith.constant 2 : i32
      %dma_wait3A_951 = arith.constant 0 : i32
      %dma_wait3A_952 = arith.constant 0 : i32
      %dma_wait3A_953 = tpu.memref_slice %arg8[%dma_wait3A_950, %dma_wait3A_951, %dma_wait3A_952] : memref<4x64x128xf32, #tpu.memory_space<vmem>> -> memref<1x64x128xf32, #tpu.memory_space<vmem>>
      %dma_wait3A_954 = tpu.memref_squeeze %dma_wait3A_953 : memref<1x64x128xf32, #tpu.memory_space<vmem>> -> memref<64x128xf32, #tpu.memory_space<vmem>>
      %dma_wait3A_955 = arith.constant 0 : i32
      %dma_wait3A_956 = arith.constant 0 : i32
      %dma_wait3A_957 = tpu.memref_slice %arg21[%dma_wait3A_955, %dma_wait3A_956] : memref<10048x128xf32, #tpu.memory_space<vmem_shared>> -> memref<64x128xf32, #tpu.memory_space<vmem_shared>>
      %dma_wait3A_958 = arith.constant 0 : i32
      %dma_wait3A_959 = arith.constant 0 : i32
      %dma_wait3A_960 = tpu.memref_slice %arg21[%dma_wait3A_958, %dma_wait3A_959] : memref<10048x128xf32, #tpu.memory_space<vmem_shared>> -> memref<64x128xf32, #tpu.memory_space<vmem_shared>>
      %dma_wait3A_961 = arith.constant 0 : i32
      %dma_wait3A_962 = arith.constant 0 : i32
      %dma_wait3A_963 = tpu.memref_slice %arg8[%dma_wait3A_950, %dma_wait3A_961, %dma_wait3A_962] : memref<4x64x128xf32, #tpu.memory_space<vmem>> -> memref<1x64x128xf32, #tpu.memory_space<vmem>>
      %dma_wait3A_964 = tpu.memref_squeeze %dma_wait3A_963 : memref<1x64x128xf32, #tpu.memory_space<vmem>> -> memref<64x128xf32, #tpu.memory_space<vmem>>
      tpu.wait_dma2 semaphore(%arg15 : memref<!tpu.dma_semaphore, #tpu.memory_space<semaphore_mem>>) src(%dma_wait3A_964 : memref<64x128xf32, #tpu.memory_space<vmem>>) dst(%dma_wait3A_960 : memref<64x128xf32, #tpu.memory_space<vmem_shared>>)
      %add3A_965 = arith.constant 8 : i32
      %add3A_966 = arith.addi %add3A_949, %add3A_965 : i32
      %lt3A_967 = arith.cmpi slt, %add3A_966, %select_n3A_2 : i32
      %convert_element_type3A_968 = arith.extui %lt3A_967 : i1 to i32
      %cond3A_969 = arith.constant 0 : i32
      %cond3A_970 = arith.cmpi ne, %convert_element_type3A_968, %cond3A_969 : i32
      scf.if %cond3A_970 {
        %add3A_1007 = arith.constant 8 : i32
        %add3A_1008 = arith.addi %add3A_949, %add3A_1007 : i32
        %add3A_1009 = arith.addi %add3A, %add3A_1008 : i32
        %jit3A_1010 = arith.constant 8 : i32
        %eq3A_1011 = arith.constant 0 : i32
        %eq3A_1012 = arith.cmpi eq, %jit3A_1010, %eq3A_1011 : i32
        %jit3A_1013 = arith.constant 1 : i32
        %select_n3A_1014 = arith.select %eq3A_1012, %jit3A_1013, %jit3A_1010 : i32
        %rem3A_1015 = arith.remsi %add3A_1008, %select_n3A_1014 : i32
        %ne3A_1016 = arith.constant 0 : i32
        %ne3A_1017 = arith.cmpi ne, %rem3A_1015, %ne3A_1016 : i32
        %lt3A_1018 = arith.constant 0 : i32
        %lt3A_1019 = arith.cmpi slt, %rem3A_1015, %lt3A_1018 : i32
        %lt3A_1020 = arith.constant 0 : i32
        %lt3A_1021 = arith.cmpi slt, %select_n3A_1014, %lt3A_1020 : i32
        %ne3A_1022 = arith.xori %lt3A_1019, %lt3A_1021 : i1
        %and3A_1023 = arith.andi %ne3A_1022, %ne3A_1017 : i1
        %add3A_1024 = arith.addi %rem3A_1015, %select_n3A_1014 : i32
        %select_n3A_1025 = arith.select %and3A_1023, %add3A_1024, %rem3A_1015 : i32
        %dma_start3A_1026 = arith.constant 0 : i32
        %dma_start3A_1027 = tpu.memref_slice %arg6[%select_n3A_1025, %dma_start3A_1026] : memref<8x64xi32, #tpu.memory_space<vmem>> -> memref<1x64xi32, #tpu.memory_space<vmem>>
        %dma_start3A_1028 = tpu.memref_squeeze %dma_start3A_1027 : memref<1x64xi32, #tpu.memory_space<vmem>> -> memref<64xi32, #tpu.memory_space<vmem>>
        %dma_start3A_1029 = arith.constant 0 : i32
        %dma_start3A_1030 = tpu.memref_slice %arg2[%add3A_1009, %dma_start3A_1029] : memref<5056x64xi32, #tpu.memory_space<hbm>> -> memref<1x64xi32, #tpu.memory_space<hbm>>
        %dma_start3A_1031 = tpu.memref_squeeze %dma_start3A_1030 : memref<1x64xi32, #tpu.memory_space<hbm>> -> memref<64xi32, #tpu.memory_space<hbm>>
        %dma_start3A_1032 = arith.constant 0 : i32
        %dma_start3A_1033 = tpu.memref_slice %arg6[%select_n3A_1025, %dma_start3A_1032] : memref<8x64xi32, #tpu.memory_space<vmem>> -> memref<1x64xi32, #tpu.memory_space<vmem>>
        %dma_start3A_1034 = tpu.memref_squeeze %dma_start3A_1033 : memref<1x64xi32, #tpu.memory_space<vmem>> -> memref<64xi32, #tpu.memory_space<vmem>>
        %dma_start3A_1035 = arith.constant 0 : i32
        %dma_start3A_1036 = tpu.memref_slice %arg2[%add3A_1009, %dma_start3A_1035] : memref<5056x64xi32, #tpu.memory_space<hbm>> -> memref<1x64xi32, #tpu.memory_space<hbm>>
        %dma_start3A_1037 = tpu.memref_squeeze %dma_start3A_1036 : memref<1x64xi32, #tpu.memory_space<hbm>> -> memref<64xi32, #tpu.memory_space<hbm>>
        tpu.enqueue_dma source(%dma_start3A_1037 : memref<64xi32, #tpu.memory_space<hbm>>) target(%dma_start3A_1034 : memref<64xi32, #tpu.memory_space<vmem>>) target_semaphore(%arg17 : memref<!tpu.dma_semaphore, #tpu.memory_space<semaphore_mem>>)
        %add3A_1038 = arith.addi %add3A, %add3A_1008 : i32
        %jit3A_1039 = arith.constant 8 : i32
        %eq3A_1040 = arith.constant 0 : i32
        %eq3A_1041 = arith.cmpi eq, %jit3A_1039, %eq3A_1040 : i32
        %jit3A_1042 = arith.constant 1 : i32
        %select_n3A_1043 = arith.select %eq3A_1041, %jit3A_1042, %jit3A_1039 : i32
        %rem3A_1044 = arith.remsi %add3A_1008, %select_n3A_1043 : i32
        %ne3A_1045 = arith.constant 0 : i32
        %ne3A_1046 = arith.cmpi ne, %rem3A_1044, %ne3A_1045 : i32
        %lt3A_1047 = arith.constant 0 : i32
        %lt3A_1048 = arith.cmpi slt, %rem3A_1044, %lt3A_1047 : i32
        %lt3A_1049 = arith.constant 0 : i32
        %lt3A_1050 = arith.cmpi slt, %select_n3A_1043, %lt3A_1049 : i32
        %ne3A_1051 = arith.xori %lt3A_1048, %lt3A_1050 : i1
        %and3A_1052 = arith.andi %ne3A_1051, %ne3A_1046 : i1
        %add3A_1053 = arith.addi %rem3A_1044, %select_n3A_1043 : i32
        %select_n3A_1054 = arith.select %and3A_1052, %add3A_1053, %rem3A_1044 : i32
        %dma_start3A_1055 = arith.constant 0 : i32
        %dma_start3A_1056 = tpu.memref_slice %arg7[%select_n3A_1054, %dma_start3A_1055] : memref<8x64xi32, #tpu.memory_space<vmem>> -> memref<1x64xi32, #tpu.memory_space<vmem>>
        %dma_start3A_1057 = tpu.memref_squeeze %dma_start3A_1056 : memref<1x64xi32, #tpu.memory_space<vmem>> -> memref<64xi32, #tpu.memory_space<vmem>>
        %dma_start3A_1058 = arith.constant 0 : i32
        %dma_start3A_1059 = tpu.memref_slice %arg3[%add3A_1038, %dma_start3A_1058] : memref<5056x64xi32, #tpu.memory_space<hbm>> -> memref<1x64xi32, #tpu.memory_space<hbm>>
        %dma_start3A_1060 = tpu.memref_squeeze %dma_start3A_1059 : memref<1x64xi32, #tpu.memory_space<hbm>> -> memref<64xi32, #tpu.memory_space<hbm>>
        %dma_start3A_1061 = arith.constant 0 : i32
        %dma_start3A_1062 = tpu.memref_slice %arg7[%select_n3A_1054, %dma_start3A_1061] : memref<8x64xi32, #tpu.memory_space<vmem>> -> memref<1x64xi32, #tpu.memory_space<vmem>>
        %dma_start3A_1063 = tpu.memref_squeeze %dma_start3A_1062 : memref<1x64xi32, #tpu.memory_space<vmem>> -> memref<64xi32, #tpu.memory_space<vmem>>
        %dma_start3A_1064 = arith.constant 0 : i32
        %dma_start3A_1065 = tpu.memref_slice %arg3[%add3A_1038, %dma_start3A_1064] : memref<5056x64xi32, #tpu.memory_space<hbm>> -> memref<1x64xi32, #tpu.memory_space<hbm>>
        %dma_start3A_1066 = tpu.memref_squeeze %dma_start3A_1065 : memref<1x64xi32, #tpu.memory_space<hbm>> -> memref<64xi32, #tpu.memory_space<hbm>>
        tpu.enqueue_dma source(%dma_start3A_1066 : memref<64xi32, #tpu.memory_space<hbm>>) target(%dma_start3A_1063 : memref<64xi32, #tpu.memory_space<vmem>>) target_semaphore(%arg19 : memref<!tpu.dma_semaphore, #tpu.memory_space<semaphore_mem>>)
      } else {
      }
      %add3A_971 = arith.constant 4 : i32
      %add3A_972 = arith.addi %add3A_949, %add3A_971 : i32
      %lt3A_973 = arith.cmpi slt, %add3A_972, %select_n3A_2 : i32
      %convert_element_type3A_974 = arith.extui %lt3A_973 : i1 to i32
      %cond3A_975 = arith.constant 0 : i32
      %cond3A_976 = arith.cmpi ne, %convert_element_type3A_974, %cond3A_975 : i32
      scf.if %cond3A_976 {
        %dma_wait3A_1007 = arith.constant 0 : i32
        %dma_wait3A_1008 = arith.constant 0 : i32
        %dma_wait3A_1009 = arith.constant 0 : i32
        %dma_wait3A_1010 = tpu.memref_slice %arg6[%dma_wait3A_1008, %dma_wait3A_1009] : memref<8x64xi32, #tpu.memory_space<vmem>> -> memref<1x64xi32, #tpu.memory_space<vmem>>
        %dma_wait3A_1011 = tpu.memref_squeeze %dma_wait3A_1010 : memref<1x64xi32, #tpu.memory_space<vmem>> -> memref<64xi32, #tpu.memory_space<vmem>>
        %dma_wait3A_1012 = arith.constant 0 : i32
        %dma_wait3A_1013 = tpu.memref_slice %arg2[%dma_wait3A_1007, %dma_wait3A_1012] : memref<5056x64xi32, #tpu.memory_space<hbm>> -> memref<1x64xi32, #tpu.memory_space<hbm>>
        %dma_wait3A_1014 = tpu.memref_squeeze %dma_wait3A_1013 : memref<1x64xi32, #tpu.memory_space<hbm>> -> memref<64xi32, #tpu.memory_space<hbm>>
        %dma_wait3A_1015 = arith.constant 0 : i32
        %dma_wait3A_1016 = tpu.memref_slice %arg6[%dma_wait3A_1008, %dma_wait3A_1015] : memref<8x64xi32, #tpu.memory_space<vmem>> -> memref<1x64xi32, #tpu.memory_space<vmem>>
        %dma_wait3A_1017 = tpu.memref_squeeze %dma_wait3A_1016 : memref<1x64xi32, #tpu.memory_space<vmem>> -> memref<64xi32, #tpu.memory_space<vmem>>
        %dma_wait3A_1018 = arith.constant 0 : i32
        %dma_wait3A_1019 = tpu.memref_slice %arg2[%dma_wait3A_1007, %dma_wait3A_1018] : memref<5056x64xi32, #tpu.memory_space<hbm>> -> memref<1x64xi32, #tpu.memory_space<hbm>>
        %dma_wait3A_1020 = tpu.memref_squeeze %dma_wait3A_1019 : memref<1x64xi32, #tpu.memory_space<hbm>> -> memref<64xi32, #tpu.memory_space<hbm>>
        tpu.wait_dma2 semaphore(%arg17 : memref<!tpu.dma_semaphore, #tpu.memory_space<semaphore_mem>>) src(%dma_wait3A_1020 : memref<64xi32, #tpu.memory_space<hbm>>) dst(%dma_wait3A_1017 : memref<64xi32, #tpu.memory_space<vmem>>)
        %dma_wait3A_1021 = arith.constant 0 : i32
        %dma_wait3A_1022 = arith.constant 0 : i32
        %dma_wait3A_1023 = arith.constant 0 : i32
        %dma_wait3A_1024 = tpu.memref_slice %arg7[%dma_wait3A_1022, %dma_wait3A_1023] : memref<8x64xi32, #tpu.memory_space<vmem>> -> memref<1x64xi32, #tpu.memory_space<vmem>>
        %dma_wait3A_1025 = tpu.memref_squeeze %dma_wait3A_1024 : memref<1x64xi32, #tpu.memory_space<vmem>> -> memref<64xi32, #tpu.memory_space<vmem>>
        %dma_wait3A_1026 = arith.constant 0 : i32
        %dma_wait3A_1027 = tpu.memref_slice %arg3[%dma_wait3A_1021, %dma_wait3A_1026] : memref<5056x64xi32, #tpu.memory_space<hbm>> -> memref<1x64xi32, #tpu.memory_space<hbm>>
        %dma_wait3A_1028 = tpu.memref_squeeze %dma_wait3A_1027 : memref<1x64xi32, #tpu.memory_space<hbm>> -> memref<64xi32, #tpu.memory_space<hbm>>
        %dma_wait3A_1029 = arith.constant 0 : i32
        %dma_wait3A_1030 = tpu.memref_slice %arg7[%dma_wait3A_1022, %dma_wait3A_1029] : memref<8x64xi32, #tpu.memory_space<vmem>> -> memref<1x64xi32, #tpu.memory_space<vmem>>
        %dma_wait3A_1031 = tpu.memref_squeeze %dma_wait3A_1030 : memref<1x64xi32, #tpu.memory_space<vmem>> -> memref<64xi32, #tpu.memory_space<vmem>>
        %dma_wait3A_1032 = arith.constant 0 : i32
        %dma_wait3A_1033 = tpu.memref_slice %arg3[%dma_wait3A_1021, %dma_wait3A_1032] : memref<5056x64xi32, #tpu.memory_space<hbm>> -> memref<1x64xi32, #tpu.memory_space<hbm>>
        %dma_wait3A_1034 = tpu.memref_squeeze %dma_wait3A_1033 : memref<1x64xi32, #tpu.memory_space<hbm>> -> memref<64xi32, #tpu.memory_space<hbm>>
        tpu.wait_dma2 semaphore(%arg19 : memref<!tpu.dma_semaphore, #tpu.memory_space<semaphore_mem>>) src(%dma_wait3A_1034 : memref<64xi32, #tpu.memory_space<hbm>>) dst(%dma_wait3A_1031 : memref<64xi32, #tpu.memory_space<vmem>>)
        %add3A_1035 = arith.constant 4 : i32
        %add3A_1036 = arith.addi %add3A_949, %add3A_1035 : i32
        %jit3A_1037 = arith.constant 8 : i32
        %eq3A_1038 = arith.constant 0 : i32
        %eq3A_1039 = arith.cmpi eq, %jit3A_1037, %eq3A_1038 : i32
        %jit3A_1040 = arith.constant 1 : i32
        %select_n3A_1041 = arith.select %eq3A_1039, %jit3A_1040, %jit3A_1037 : i32
        %rem3A_1042 = arith.remsi %add3A_1036, %select_n3A_1041 : i32
        %ne3A_1043 = arith.constant 0 : i32
        %ne3A_1044 = arith.cmpi ne, %rem3A_1042, %ne3A_1043 : i32
        %lt3A_1045 = arith.constant 0 : i32
        %lt3A_1046 = arith.cmpi slt, %rem3A_1042, %lt3A_1045 : i32
        %lt3A_1047 = arith.constant 0 : i32
        %lt3A_1048 = arith.cmpi slt, %select_n3A_1041, %lt3A_1047 : i32
        %ne3A_1049 = arith.xori %lt3A_1046, %lt3A_1048 : i1
        %and3A_1050 = arith.andi %ne3A_1049, %ne3A_1044 : i1
        %add3A_1051 = arith.addi %rem3A_1042, %select_n3A_1041 : i32
        %select_n3A_1052 = arith.select %and3A_1050, %add3A_1051, %rem3A_1042 : i32
        %dma_start3A_1053 = arith.constant 2 : i32
        %dma_start3A_1054 = arith.constant 0 : i32
        %dma_start3A_1055 = arith.constant 0 : i32
        %dma_start3A_1056 = tpu.memref_slice %arg8[%dma_start3A_1053, %dma_start3A_1054, %dma_start3A_1055] : memref<4x64x128xf32, #tpu.memory_space<vmem>> -> memref<1x64x128xf32, #tpu.memory_space<vmem>>
        %dma_start3A_1057 = tpu.memref_squeeze %dma_start3A_1056 : memref<1x64x128xf32, #tpu.memory_space<vmem>> -> memref<64x128xf32, #tpu.memory_space<vmem>>
        %dma_start3A_1058 = arith.constant 0 : i32
        %dma_start3A_1059 = tpu.memref_slice %arg6[%select_n3A_1052, %dma_start3A_1058] : memref<8x64xi32, #tpu.memory_space<vmem>> -> memref<1x64xi32, #tpu.memory_space<vmem>>
        %dma_start3A_1060 = tpu.memref_squeeze %dma_start3A_1059 : memref<1x64xi32, #tpu.memory_space<vmem>> -> memref<64xi32, #tpu.memory_space<vmem>>
        %dma_start3A_1061 = arith.constant 0 : i32
        %dma_start3A_1062 = arith.constant 0 : i32
        %dma_start3A_1063 = tpu.memref_slice %arg4[%dma_start3A_1061, %dma_start3A_1062] : memref<10000x128xf32, #tpu.memory_space<hbm>> -> memref<10000x128xf32, #tpu.memory_space<hbm>>
        tpu.enqueue_indirect_dma source(%dma_start3A_1063 : memref<10000x128xf32, #tpu.memory_space<hbm>>) target(%dma_start3A_1057 : memref<64x128xf32, #tpu.memory_space<vmem>>) offsets(%dma_start3A_1060 : memref<64xi32, #tpu.memory_space<vmem>>) semaphore(%arg11 : memref<!tpu.dma_semaphore, #tpu.memory_space<semaphore_mem>>)
      } else {
      }
      %add3A_977 = arith.constant 3 : i32
      %add3A_978 = arith.addi %mul3A_713, %add3A_977 : i32
      %dma_wait3A_979 = arith.constant 3 : i32
      %dma_wait3A_980 = arith.constant 0 : i32
      %dma_wait3A_981 = arith.constant 0 : i32
      %dma_wait3A_982 = tpu.memref_slice %arg8[%dma_wait3A_979, %dma_wait3A_980, %dma_wait3A_981] : memref<4x64x128xf32, #tpu.memory_space<vmem>> -> memref<1x64x128xf32, #tpu.memory_space<vmem>>
      %dma_wait3A_983 = tpu.memref_squeeze %dma_wait3A_982 : memref<1x64x128xf32, #tpu.memory_space<vmem>> -> memref<64x128xf32, #tpu.memory_space<vmem>>
      %dma_wait3A_984 = arith.constant 0 : i32
      %dma_wait3A_985 = arith.constant 0 : i32
      %dma_wait3A_986 = tpu.memref_slice %arg21[%dma_wait3A_984, %dma_wait3A_985] : memref<10048x128xf32, #tpu.memory_space<vmem_shared>> -> memref<64x128xf32, #tpu.memory_space<vmem_shared>>
      %dma_wait3A_987 = arith.constant 0 : i32
      %dma_wait3A_988 = arith.constant 0 : i32
      %dma_wait3A_989 = tpu.memref_slice %arg21[%dma_wait3A_987, %dma_wait3A_988] : memref<10048x128xf32, #tpu.memory_space<vmem_shared>> -> memref<64x128xf32, #tpu.memory_space<vmem_shared>>
      %dma_wait3A_990 = arith.constant 0 : i32
      %dma_wait3A_991 = arith.constant 0 : i32
      %dma_wait3A_992 = tpu.memref_slice %arg8[%dma_wait3A_979, %dma_wait3A_990, %dma_wait3A_991] : memref<4x64x128xf32, #tpu.memory_space<vmem>> -> memref<1x64x128xf32, #tpu.memory_space<vmem>>
      %dma_wait3A_993 = tpu.memref_squeeze %dma_wait3A_992 : memref<1x64x128xf32, #tpu.memory_space<vmem>> -> memref<64x128xf32, #tpu.memory_space<vmem>>
      tpu.wait_dma2 semaphore(%arg16 : memref<!tpu.dma_semaphore, #tpu.memory_space<semaphore_mem>>) src(%dma_wait3A_993 : memref<64x128xf32, #tpu.memory_space<vmem>>) dst(%dma_wait3A_989 : memref<64x128xf32, #tpu.memory_space<vmem_shared>>)
      %add3A_994 = arith.constant 8 : i32
      %add3A_995 = arith.addi %add3A_978, %add3A_994 : i32
      %lt3A_996 = arith.cmpi slt, %add3A_995, %select_n3A_2 : i32
      %convert_element_type3A_997 = arith.extui %lt3A_996 : i1 to i32
      %cond3A_998 = arith.constant 0 : i32
      %cond3A_999 = arith.cmpi ne, %convert_element_type3A_997, %cond3A_998 : i32
      scf.if %cond3A_999 {
        %add3A_1007 = arith.constant 8 : i32
        %add3A_1008 = arith.addi %add3A_978, %add3A_1007 : i32
        %add3A_1009 = arith.addi %add3A, %add3A_1008 : i32
        %jit3A_1010 = arith.constant 8 : i32
        %eq3A_1011 = arith.constant 0 : i32
        %eq3A_1012 = arith.cmpi eq, %jit3A_1010, %eq3A_1011 : i32
        %jit3A_1013 = arith.constant 1 : i32
        %select_n3A_1014 = arith.select %eq3A_1012, %jit3A_1013, %jit3A_1010 : i32
        %rem3A_1015 = arith.remsi %add3A_1008, %select_n3A_1014 : i32
        %ne3A_1016 = arith.constant 0 : i32
        %ne3A_1017 = arith.cmpi ne, %rem3A_1015, %ne3A_1016 : i32
        %lt3A_1018 = arith.constant 0 : i32
        %lt3A_1019 = arith.cmpi slt, %rem3A_1015, %lt3A_1018 : i32
        %lt3A_1020 = arith.constant 0 : i32
        %lt3A_1021 = arith.cmpi slt, %select_n3A_1014, %lt3A_1020 : i32
        %ne3A_1022 = arith.xori %lt3A_1019, %lt3A_1021 : i1
        %and3A_1023 = arith.andi %ne3A_1022, %ne3A_1017 : i1
        %add3A_1024 = arith.addi %rem3A_1015, %select_n3A_1014 : i32
        %select_n3A_1025 = arith.select %and3A_1023, %add3A_1024, %rem3A_1015 : i32
        %dma_start3A_1026 = arith.constant 0 : i32
        %dma_start3A_1027 = tpu.memref_slice %arg6[%select_n3A_1025, %dma_start3A_1026] : memref<8x64xi32, #tpu.memory_space<vmem>> -> memref<1x64xi32, #tpu.memory_space<vmem>>
        %dma_start3A_1028 = tpu.memref_squeeze %dma_start3A_1027 : memref<1x64xi32, #tpu.memory_space<vmem>> -> memref<64xi32, #tpu.memory_space<vmem>>
        %dma_start3A_1029 = arith.constant 0 : i32
        %dma_start3A_1030 = tpu.memref_slice %arg2[%add3A_1009, %dma_start3A_1029] : memref<5056x64xi32, #tpu.memory_space<hbm>> -> memref<1x64xi32, #tpu.memory_space<hbm>>
        %dma_start3A_1031 = tpu.memref_squeeze %dma_start3A_1030 : memref<1x64xi32, #tpu.memory_space<hbm>> -> memref<64xi32, #tpu.memory_space<hbm>>
        %dma_start3A_1032 = arith.constant 0 : i32
        %dma_start3A_1033 = tpu.memref_slice %arg6[%select_n3A_1025, %dma_start3A_1032] : memref<8x64xi32, #tpu.memory_space<vmem>> -> memref<1x64xi32, #tpu.memory_space<vmem>>
        %dma_start3A_1034 = tpu.memref_squeeze %dma_start3A_1033 : memref<1x64xi32, #tpu.memory_space<vmem>> -> memref<64xi32, #tpu.memory_space<vmem>>
        %dma_start3A_1035 = arith.constant 0 : i32
        %dma_start3A_1036 = tpu.memref_slice %arg2[%add3A_1009, %dma_start3A_1035] : memref<5056x64xi32, #tpu.memory_space<hbm>> -> memref<1x64xi32, #tpu.memory_space<hbm>>
        %dma_start3A_1037 = tpu.memref_squeeze %dma_start3A_1036 : memref<1x64xi32, #tpu.memory_space<hbm>> -> memref<64xi32, #tpu.memory_space<hbm>>
        tpu.enqueue_dma source(%dma_start3A_1037 : memref<64xi32, #tpu.memory_space<hbm>>) target(%dma_start3A_1034 : memref<64xi32, #tpu.memory_space<vmem>>) target_semaphore(%arg18 : memref<!tpu.dma_semaphore, #tpu.memory_space<semaphore_mem>>)
        %add3A_1038 = arith.addi %add3A, %add3A_1008 : i32
        %jit3A_1039 = arith.constant 8 : i32
        %eq3A_1040 = arith.constant 0 : i32
        %eq3A_1041 = arith.cmpi eq, %jit3A_1039, %eq3A_1040 : i32
        %jit3A_1042 = arith.constant 1 : i32
        %select_n3A_1043 = arith.select %eq3A_1041, %jit3A_1042, %jit3A_1039 : i32
        %rem3A_1044 = arith.remsi %add3A_1008, %select_n3A_1043 : i32
        %ne3A_1045 = arith.constant 0 : i32
        %ne3A_1046 = arith.cmpi ne, %rem3A_1044, %ne3A_1045 : i32
        %lt3A_1047 = arith.constant 0 : i32
        %lt3A_1048 = arith.cmpi slt, %rem3A_1044, %lt3A_1047 : i32
        %lt3A_1049 = arith.constant 0 : i32
        %lt3A_1050 = arith.cmpi slt, %select_n3A_1043, %lt3A_1049 : i32
        %ne3A_1051 = arith.xori %lt3A_1048, %lt3A_1050 : i1
        %and3A_1052 = arith.andi %ne3A_1051, %ne3A_1046 : i1
        %add3A_1053 = arith.addi %rem3A_1044, %select_n3A_1043 : i32
        %select_n3A_1054 = arith.select %and3A_1052, %add3A_1053, %rem3A_1044 : i32
        %dma_start3A_1055 = arith.constant 0 : i32
        %dma_start3A_1056 = tpu.memref_slice %arg7[%select_n3A_1054, %dma_start3A_1055] : memref<8x64xi32, #tpu.memory_space<vmem>> -> memref<1x64xi32, #tpu.memory_space<vmem>>
        %dma_start3A_1057 = tpu.memref_squeeze %dma_start3A_1056 : memref<1x64xi32, #tpu.memory_space<vmem>> -> memref<64xi32, #tpu.memory_space<vmem>>
        %dma_start3A_1058 = arith.constant 0 : i32
        %dma_start3A_1059 = tpu.memref_slice %arg3[%add3A_1038, %dma_start3A_1058] : memref<5056x64xi32, #tpu.memory_space<hbm>> -> memref<1x64xi32, #tpu.memory_space<hbm>>
        %dma_start3A_1060 = tpu.memref_squeeze %dma_start3A_1059 : memref<1x64xi32, #tpu.memory_space<hbm>> -> memref<64xi32, #tpu.memory_space<hbm>>
        %dma_start3A_1061 = arith.constant 0 : i32
        %dma_start3A_1062 = tpu.memref_slice %arg7[%select_n3A_1054, %dma_start3A_1061] : memref<8x64xi32, #tpu.memory_space<vmem>> -> memref<1x64xi32, #tpu.memory_space<vmem>>
        %dma_start3A_1063 = tpu.memref_squeeze %dma_start3A_1062 : memref<1x64xi32, #tpu.memory_space<vmem>> -> memref<64xi32, #tpu.memory_space<vmem>>
        %dma_start3A_1064 = arith.constant 0 : i32
        %dma_start3A_1065 = tpu.memref_slice %arg3[%add3A_1038, %dma_start3A_1064] : memref<5056x64xi32, #tpu.memory_space<hbm>> -> memref<1x64xi32, #tpu.memory_space<hbm>>
        %dma_start3A_1066 = tpu.memref_squeeze %dma_start3A_1065 : memref<1x64xi32, #tpu.memory_space<hbm>> -> memref<64xi32, #tpu.memory_space<hbm>>
        tpu.enqueue_dma source(%dma_start3A_1066 : memref<64xi32, #tpu.memory_space<hbm>>) target(%dma_start3A_1063 : memref<64xi32, #tpu.memory_space<vmem>>) target_semaphore(%arg20 : memref<!tpu.dma_semaphore, #tpu.memory_space<semaphore_mem>>)
      } else {
      }
      %add3A_1000 = arith.constant 4 : i32
      %add3A_1001 = arith.addi %add3A_978, %add3A_1000 : i32
      %lt3A_1002 = arith.cmpi slt, %add3A_1001, %select_n3A_2 : i32
      %convert_element_type3A_1003 = arith.extui %lt3A_1002 : i1 to i32
      %cond3A_1004 = arith.constant 0 : i32
      %cond3A_1005 = arith.cmpi ne, %convert_element_type3A_1003, %cond3A_1004 : i32
      scf.if %cond3A_1005 {
        %dma_wait3A_1007 = arith.constant 0 : i32
        %dma_wait3A_1008 = arith.constant 0 : i32
        %dma_wait3A_1009 = arith.constant 0 : i32
        %dma_wait3A_1010 = tpu.memref_slice %arg6[%dma_wait3A_1008, %dma_wait3A_1009] : memref<8x64xi32, #tpu.memory_space<vmem>> -> memref<1x64xi32, #tpu.memory_space<vmem>>
        %dma_wait3A_1011 = tpu.memref_squeeze %dma_wait3A_1010 : memref<1x64xi32, #tpu.memory_space<vmem>> -> memref<64xi32, #tpu.memory_space<vmem>>
        %dma_wait3A_1012 = arith.constant 0 : i32
        %dma_wait3A_1013 = tpu.memref_slice %arg2[%dma_wait3A_1007, %dma_wait3A_1012] : memref<5056x64xi32, #tpu.memory_space<hbm>> -> memref<1x64xi32, #tpu.memory_space<hbm>>
        %dma_wait3A_1014 = tpu.memref_squeeze %dma_wait3A_1013 : memref<1x64xi32, #tpu.memory_space<hbm>> -> memref<64xi32, #tpu.memory_space<hbm>>
        %dma_wait3A_1015 = arith.constant 0 : i32
        %dma_wait3A_1016 = tpu.memref_slice %arg6[%dma_wait3A_1008, %dma_wait3A_1015] : memref<8x64xi32, #tpu.memory_space<vmem>> -> memref<1x64xi32, #tpu.memory_space<vmem>>
        %dma_wait3A_1017 = tpu.memref_squeeze %dma_wait3A_1016 : memref<1x64xi32, #tpu.memory_space<vmem>> -> memref<64xi32, #tpu.memory_space<vmem>>
        %dma_wait3A_1018 = arith.constant 0 : i32
        %dma_wait3A_1019 = tpu.memref_slice %arg2[%dma_wait3A_1007, %dma_wait3A_1018] : memref<5056x64xi32, #tpu.memory_space<hbm>> -> memref<1x64xi32, #tpu.memory_space<hbm>>
        %dma_wait3A_1020 = tpu.memref_squeeze %dma_wait3A_1019 : memref<1x64xi32, #tpu.memory_space<hbm>> -> memref<64xi32, #tpu.memory_space<hbm>>
        tpu.wait_dma2 semaphore(%arg18 : memref<!tpu.dma_semaphore, #tpu.memory_space<semaphore_mem>>) src(%dma_wait3A_1020 : memref<64xi32, #tpu.memory_space<hbm>>) dst(%dma_wait3A_1017 : memref<64xi32, #tpu.memory_space<vmem>>)
        %dma_wait3A_1021 = arith.constant 0 : i32
        %dma_wait3A_1022 = arith.constant 0 : i32
        %dma_wait3A_1023 = arith.constant 0 : i32
        %dma_wait3A_1024 = tpu.memref_slice %arg7[%dma_wait3A_1022, %dma_wait3A_1023] : memref<8x64xi32, #tpu.memory_space<vmem>> -> memref<1x64xi32, #tpu.memory_space<vmem>>
        %dma_wait3A_1025 = tpu.memref_squeeze %dma_wait3A_1024 : memref<1x64xi32, #tpu.memory_space<vmem>> -> memref<64xi32, #tpu.memory_space<vmem>>
        %dma_wait3A_1026 = arith.constant 0 : i32
        %dma_wait3A_1027 = tpu.memref_slice %arg3[%dma_wait3A_1021, %dma_wait3A_1026] : memref<5056x64xi32, #tpu.memory_space<hbm>> -> memref<1x64xi32, #tpu.memory_space<hbm>>
        %dma_wait3A_1028 = tpu.memref_squeeze %dma_wait3A_1027 : memref<1x64xi32, #tpu.memory_space<hbm>> -> memref<64xi32, #tpu.memory_space<hbm>>
        %dma_wait3A_1029 = arith.constant 0 : i32
        %dma_wait3A_1030 = tpu.memref_slice %arg7[%dma_wait3A_1022, %dma_wait3A_1029] : memref<8x64xi32, #tpu.memory_space<vmem>> -> memref<1x64xi32, #tpu.memory_space<vmem>>
        %dma_wait3A_1031 = tpu.memref_squeeze %dma_wait3A_1030 : memref<1x64xi32, #tpu.memory_space<vmem>> -> memref<64xi32, #tpu.memory_space<vmem>>
        %dma_wait3A_1032 = arith.constant 0 : i32
        %dma_wait3A_1033 = tpu.memref_slice %arg3[%dma_wait3A_1021, %dma_wait3A_1032] : memref<5056x64xi32, #tpu.memory_space<hbm>> -> memref<1x64xi32, #tpu.memory_space<hbm>>
        %dma_wait3A_1034 = tpu.memref_squeeze %dma_wait3A_1033 : memref<1x64xi32, #tpu.memory_space<hbm>> -> memref<64xi32, #tpu.memory_space<hbm>>
        tpu.wait_dma2 semaphore(%arg20 : memref<!tpu.dma_semaphore, #tpu.memory_space<semaphore_mem>>) src(%dma_wait3A_1034 : memref<64xi32, #tpu.memory_space<hbm>>) dst(%dma_wait3A_1031 : memref<64xi32, #tpu.memory_space<vmem>>)
        %add3A_1035 = arith.constant 4 : i32
        %add3A_1036 = arith.addi %add3A_978, %add3A_1035 : i32
        %jit3A_1037 = arith.constant 8 : i32
        %eq3A_1038 = arith.constant 0 : i32
        %eq3A_1039 = arith.cmpi eq, %jit3A_1037, %eq3A_1038 : i32
        %jit3A_1040 = arith.constant 1 : i32
        %select_n3A_1041 = arith.select %eq3A_1039, %jit3A_1040, %jit3A_1037 : i32
        %rem3A_1042 = arith.remsi %add3A_1036, %select_n3A_1041 : i32
        %ne3A_1043 = arith.constant 0 : i32
        %ne3A_1044 = arith.cmpi ne, %rem3A_1042, %ne3A_1043 : i32
        %lt3A_1045 = arith.constant 0 : i32
        %lt3A_1046 = arith.cmpi slt, %rem3A_1042, %lt3A_1045 : i32
        %lt3A_1047 = arith.constant 0 : i32
        %lt3A_1048 = arith.cmpi slt, %select_n3A_1041, %lt3A_1047 : i32
        %ne3A_1049 = arith.xori %lt3A_1046, %lt3A_1048 : i1
        %and3A_1050 = arith.andi %ne3A_1049, %ne3A_1044 : i1
        %add3A_1051 = arith.addi %rem3A_1042, %select_n3A_1041 : i32
        %select_n3A_1052 = arith.select %and3A_1050, %add3A_1051, %rem3A_1042 : i32
        %dma_start3A_1053 = arith.constant 3 : i32
        %dma_start3A_1054 = arith.constant 0 : i32
        %dma_start3A_1055 = arith.constant 0 : i32
        %dma_start3A_1056 = tpu.memref_slice %arg8[%dma_start3A_1053, %dma_start3A_1054, %dma_start3A_1055] : memref<4x64x128xf32, #tpu.memory_space<vmem>> -> memref<1x64x128xf32, #tpu.memory_space<vmem>>
        %dma_start3A_1057 = tpu.memref_squeeze %dma_start3A_1056 : memref<1x64x128xf32, #tpu.memory_space<vmem>> -> memref<64x128xf32, #tpu.memory_space<vmem>>
        %dma_start3A_1058 = arith.constant 0 : i32
        %dma_start3A_1059 = tpu.memref_slice %arg6[%select_n3A_1052, %dma_start3A_1058] : memref<8x64xi32, #tpu.memory_space<vmem>> -> memref<1x64xi32, #tpu.memory_space<vmem>>
        %dma_start3A_1060 = tpu.memref_squeeze %dma_start3A_1059 : memref<1x64xi32, #tpu.memory_space<vmem>> -> memref<64xi32, #tpu.memory_space<vmem>>
        %dma_start3A_1061 = arith.constant 0 : i32
        %dma_start3A_1062 = arith.constant 0 : i32
        %dma_start3A_1063 = tpu.memref_slice %arg4[%dma_start3A_1061, %dma_start3A_1062] : memref<10000x128xf32, #tpu.memory_space<hbm>> -> memref<10000x128xf32, #tpu.memory_space<hbm>>
        tpu.enqueue_indirect_dma source(%dma_start3A_1063 : memref<10000x128xf32, #tpu.memory_space<hbm>>) target(%dma_start3A_1057 : memref<64x128xf32, #tpu.memory_space<vmem>>) offsets(%dma_start3A_1060 : memref<64xi32, #tpu.memory_space<vmem>>) semaphore(%arg12 : memref<!tpu.dma_semaphore, #tpu.memory_space<semaphore_mem>>)
      } else {
      }
      %while3A_1006 = arith.constant 0 : i32
      scf.yield %while3A_1006 : i32
    }
    %while3A_697 = arith.constant 1 : i32
    %while3A_698 = scf.for %while3A_710 = %while3A_694 to %while3A_690 step %while3A_697 iter_args(%while3A_711 = %while3A_696) -> (i32)  : i32 {
      %mul3A_712 = arith.constant 4 : i32
      %mul3A_713 = arith.muli %mul3A_712, %while3A_710 : i32
      %add3A_714 = arith.constant 0 : i32
      %add3A_715 = arith.addi %mul3A_713, %add3A_714 : i32
      %dma_wait3A_716 = arith.constant 0 : i32
      %dma_wait3A_717 = arith.constant 0 : i32
      %dma_wait3A_718 = arith.constant 0 : i32
      %dma_wait3A_719 = tpu.memref_slice %arg8[%dma_wait3A_716, %dma_wait3A_717, %dma_wait3A_718] : memref<4x64x128xf32, #tpu.memory_space<vmem>> -> memref<1x64x128xf32, #tpu.memory_space<vmem>>
      %dma_wait3A_720 = tpu.memref_squeeze %dma_wait3A_719 : memref<1x64x128xf32, #tpu.memory_space<vmem>> -> memref<64x128xf32, #tpu.memory_space<vmem>>
      %dma_wait3A_721 = arith.constant 0 : i32
      %dma_wait3A_722 = arith.constant 0 : i32
      %dma_wait3A_723 = tpu.memref_slice %arg4[%dma_wait3A_721, %dma_wait3A_722] : memref<10000x128xf32, #tpu.memory_space<hbm>> -> memref<64x128xf32, #tpu.memory_space<hbm>>
      %dma_wait3A_724 = arith.constant 0 : i32
      %dma_wait3A_725 = arith.constant 0 : i32
      %dma_wait3A_726 = tpu.memref_slice %arg8[%dma_wait3A_716, %dma_wait3A_724, %dma_wait3A_725] : memref<4x64x128xf32, #tpu.memory_space<vmem>> -> memref<1x64x128xf32, #tpu.memory_space<vmem>>
      %dma_wait3A_727 = tpu.memref_squeeze %dma_wait3A_726 : memref<1x64x128xf32, #tpu.memory_space<vmem>> -> memref<64x128xf32, #tpu.memory_space<vmem>>
      %dma_wait3A_728 = arith.constant 0 : i32
      %dma_wait3A_729 = arith.constant 0 : i32
      %dma_wait3A_730 = tpu.memref_slice %arg4[%dma_wait3A_728, %dma_wait3A_729] : memref<10000x128xf32, #tpu.memory_space<hbm>> -> memref<64x128xf32, #tpu.memory_space<hbm>>
      tpu.wait_dma2 semaphore(%arg9 : memref<!tpu.dma_semaphore, #tpu.memory_space<semaphore_mem>>) src(%dma_wait3A_730 : memref<64x128xf32, #tpu.memory_space<hbm>>) dst(%dma_wait3A_727 : memref<64x128xf32, #tpu.memory_space<vmem>>)
      %jit3A_731 = arith.constant 8 : i32
      %eq3A_732 = arith.constant 0 : i32
      %eq3A_733 = arith.cmpi eq, %jit3A_731, %eq3A_732 : i32
      %jit3A_734 = arith.constant 1 : i32
      %select_n3A_735 = arith.select %eq3A_733, %jit3A_734, %jit3A_731 : i32
      %rem3A_736 = arith.remsi %add3A_715, %select_n3A_735 : i32
      %ne3A_737 = arith.constant 0 : i32
      %ne3A_738 = arith.cmpi ne, %rem3A_736, %ne3A_737 : i32
      %lt3A_739 = arith.constant 0 : i32
      %lt3A_740 = arith.cmpi slt, %rem3A_736, %lt3A_739 : i32
      %lt3A_741 = arith.constant 0 : i32
      %lt3A_742 = arith.cmpi slt, %select_n3A_735, %lt3A_741 : i32
      %ne3A_743 = arith.xori %lt3A_740, %lt3A_742 : i1
      %and3A_744 = arith.andi %ne3A_743, %ne3A_738 : i1
      %add3A_745 = arith.addi %rem3A_736, %select_n3A_735 : i32
      %select_n3A_746 = arith.select %and3A_744, %add3A_745, %rem3A_736 : i32
      %dma_start3A_747 = arith.constant 0 : i32
      %dma_start3A_748 = arith.constant 0 : i32
      %dma_start3A_749 = arith.constant 0 : i32
      %dma_start3A_750 = tpu.memref_slice %arg8[%dma_start3A_747, %dma_start3A_748, %dma_start3A_749] : memref<4x64x128xf32, #tpu.memory_space<vmem>> -> memref<1x64x128xf32, #tpu.memory_space<vmem>>
      %dma_start3A_751 = tpu.memref_squeeze %dma_start3A_750 : memref<1x64x128xf32, #tpu.memory_space<vmem>> -> memref<64x128xf32, #tpu.memory_space<vmem>>
      %dma_start3A_752 = arith.constant 0 : i32
      %dma_start3A_753 = tpu.memref_slice %arg7[%select_n3A_746, %dma_start3A_752] : memref<8x64xi32, #tpu.memory_space<vmem>> -> memref<1x64xi32, #tpu.memory_space<vmem>>
      %dma_start3A_754 = tpu.memref_squeeze %dma_start3A_753 : memref<1x64xi32, #tpu.memory_space<vmem>> -> memref<64xi32, #tpu.memory_space<vmem>>
      %dma_start3A_755 = arith.constant 0 : i32
      %dma_start3A_756 = arith.constant 0 : i32
      %dma_start3A_757 = tpu.memref_slice %arg21[%dma_start3A_755, %dma_start3A_756] : memref<10048x128xf32, #tpu.memory_space<vmem_shared>> -> memref<10048x128xf32, #tpu.memory_space<vmem_shared>>
      tpu.enqueue_indirect_dma source(%dma_start3A_751 : memref<64x128xf32, #tpu.memory_space<vmem>>) target(%dma_start3A_757 : memref<10048x128xf32, #tpu.memory_space<vmem_shared>>) offsets(%dma_start3A_754 : memref<64xi32, #tpu.memory_space<vmem>>) semaphore(%arg13 : memref<!tpu.dma_semaphore, #tpu.memory_space<semaphore_mem>>) {add = true}
      %add3A_758 = arith.constant 1 : i32
      %add3A_759 = arith.addi %mul3A_713, %add3A_758 : i32
      %dma_wait3A_760 = arith.constant 1 : i32
      %dma_wait3A_761 = arith.constant 0 : i32
      %dma_wait3A_762 = arith.constant 0 : i32
      %dma_wait3A_763 = tpu.memref_slice %arg8[%dma_wait3A_760, %dma_wait3A_761, %dma_wait3A_762] : memref<4x64x128xf32, #tpu.memory_space<vmem>> -> memref<1x64x128xf32, #tpu.memory_space<vmem>>
      %dma_wait3A_764 = tpu.memref_squeeze %dma_wait3A_763 : memref<1x64x128xf32, #tpu.memory_space<vmem>> -> memref<64x128xf32, #tpu.memory_space<vmem>>
      %dma_wait3A_765 = arith.constant 0 : i32
      %dma_wait3A_766 = arith.constant 0 : i32
      %dma_wait3A_767 = tpu.memref_slice %arg4[%dma_wait3A_765, %dma_wait3A_766] : memref<10000x128xf32, #tpu.memory_space<hbm>> -> memref<64x128xf32, #tpu.memory_space<hbm>>
      %dma_wait3A_768 = arith.constant 0 : i32
      %dma_wait3A_769 = arith.constant 0 : i32
      %dma_wait3A_770 = tpu.memref_slice %arg8[%dma_wait3A_760, %dma_wait3A_768, %dma_wait3A_769] : memref<4x64x128xf32, #tpu.memory_space<vmem>> -> memref<1x64x128xf32, #tpu.memory_space<vmem>>
      %dma_wait3A_771 = tpu.memref_squeeze %dma_wait3A_770 : memref<1x64x128xf32, #tpu.memory_space<vmem>> -> memref<64x128xf32, #tpu.memory_space<vmem>>
      %dma_wait3A_772 = arith.constant 0 : i32
      %dma_wait3A_773 = arith.constant 0 : i32
      %dma_wait3A_774 = tpu.memref_slice %arg4[%dma_wait3A_772, %dma_wait3A_773] : memref<10000x128xf32, #tpu.memory_space<hbm>> -> memref<64x128xf32, #tpu.memory_space<hbm>>
      tpu.wait_dma2 semaphore(%arg10 : memref<!tpu.dma_semaphore, #tpu.memory_space<semaphore_mem>>) src(%dma_wait3A_774 : memref<64x128xf32, #tpu.memory_space<hbm>>) dst(%dma_wait3A_771 : memref<64x128xf32, #tpu.memory_space<vmem>>)
      %jit3A_775 = arith.constant 8 : i32
      %eq3A_776 = arith.constant 0 : i32
      %eq3A_777 = arith.cmpi eq, %jit3A_775, %eq3A_776 : i32
      %jit3A_778 = arith.constant 1 : i32
      %select_n3A_779 = arith.select %eq3A_777, %jit3A_778, %jit3A_775 : i32
      %rem3A_780 = arith.remsi %add3A_759, %select_n3A_779 : i32
      %ne3A_781 = arith.constant 0 : i32
      %ne3A_782 = arith.cmpi ne, %rem3A_780, %ne3A_781 : i32
      %lt3A_783 = arith.constant 0 : i32
      %lt3A_784 = arith.cmpi slt, %rem3A_780, %lt3A_783 : i32
      %lt3A_785 = arith.constant 0 : i32
      %lt3A_786 = arith.cmpi slt, %select_n3A_779, %lt3A_785 : i32
      %ne3A_787 = arith.xori %lt3A_784, %lt3A_786 : i1
      %and3A_788 = arith.andi %ne3A_787, %ne3A_782 : i1
      %add3A_789 = arith.addi %rem3A_780, %select_n3A_779 : i32
      %select_n3A_790 = arith.select %and3A_788, %add3A_789, %rem3A_780 : i32
      %dma_start3A_791 = arith.constant 1 : i32
      %dma_start3A_792 = arith.constant 0 : i32
      %dma_start3A_793 = arith.constant 0 : i32
      %dma_start3A_794 = tpu.memref_slice %arg8[%dma_start3A_791, %dma_start3A_792, %dma_start3A_793] : memref<4x64x128xf32, #tpu.memory_space<vmem>> -> memref<1x64x128xf32, #tpu.memory_space<vmem>>
      %dma_start3A_795 = tpu.memref_squeeze %dma_start3A_794 : memref<1x64x128xf32, #tpu.memory_space<vmem>> -> memref<64x128xf32, #tpu.memory_space<vmem>>
      %dma_start3A_796 = arith.constant 0 : i32
      %dma_start3A_797 = tpu.memref_slice %arg7[%select_n3A_790, %dma_start3A_796] : memref<8x64xi32, #tpu.memory_space<vmem>> -> memref<1x64xi32, #tpu.memory_space<vmem>>
      %dma_start3A_798 = tpu.memref_squeeze %dma_start3A_797 : memref<1x64xi32, #tpu.memory_space<vmem>> -> memref<64xi32, #tpu.memory_space<vmem>>
      %dma_start3A_799 = arith.constant 0 : i32
      %dma_start3A_800 = arith.constant 0 : i32
      %dma_start3A_801 = tpu.memref_slice %arg21[%dma_start3A_799, %dma_start3A_800] : memref<10048x128xf32, #tpu.memory_space<vmem_shared>> -> memref<10048x128xf32, #tpu.memory_space<vmem_shared>>
      tpu.enqueue_indirect_dma source(%dma_start3A_795 : memref<64x128xf32, #tpu.memory_space<vmem>>) target(%dma_start3A_801 : memref<10048x128xf32, #tpu.memory_space<vmem_shared>>) offsets(%dma_start3A_798 : memref<64xi32, #tpu.memory_space<vmem>>) semaphore(%arg14 : memref<!tpu.dma_semaphore, #tpu.memory_space<semaphore_mem>>) {add = true}
      %add3A_802 = arith.constant 2 : i32
      %add3A_803 = arith.addi %mul3A_713, %add3A_802 : i32
      %dma_wait3A_804 = arith.constant 2 : i32
      %dma_wait3A_805 = arith.constant 0 : i32
      %dma_wait3A_806 = arith.constant 0 : i32
      %dma_wait3A_807 = tpu.memref_slice %arg8[%dma_wait3A_804, %dma_wait3A_805, %dma_wait3A_806] : memref<4x64x128xf32, #tpu.memory_space<vmem>> -> memref<1x64x128xf32, #tpu.memory_space<vmem>>
      %dma_wait3A_808 = tpu.memref_squeeze %dma_wait3A_807 : memref<1x64x128xf32, #tpu.memory_space<vmem>> -> memref<64x128xf32, #tpu.memory_space<vmem>>
      %dma_wait3A_809 = arith.constant 0 : i32
      %dma_wait3A_810 = arith.constant 0 : i32
      %dma_wait3A_811 = tpu.memref_slice %arg4[%dma_wait3A_809, %dma_wait3A_810] : memref<10000x128xf32, #tpu.memory_space<hbm>> -> memref<64x128xf32, #tpu.memory_space<hbm>>
      %dma_wait3A_812 = arith.constant 0 : i32
      %dma_wait3A_813 = arith.constant 0 : i32
      %dma_wait3A_814 = tpu.memref_slice %arg8[%dma_wait3A_804, %dma_wait3A_812, %dma_wait3A_813] : memref<4x64x128xf32, #tpu.memory_space<vmem>> -> memref<1x64x128xf32, #tpu.memory_space<vmem>>
      %dma_wait3A_815 = tpu.memref_squeeze %dma_wait3A_814 : memref<1x64x128xf32, #tpu.memory_space<vmem>> -> memref<64x128xf32, #tpu.memory_space<vmem>>
      %dma_wait3A_816 = arith.constant 0 : i32
      %dma_wait3A_817 = arith.constant 0 : i32
      %dma_wait3A_818 = tpu.memref_slice %arg4[%dma_wait3A_816, %dma_wait3A_817] : memref<10000x128xf32, #tpu.memory_space<hbm>> -> memref<64x128xf32, #tpu.memory_space<hbm>>
      tpu.wait_dma2 semaphore(%arg11 : memref<!tpu.dma_semaphore, #tpu.memory_space<semaphore_mem>>) src(%dma_wait3A_818 : memref<64x128xf32, #tpu.memory_space<hbm>>) dst(%dma_wait3A_815 : memref<64x128xf32, #tpu.memory_space<vmem>>)
      %jit3A_819 = arith.constant 8 : i32
      %eq3A_820 = arith.constant 0 : i32
      %eq3A_821 = arith.cmpi eq, %jit3A_819, %eq3A_820 : i32
      %jit3A_822 = arith.constant 1 : i32
      %select_n3A_823 = arith.select %eq3A_821, %jit3A_822, %jit3A_819 : i32
      %rem3A_824 = arith.remsi %add3A_803, %select_n3A_823 : i32
      %ne3A_825 = arith.constant 0 : i32
      %ne3A_826 = arith.cmpi ne, %rem3A_824, %ne3A_825 : i32
      %lt3A_827 = arith.constant 0 : i32
      %lt3A_828 = arith.cmpi slt, %rem3A_824, %lt3A_827 : i32
      %lt3A_829 = arith.constant 0 : i32
      %lt3A_830 = arith.cmpi slt, %select_n3A_823, %lt3A_829 : i32
      %ne3A_831 = arith.xori %lt3A_828, %lt3A_830 : i1
      %and3A_832 = arith.andi %ne3A_831, %ne3A_826 : i1
      %add3A_833 = arith.addi %rem3A_824, %select_n3A_823 : i32
      %select_n3A_834 = arith.select %and3A_832, %add3A_833, %rem3A_824 : i32
      %dma_start3A_835 = arith.constant 2 : i32
      %dma_start3A_836 = arith.constant 0 : i32
      %dma_start3A_837 = arith.constant 0 : i32
      %dma_start3A_838 = tpu.memref_slice %arg8[%dma_start3A_835, %dma_start3A_836, %dma_start3A_837] : memref<4x64x128xf32, #tpu.memory_space<vmem>> -> memref<1x64x128xf32, #tpu.memory_space<vmem>>
      %dma_start3A_839 = tpu.memref_squeeze %dma_start3A_838 : memref<1x64x128xf32, #tpu.memory_space<vmem>> -> memref<64x128xf32, #tpu.memory_space<vmem>>
      %dma_start3A_840 = arith.constant 0 : i32
      %dma_start3A_841 = tpu.memref_slice %arg7[%select_n3A_834, %dma_start3A_840] : memref<8x64xi32, #tpu.memory_space<vmem>> -> memref<1x64xi32, #tpu.memory_space<vmem>>
      %dma_start3A_842 = tpu.memref_squeeze %dma_start3A_841 : memref<1x64xi32, #tpu.memory_space<vmem>> -> memref<64xi32, #tpu.memory_space<vmem>>
      %dma_start3A_843 = arith.constant 0 : i32
      %dma_start3A_844 = arith.constant 0 : i32
      %dma_start3A_845 = tpu.memref_slice %arg21[%dma_start3A_843, %dma_start3A_844] : memref<10048x128xf32, #tpu.memory_space<vmem_shared>> -> memref<10048x128xf32, #tpu.memory_space<vmem_shared>>
      tpu.enqueue_indirect_dma source(%dma_start3A_839 : memref<64x128xf32, #tpu.memory_space<vmem>>) target(%dma_start3A_845 : memref<10048x128xf32, #tpu.memory_space<vmem_shared>>) offsets(%dma_start3A_842 : memref<64xi32, #tpu.memory_space<vmem>>) semaphore(%arg15 : memref<!tpu.dma_semaphore, #tpu.memory_space<semaphore_mem>>) {add = true}
      %add3A_846 = arith.constant 3 : i32
      %add3A_847 = arith.addi %mul3A_713, %add3A_846 : i32
      %dma_wait3A_848 = arith.constant 3 : i32
      %dma_wait3A_849 = arith.constant 0 : i32
      %dma_wait3A_850 = arith.constant 0 : i32
      %dma_wait3A_851 = tpu.memref_slice %arg8[%dma_wait3A_848, %dma_wait3A_849, %dma_wait3A_850] : memref<4x64x128xf32, #tpu.memory_space<vmem>> -> memref<1x64x128xf32, #tpu.memory_space<vmem>>
      %dma_wait3A_852 = tpu.memref_squeeze %dma_wait3A_851 : memref<1x64x128xf32, #tpu.memory_space<vmem>> -> memref<64x128xf32, #tpu.memory_space<vmem>>
      %dma_wait3A_853 = arith.constant 0 : i32
      %dma_wait3A_854 = arith.constant 0 : i32
      %dma_wait3A_855 = tpu.memref_slice %arg4[%dma_wait3A_853, %dma_wait3A_854] : memref<10000x128xf32, #tpu.memory_space<hbm>> -> memref<64x128xf32, #tpu.memory_space<hbm>>
      %dma_wait3A_856 = arith.constant 0 : i32
      %dma_wait3A_857 = arith.constant 0 : i32
      %dma_wait3A_858 = tpu.memref_slice %arg8[%dma_wait3A_848, %dma_wait3A_856, %dma_wait3A_857] : memref<4x64x128xf32, #tpu.memory_space<vmem>> -> memref<1x64x128xf32, #tpu.memory_space<vmem>>
      %dma_wait3A_859 = tpu.memref_squeeze %dma_wait3A_858 : memref<1x64x128xf32, #tpu.memory_space<vmem>> -> memref<64x128xf32, #tpu.memory_space<vmem>>
      %dma_wait3A_860 = arith.constant 0 : i32
      %dma_wait3A_861 = arith.constant 0 : i32
      %dma_wait3A_862 = tpu.memref_slice %arg4[%dma_wait3A_860, %dma_wait3A_861] : memref<10000x128xf32, #tpu.memory_space<hbm>> -> memref<64x128xf32, #tpu.memory_space<hbm>>
      tpu.wait_dma2 semaphore(%arg12 : memref<!tpu.dma_semaphore, #tpu.memory_space<semaphore_mem>>) src(%dma_wait3A_862 : memref<64x128xf32, #tpu.memory_space<hbm>>) dst(%dma_wait3A_859 : memref<64x128xf32, #tpu.memory_space<vmem>>)
      %jit3A_863 = arith.constant 8 : i32
      %eq3A_864 = arith.constant 0 : i32
      %eq3A_865 = arith.cmpi eq, %jit3A_863, %eq3A_864 : i32
      %jit3A_866 = arith.constant 1 : i32
      %select_n3A_867 = arith.select %eq3A_865, %jit3A_866, %jit3A_863 : i32
      %rem3A_868 = arith.remsi %add3A_847, %select_n3A_867 : i32
      %ne3A_869 = arith.constant 0 : i32
      %ne3A_870 = arith.cmpi ne, %rem3A_868, %ne3A_869 : i32
      %lt3A_871 = arith.constant 0 : i32
      %lt3A_872 = arith.cmpi slt, %rem3A_868, %lt3A_871 : i32
      %lt3A_873 = arith.constant 0 : i32
      %lt3A_874 = arith.cmpi slt, %select_n3A_867, %lt3A_873 : i32
      %ne3A_875 = arith.xori %lt3A_872, %lt3A_874 : i1
      %and3A_876 = arith.andi %ne3A_875, %ne3A_870 : i1
      %add3A_877 = arith.addi %rem3A_868, %select_n3A_867 : i32
      %select_n3A_878 = arith.select %and3A_876, %add3A_877, %rem3A_868 : i32
      %dma_start3A_879 = arith.constant 3 : i32
      %dma_start3A_880 = arith.constant 0 : i32
      %dma_start3A_881 = arith.constant 0 : i32
      %dma_start3A_882 = tpu.memref_slice %arg8[%dma_start3A_879, %dma_start3A_880, %dma_start3A_881] : memref<4x64x128xf32, #tpu.memory_space<vmem>> -> memref<1x64x128xf32, #tpu.memory_space<vmem>>
      %dma_start3A_883 = tpu.memref_squeeze %dma_start3A_882 : memref<1x64x128xf32, #tpu.memory_space<vmem>> -> memref<64x128xf32, #tpu.memory_space<vmem>>
      %dma_start3A_884 = arith.constant 0 : i32
      %dma_start3A_885 = tpu.memref_slice %arg7[%select_n3A_878, %dma_start3A_884] : memref<8x64xi32, #tpu.memory_space<vmem>> -> memref<1x64xi32, #tpu.memory_space<vmem>>
      %dma_start3A_886 = tpu.memref_squeeze %dma_start3A_885 : memref<1x64xi32, #tpu.memory_space<vmem>> -> memref<64xi32, #tpu.memory_space<vmem>>
      %dma_start3A_887 = arith.constant 0 : i32
      %dma_start3A_888 = arith.constant 0 : i32
      %dma_start3A_889 = tpu.memref_slice %arg21[%dma_start3A_887, %dma_start3A_888] : memref<10048x128xf32, #tpu.memory_space<vmem_shared>> -> memref<10048x128xf32, #tpu.memory_space<vmem_shared>>
      tpu.enqueue_indirect_dma source(%dma_start3A_883 : memref<64x128xf32, #tpu.memory_space<vmem>>) target(%dma_start3A_889 : memref<10048x128xf32, #tpu.memory_space<vmem_shared>>) offsets(%dma_start3A_886 : memref<64xi32, #tpu.memory_space<vmem>>) semaphore(%arg16 : memref<!tpu.dma_semaphore, #tpu.memory_space<semaphore_mem>>) {add = true}
      %add3A_890 = arith.constant 0 : i32
      %add3A_891 = arith.addi %mul3A_713, %add3A_890 : i32
      %dma_wait3A_892 = arith.constant 0 : i32
      %dma_wait3A_893 = arith.constant 0 : i32
      %dma_wait3A_894 = arith.constant 0 : i32
      %dma_wait3A_895 = tpu.memref_slice %arg8[%dma_wait3A_892, %dma_wait3A_893, %dma_wait3A_894] : memref<4x64x128xf32, #tpu.memory_space<vmem>> -> memref<1x64x128xf32, #tpu.memory_space<vmem>>
      %dma_wait3A_896 = tpu.memref_squeeze %dma_wait3A_895 : memref<1x64x128xf32, #tpu.memory_space<vmem>> -> memref<64x128xf32, #tpu.memory_space<vmem>>
      %dma_wait3A_897 = arith.constant 0 : i32
      %dma_wait3A_898 = arith.constant 0 : i32
      %dma_wait3A_899 = tpu.memref_slice %arg21[%dma_wait3A_897, %dma_wait3A_898] : memref<10048x128xf32, #tpu.memory_space<vmem_shared>> -> memref<64x128xf32, #tpu.memory_space<vmem_shared>>
      %dma_wait3A_900 = arith.constant 0 : i32
      %dma_wait3A_901 = arith.constant 0 : i32
      %dma_wait3A_902 = tpu.memref_slice %arg21[%dma_wait3A_900, %dma_wait3A_901] : memref<10048x128xf32, #tpu.memory_space<vmem_shared>> -> memref<64x128xf32, #tpu.memory_space<vmem_shared>>
      %dma_wait3A_903 = arith.constant 0 : i32
      %dma_wait3A_904 = arith.constant 0 : i32
      %dma_wait3A_905 = tpu.memref_slice %arg8[%dma_wait3A_892, %dma_wait3A_903, %dma_wait3A_904] : memref<4x64x128xf32, #tpu.memory_space<vmem>> -> memref<1x64x128xf32, #tpu.memory_space<vmem>>
      %dma_wait3A_906 = tpu.memref_squeeze %dma_wait3A_905 : memref<1x64x128xf32, #tpu.memory_space<vmem>> -> memref<64x128xf32, #tpu.memory_space<vmem>>
      tpu.wait_dma2 semaphore(%arg13 : memref<!tpu.dma_semaphore, #tpu.memory_space<semaphore_mem>>) src(%dma_wait3A_906 : memref<64x128xf32, #tpu.memory_space<vmem>>) dst(%dma_wait3A_902 : memref<64x128xf32, #tpu.memory_space<vmem_shared>>)
      %add3A_907 = arith.constant 8 : i32
      %add3A_908 = arith.addi %add3A_891, %add3A_907 : i32
      %lt3A_909 = arith.cmpi slt, %add3A_908, %select_n3A_2 : i32
      %convert_element_type3A_910 = arith.extui %lt3A_909 : i1 to i32
      %cond3A_911 = arith.constant 0 : i32
      %cond3A_912 = arith.cmpi ne, %convert_element_type3A_910, %cond3A_911 : i32
      scf.if %cond3A_912 {
        %add3A_1007 = arith.constant 8 : i32
        %add3A_1008 = arith.addi %add3A_891, %add3A_1007 : i32
        %add3A_1009 = arith.addi %add3A, %add3A_1008 : i32
        %jit3A_1010 = arith.constant 8 : i32
        %eq3A_1011 = arith.constant 0 : i32
        %eq3A_1012 = arith.cmpi eq, %jit3A_1010, %eq3A_1011 : i32
        %jit3A_1013 = arith.constant 1 : i32
        %select_n3A_1014 = arith.select %eq3A_1012, %jit3A_1013, %jit3A_1010 : i32
        %rem3A_1015 = arith.remsi %add3A_1008, %select_n3A_1014 : i32
        %ne3A_1016 = arith.constant 0 : i32
        %ne3A_1017 = arith.cmpi ne, %rem3A_1015, %ne3A_1016 : i32
        %lt3A_1018 = arith.constant 0 : i32
        %lt3A_1019 = arith.cmpi slt, %rem3A_1015, %lt3A_1018 : i32
        %lt3A_1020 = arith.constant 0 : i32
        %lt3A_1021 = arith.cmpi slt, %select_n3A_1014, %lt3A_1020 : i32
        %ne3A_1022 = arith.xori %lt3A_1019, %lt3A_1021 : i1
        %and3A_1023 = arith.andi %ne3A_1022, %ne3A_1017 : i1
        %add3A_1024 = arith.addi %rem3A_1015, %select_n3A_1014 : i32
        %select_n3A_1025 = arith.select %and3A_1023, %add3A_1024, %rem3A_1015 : i32
        %dma_start3A_1026 = arith.constant 0 : i32
        %dma_start3A_1027 = tpu.memref_slice %arg6[%select_n3A_1025, %dma_start3A_1026] : memref<8x64xi32, #tpu.memory_space<vmem>> -> memref<1x64xi32, #tpu.memory_space<vmem>>
        %dma_start3A_1028 = tpu.memref_squeeze %dma_start3A_1027 : memref<1x64xi32, #tpu.memory_space<vmem>> -> memref<64xi32, #tpu.memory_space<vmem>>
        %dma_start3A_1029 = arith.constant 0 : i32
        %dma_start3A_1030 = tpu.memref_slice %arg2[%add3A_1009, %dma_start3A_1029] : memref<5056x64xi32, #tpu.memory_space<hbm>> -> memref<1x64xi32, #tpu.memory_space<hbm>>
        %dma_start3A_1031 = tpu.memref_squeeze %dma_start3A_1030 : memref<1x64xi32, #tpu.memory_space<hbm>> -> memref<64xi32, #tpu.memory_space<hbm>>
        %dma_start3A_1032 = arith.constant 0 : i32
        %dma_start3A_1033 = tpu.memref_slice %arg6[%select_n3A_1025, %dma_start3A_1032] : memref<8x64xi32, #tpu.memory_space<vmem>> -> memref<1x64xi32, #tpu.memory_space<vmem>>
        %dma_start3A_1034 = tpu.memref_squeeze %dma_start3A_1033 : memref<1x64xi32, #tpu.memory_space<vmem>> -> memref<64xi32, #tpu.memory_space<vmem>>
        %dma_start3A_1035 = arith.constant 0 : i32
        %dma_start3A_1036 = tpu.memref_slice %arg2[%add3A_1009, %dma_start3A_1035] : memref<5056x64xi32, #tpu.memory_space<hbm>> -> memref<1x64xi32, #tpu.memory_space<hbm>>
        %dma_start3A_1037 = tpu.memref_squeeze %dma_start3A_1036 : memref<1x64xi32, #tpu.memory_space<hbm>> -> memref<64xi32, #tpu.memory_space<hbm>>
        tpu.enqueue_dma source(%dma_start3A_1037 : memref<64xi32, #tpu.memory_space<hbm>>) target(%dma_start3A_1034 : memref<64xi32, #tpu.memory_space<vmem>>) target_semaphore(%arg17 : memref<!tpu.dma_semaphore, #tpu.memory_space<semaphore_mem>>)
        %add3A_1038 = arith.addi %add3A, %add3A_1008 : i32
        %jit3A_1039 = arith.constant 8 : i32
        %eq3A_1040 = arith.constant 0 : i32
        %eq3A_1041 = arith.cmpi eq, %jit3A_1039, %eq3A_1040 : i32
        %jit3A_1042 = arith.constant 1 : i32
        %select_n3A_1043 = arith.select %eq3A_1041, %jit3A_1042, %jit3A_1039 : i32
        %rem3A_1044 = arith.remsi %add3A_1008, %select_n3A_1043 : i32
        %ne3A_1045 = arith.constant 0 : i32
        %ne3A_1046 = arith.cmpi ne, %rem3A_1044, %ne3A_1045 : i32
        %lt3A_1047 = arith.constant 0 : i32
        %lt3A_1048 = arith.cmpi slt, %rem3A_1044, %lt3A_1047 : i32
        %lt3A_1049 = arith.constant 0 : i32
        %lt3A_1050 = arith.cmpi slt, %select_n3A_1043, %lt3A_1049 : i32
        %ne3A_1051 = arith.xori %lt3A_1048, %lt3A_1050 : i1
        %and3A_1052 = arith.andi %ne3A_1051, %ne3A_1046 : i1
        %add3A_1053 = arith.addi %rem3A_1044, %select_n3A_1043 : i32
        %select_n3A_1054 = arith.select %and3A_1052, %add3A_1053, %rem3A_1044 : i32
        %dma_start3A_1055 = arith.constant 0 : i32
        %dma_start3A_1056 = tpu.memref_slice %arg7[%select_n3A_1054, %dma_start3A_1055] : memref<8x64xi32, #tpu.memory_space<vmem>> -> memref<1x64xi32, #tpu.memory_space<vmem>>
        %dma_start3A_1057 = tpu.memref_squeeze %dma_start3A_1056 : memref<1x64xi32, #tpu.memory_space<vmem>> -> memref<64xi32, #tpu.memory_space<vmem>>
        %dma_start3A_1058 = arith.constant 0 : i32
        %dma_start3A_1059 = tpu.memref_slice %arg3[%add3A_1038, %dma_start3A_1058] : memref<5056x64xi32, #tpu.memory_space<hbm>> -> memref<1x64xi32, #tpu.memory_space<hbm>>
        %dma_start3A_1060 = tpu.memref_squeeze %dma_start3A_1059 : memref<1x64xi32, #tpu.memory_space<hbm>> -> memref<64xi32, #tpu.memory_space<hbm>>
        %dma_start3A_1061 = arith.constant 0 : i32
        %dma_start3A_1062 = tpu.memref_slice %arg7[%select_n3A_1054, %dma_start3A_1061] : memref<8x64xi32, #tpu.memory_space<vmem>> -> memref<1x64xi32, #tpu.memory_space<vmem>>
        %dma_start3A_1063 = tpu.memref_squeeze %dma_start3A_1062 : memref<1x64xi32, #tpu.memory_space<vmem>> -> memref<64xi32, #tpu.memory_space<vmem>>
        %dma_start3A_1064 = arith.constant 0 : i32
        %dma_start3A_1065 = tpu.memref_slice %arg3[%add3A_1038, %dma_start3A_1064] : memref<5056x64xi32, #tpu.memory_space<hbm>> -> memref<1x64xi32, #tpu.memory_space<hbm>>
        %dma_start3A_1066 = tpu.memref_squeeze %dma_start3A_1065 : memref<1x64xi32, #tpu.memory_space<hbm>> -> memref<64xi32, #tpu.memory_space<hbm>>
        tpu.enqueue_dma source(%dma_start3A_1066 : memref<64xi32, #tpu.memory_space<hbm>>) target(%dma_start3A_1063 : memref<64xi32, #tpu.memory_space<vmem>>) target_semaphore(%arg19 : memref<!tpu.dma_semaphore, #tpu.memory_space<semaphore_mem>>)
      } else {
      }
      %add3A_913 = arith.constant 4 : i32
      %add3A_914 = arith.addi %add3A_891, %add3A_913 : i32
      %lt3A_915 = arith.cmpi slt, %add3A_914, %select_n3A_2 : i32
      %convert_element_type3A_916 = arith.extui %lt3A_915 : i1 to i32
      %cond3A_917 = arith.constant 0 : i32
      %cond3A_918 = arith.cmpi ne, %convert_element_type3A_916, %cond3A_917 : i32
      scf.if %cond3A_918 {
        %dma_wait3A_1007 = arith.constant 0 : i32
        %dma_wait3A_1008 = arith.constant 0 : i32
        %dma_wait3A_1009 = arith.constant 0 : i32
        %dma_wait3A_1010 = tpu.memref_slice %arg6[%dma_wait3A_1008, %dma_wait3A_1009] : memref<8x64xi32, #tpu.memory_space<vmem>> -> memref<1x64xi32, #tpu.memory_space<vmem>>
        %dma_wait3A_1011 = tpu.memref_squeeze %dma_wait3A_1010 : memref<1x64xi32, #tpu.memory_space<vmem>> -> memref<64xi32, #tpu.memory_space<vmem>>
        %dma_wait3A_1012 = arith.constant 0 : i32
        %dma_wait3A_1013 = tpu.memref_slice %arg2[%dma_wait3A_1007, %dma_wait3A_1012] : memref<5056x64xi32, #tpu.memory_space<hbm>> -> memref<1x64xi32, #tpu.memory_space<hbm>>
        %dma_wait3A_1014 = tpu.memref_squeeze %dma_wait3A_1013 : memref<1x64xi32, #tpu.memory_space<hbm>> -> memref<64xi32, #tpu.memory_space<hbm>>
        %dma_wait3A_1015 = arith.constant 0 : i32
        %dma_wait3A_1016 = tpu.memref_slice %arg6[%dma_wait3A_1008, %dma_wait3A_1015] : memref<8x64xi32, #tpu.memory_space<vmem>> -> memref<1x64xi32, #tpu.memory_space<vmem>>
        %dma_wait3A_1017 = tpu.memref_squeeze %dma_wait3A_1016 : memref<1x64xi32, #tpu.memory_space<vmem>> -> memref<64xi32, #tpu.memory_space<vmem>>
        %dma_wait3A_1018 = arith.constant 0 : i32
        %dma_wait3A_1019 = tpu.memref_slice %arg2[%dma_wait3A_1007, %dma_wait3A_1018] : memref<5056x64xi32, #tpu.memory_space<hbm>> -> memref<1x64xi32, #tpu.memory_space<hbm>>
        %dma_wait3A_1020 = tpu.memref_squeeze %dma_wait3A_1019 : memref<1x64xi32, #tpu.memory_space<hbm>> -> memref<64xi32, #tpu.memory_space<hbm>>
        tpu.wait_dma2 semaphore(%arg17 : memref<!tpu.dma_semaphore, #tpu.memory_space<semaphore_mem>>) src(%dma_wait3A_1020 : memref<64xi32, #tpu.memory_space<hbm>>) dst(%dma_wait3A_1017 : memref<64xi32, #tpu.memory_space<vmem>>)
        %dma_wait3A_1021 = arith.constant 0 : i32
        %dma_wait3A_1022 = arith.constant 0 : i32
        %dma_wait3A_1023 = arith.constant 0 : i32
        %dma_wait3A_1024 = tpu.memref_slice %arg7[%dma_wait3A_1022, %dma_wait3A_1023] : memref<8x64xi32, #tpu.memory_space<vmem>> -> memref<1x64xi32, #tpu.memory_space<vmem>>
        %dma_wait3A_1025 = tpu.memref_squeeze %dma_wait3A_1024 : memref<1x64xi32, #tpu.memory_space<vmem>> -> memref<64xi32, #tpu.memory_space<vmem>>
        %dma_wait3A_1026 = arith.constant 0 : i32
        %dma_wait3A_1027 = tpu.memref_slice %arg3[%dma_wait3A_1021, %dma_wait3A_1026] : memref<5056x64xi32, #tpu.memory_space<hbm>> -> memref<1x64xi32, #tpu.memory_space<hbm>>
        %dma_wait3A_1028 = tpu.memref_squeeze %dma_wait3A_1027 : memref<1x64xi32, #tpu.memory_space<hbm>> -> memref<64xi32, #tpu.memory_space<hbm>>
        %dma_wait3A_1029 = arith.constant 0 : i32
        %dma_wait3A_1030 = tpu.memref_slice %arg7[%dma_wait3A_1022, %dma_wait3A_1029] : memref<8x64xi32, #tpu.memory_space<vmem>> -> memref<1x64xi32, #tpu.memory_space<vmem>>
        %dma_wait3A_1031 = tpu.memref_squeeze %dma_wait3A_1030 : memref<1x64xi32, #tpu.memory_space<vmem>> -> memref<64xi32, #tpu.memory_space<vmem>>
        %dma_wait3A_1032 = arith.constant 0 : i32
        %dma_wait3A_1033 = tpu.memref_slice %arg3[%dma_wait3A_1021, %dma_wait3A_1032] : memref<5056x64xi32, #tpu.memory_space<hbm>> -> memref<1x64xi32, #tpu.memory_space<hbm>>
        %dma_wait3A_1034 = tpu.memref_squeeze %dma_wait3A_1033 : memref<1x64xi32, #tpu.memory_space<hbm>> -> memref<64xi32, #tpu.memory_space<hbm>>
        tpu.wait_dma2 semaphore(%arg19 : memref<!tpu.dma_semaphore, #tpu.memory_space<semaphore_mem>>) src(%dma_wait3A_1034 : memref<64xi32, #tpu.memory_space<hbm>>) dst(%dma_wait3A_1031 : memref<64xi32, #tpu.memory_space<vmem>>)
        %add3A_1035 = arith.constant 4 : i32
        %add3A_1036 = arith.addi %add3A_891, %add3A_1035 : i32
        %jit3A_1037 = arith.constant 8 : i32
        %eq3A_1038 = arith.constant 0 : i32
        %eq3A_1039 = arith.cmpi eq, %jit3A_1037, %eq3A_1038 : i32
        %jit3A_1040 = arith.constant 1 : i32
        %select_n3A_1041 = arith.select %eq3A_1039, %jit3A_1040, %jit3A_1037 : i32
        %rem3A_1042 = arith.remsi %add3A_1036, %select_n3A_1041 : i32
        %ne3A_1043 = arith.constant 0 : i32
        %ne3A_1044 = arith.cmpi ne, %rem3A_1042, %ne3A_1043 : i32
        %lt3A_1045 = arith.constant 0 : i32
        %lt3A_1046 = arith.cmpi slt, %rem3A_1042, %lt3A_1045 : i32
        %lt3A_1047 = arith.constant 0 : i32
        %lt3A_1048 = arith.cmpi slt, %select_n3A_1041, %lt3A_1047 : i32
        %ne3A_1049 = arith.xori %lt3A_1046, %lt3A_1048 : i1
        %and3A_1050 = arith.andi %ne3A_1049, %ne3A_1044 : i1
        %add3A_1051 = arith.addi %rem3A_1042, %select_n3A_1041 : i32
        %select_n3A_1052 = arith.select %and3A_1050, %add3A_1051, %rem3A_1042 : i32
        %dma_start3A_1053 = arith.constant 0 : i32
        %dma_start3A_1054 = arith.constant 0 : i32
        %dma_start3A_1055 = arith.constant 0 : i32
        %dma_start3A_1056 = tpu.memref_slice %arg8[%dma_start3A_1053, %dma_start3A_1054, %dma_start3A_1055] : memref<4x64x128xf32, #tpu.memory_space<vmem>> -> memref<1x64x128xf32, #tpu.memory_space<vmem>>
        %dma_start3A_1057 = tpu.memref_squeeze %dma_start3A_1056 : memref<1x64x128xf32, #tpu.memory_space<vmem>> -> memref<64x128xf32, #tpu.memory_space<vmem>>
        %dma_start3A_1058 = arith.constant 0 : i32
        %dma_start3A_1059 = tpu.memref_slice %arg6[%select_n3A_1052, %dma_start3A_1058] : memref<8x64xi32, #tpu.memory_space<vmem>> -> memref<1x64xi32, #tpu.memory_space<vmem>>
        %dma_start3A_1060 = tpu.memref_squeeze %dma_start3A_1059 : memref<1x64xi32, #tpu.memory_space<vmem>> -> memref<64xi32, #tpu.memory_space<vmem>>
        %dma_start3A_1061 = arith.constant 0 : i32
        %dma_start3A_1062 = arith.constant 0 : i32
        %dma_start3A_1063 = tpu.memref_slice %arg4[%dma_start3A_1061, %dma_start3A_1062] : memref<10000x128xf32, #tpu.memory_space<hbm>> -> memref<10000x128xf32, #tpu.memory_space<hbm>>
        tpu.enqueue_indirect_dma source(%dma_start3A_1063 : memref<10000x128xf32, #tpu.memory_space<hbm>>) target(%dma_start3A_1057 : memref<64x128xf32, #tpu.memory_space<vmem>>) offsets(%dma_start3A_1060 : memref<64xi32, #tpu.memory_space<vmem>>) semaphore(%arg9 : memref<!tpu.dma_semaphore, #tpu.memory_space<semaphore_mem>>)
      } else {
      }
      %add3A_919 = arith.constant 1 : i32
      %add3A_920 = arith.addi %mul3A_713, %add3A_919 : i32
      %dma_wait3A_921 = arith.constant 1 : i32
      %dma_wait3A_922 = arith.constant 0 : i32
      %dma_wait3A_923 = arith.constant 0 : i32
      %dma_wait3A_924 = tpu.memref_slice %arg8[%dma_wait3A_921, %dma_wait3A_922, %dma_wait3A_923] : memref<4x64x128xf32, #tpu.memory_space<vmem>> -> memref<1x64x128xf32, #tpu.memory_space<vmem>>
      %dma_wait3A_925 = tpu.memref_squeeze %dma_wait3A_924 : memref<1x64x128xf32, #tpu.memory_space<vmem>> -> memref<64x128xf32, #tpu.memory_space<vmem>>
      %dma_wait3A_926 = arith.constant 0 : i32
      %dma_wait3A_927 = arith.constant 0 : i32
      %dma_wait3A_928 = tpu.memref_slice %arg21[%dma_wait3A_926, %dma_wait3A_927] : memref<10048x128xf32, #tpu.memory_space<vmem_shared>> -> memref<64x128xf32, #tpu.memory_space<vmem_shared>>
      %dma_wait3A_929 = arith.constant 0 : i32
      %dma_wait3A_930 = arith.constant 0 : i32
      %dma_wait3A_931 = tpu.memref_slice %arg21[%dma_wait3A_929, %dma_wait3A_930] : memref<10048x128xf32, #tpu.memory_space<vmem_shared>> -> memref<64x128xf32, #tpu.memory_space<vmem_shared>>
      %dma_wait3A_932 = arith.constant 0 : i32
      %dma_wait3A_933 = arith.constant 0 : i32
      %dma_wait3A_934 = tpu.memref_slice %arg8[%dma_wait3A_921, %dma_wait3A_932, %dma_wait3A_933] : memref<4x64x128xf32, #tpu.memory_space<vmem>> -> memref<1x64x128xf32, #tpu.memory_space<vmem>>
      %dma_wait3A_935 = tpu.memref_squeeze %dma_wait3A_934 : memref<1x64x128xf32, #tpu.memory_space<vmem>> -> memref<64x128xf32, #tpu.memory_space<vmem>>
      tpu.wait_dma2 semaphore(%arg14 : memref<!tpu.dma_semaphore, #tpu.memory_space<semaphore_mem>>) src(%dma_wait3A_935 : memref<64x128xf32, #tpu.memory_space<vmem>>) dst(%dma_wait3A_931 : memref<64x128xf32, #tpu.memory_space<vmem_shared>>)
      %add3A_936 = arith.constant 8 : i32
      %add3A_937 = arith.addi %add3A_920, %add3A_936 : i32
      %lt3A_938 = arith.cmpi slt, %add3A_937, %select_n3A_2 : i32
      %convert_element_type3A_939 = arith.extui %lt3A_938 : i1 to i32
      %cond3A_940 = arith.constant 0 : i32
      %cond3A_941 = arith.cmpi ne, %convert_element_type3A_939, %cond3A_940 : i32
      scf.if %cond3A_941 {
        %add3A_1007 = arith.constant 8 : i32
        %add3A_1008 = arith.addi %add3A_920, %add3A_1007 : i32
        %add3A_1009 = arith.addi %add3A, %add3A_1008 : i32
        %jit3A_1010 = arith.constant 8 : i32
        %eq3A_1011 = arith.constant 0 : i32
        %eq3A_1012 = arith.cmpi eq, %jit3A_1010, %eq3A_1011 : i32
        %jit3A_1013 = arith.constant 1 : i32
        %select_n3A_1014 = arith.select %eq3A_1012, %jit3A_1013, %jit3A_1010 : i32
        %rem3A_1015 = arith.remsi %add3A_1008, %select_n3A_1014 : i32
        %ne3A_1016 = arith.constant 0 : i32
        %ne3A_1017 = arith.cmpi ne, %rem3A_1015, %ne3A_1016 : i32
        %lt3A_1018 = arith.constant 0 : i32
        %lt3A_1019 = arith.cmpi slt, %rem3A_1015, %lt3A_1018 : i32
        %lt3A_1020 = arith.constant 0 : i32
        %lt3A_1021 = arith.cmpi slt, %select_n3A_1014, %lt3A_1020 : i32
        %ne3A_1022 = arith.xori %lt3A_1019, %lt3A_1021 : i1
        %and3A_1023 = arith.andi %ne3A_1022, %ne3A_1017 : i1
        %add3A_1024 = arith.addi %rem3A_1015, %select_n3A_1014 : i32
        %select_n3A_1025 = arith.select %and3A_1023, %add3A_1024, %rem3A_1015 : i32
        %dma_start3A_1026 = arith.constant 0 : i32
        %dma_start3A_1027 = tpu.memref_slice %arg6[%select_n3A_1025, %dma_start3A_1026] : memref<8x64xi32, #tpu.memory_space<vmem>> -> memref<1x64xi32, #tpu.memory_space<vmem>>
        %dma_start3A_1028 = tpu.memref_squeeze %dma_start3A_1027 : memref<1x64xi32, #tpu.memory_space<vmem>> -> memref<64xi32, #tpu.memory_space<vmem>>
        %dma_start3A_1029 = arith.constant 0 : i32
        %dma_start3A_1030 = tpu.memref_slice %arg2[%add3A_1009, %dma_start3A_1029] : memref<5056x64xi32, #tpu.memory_space<hbm>> -> memref<1x64xi32, #tpu.memory_space<hbm>>
        %dma_start3A_1031 = tpu.memref_squeeze %dma_start3A_1030 : memref<1x64xi32, #tpu.memory_space<hbm>> -> memref<64xi32, #tpu.memory_space<hbm>>
        %dma_start3A_1032 = arith.constant 0 : i32
        %dma_start3A_1033 = tpu.memref_slice %arg6[%select_n3A_1025, %dma_start3A_1032] : memref<8x64xi32, #tpu.memory_space<vmem>> -> memref<1x64xi32, #tpu.memory_space<vmem>>
        %dma_start3A_1034 = tpu.memref_squeeze %dma_start3A_1033 : memref<1x64xi32, #tpu.memory_space<vmem>> -> memref<64xi32, #tpu.memory_space<vmem>>
        %dma_start3A_1035 = arith.constant 0 : i32
        %dma_start3A_1036 = tpu.memref_slice %arg2[%add3A_1009, %dma_start3A_1035] : memref<5056x64xi32, #tpu.memory_space<hbm>> -> memref<1x64xi32, #tpu.memory_space<hbm>>
        %dma_start3A_1037 = tpu.memref_squeeze %dma_start3A_1036 : memref<1x64xi32, #tpu.memory_space<hbm>> -> memref<64xi32, #tpu.memory_space<hbm>>
        tpu.enqueue_dma source(%dma_start3A_1037 : memref<64xi32, #tpu.memory_space<hbm>>) target(%dma_start3A_1034 : memref<64xi32, #tpu.memory_space<vmem>>) target_semaphore(%arg18 : memref<!tpu.dma_semaphore, #tpu.memory_space<semaphore_mem>>)
        %add3A_1038 = arith.addi %add3A, %add3A_1008 : i32
        %jit3A_1039 = arith.constant 8 : i32
        %eq3A_1040 = arith.constant 0 : i32
        %eq3A_1041 = arith.cmpi eq, %jit3A_1039, %eq3A_1040 : i32
        %jit3A_1042 = arith.constant 1 : i32
        %select_n3A_1043 = arith.select %eq3A_1041, %jit3A_1042, %jit3A_1039 : i32
        %rem3A_1044 = arith.remsi %add3A_1008, %select_n3A_1043 : i32
        %ne3A_1045 = arith.constant 0 : i32
        %ne3A_1046 = arith.cmpi ne, %rem3A_1044, %ne3A_1045 : i32
        %lt3A_1047 = arith.constant 0 : i32
        %lt3A_1048 = arith.cmpi slt, %rem3A_1044, %lt3A_1047 : i32
        %lt3A_1049 = arith.constant 0 : i32
        %lt3A_1050 = arith.cmpi slt, %select_n3A_1043, %lt3A_1049 : i32
        %ne3A_1051 = arith.xori %lt3A_1048, %lt3A_1050 : i1
        %and3A_1052 = arith.andi %ne3A_1051, %ne3A_1046 : i1
        %add3A_1053 = arith.addi %rem3A_1044, %select_n3A_1043 : i32
        %select_n3A_1054 = arith.select %and3A_1052, %add3A_1053, %rem3A_1044 : i32
        %dma_start3A_1055 = arith.constant 0 : i32
        %dma_start3A_1056 = tpu.memref_slice %arg7[%select_n3A_1054, %dma_start3A_1055] : memref<8x64xi32, #tpu.memory_space<vmem>> -> memref<1x64xi32, #tpu.memory_space<vmem>>
        %dma_start3A_1057 = tpu.memref_squeeze %dma_start3A_1056 : memref<1x64xi32, #tpu.memory_space<vmem>> -> memref<64xi32, #tpu.memory_space<vmem>>
        %dma_start3A_1058 = arith.constant 0 : i32
        %dma_start3A_1059 = tpu.memref_slice %arg3[%add3A_1038, %dma_start3A_1058] : memref<5056x64xi32, #tpu.memory_space<hbm>> -> memref<1x64xi32, #tpu.memory_space<hbm>>
        %dma_start3A_1060 = tpu.memref_squeeze %dma_start3A_1059 : memref<1x64xi32, #tpu.memory_space<hbm>> -> memref<64xi32, #tpu.memory_space<hbm>>
        %dma_start3A_1061 = arith.constant 0 : i32
        %dma_start3A_1062 = tpu.memref_slice %arg7[%select_n3A_1054, %dma_start3A_1061] : memref<8x64xi32, #tpu.memory_space<vmem>> -> memref<1x64xi32, #tpu.memory_space<vmem>>
        %dma_start3A_1063 = tpu.memref_squeeze %dma_start3A_1062 : memref<1x64xi32, #tpu.memory_space<vmem>> -> memref<64xi32, #tpu.memory_space<vmem>>
        %dma_start3A_1064 = arith.constant 0 : i32
        %dma_start3A_1065 = tpu.memref_slice %arg3[%add3A_1038, %dma_start3A_1064] : memref<5056x64xi32, #tpu.memory_space<hbm>> -> memref<1x64xi32, #tpu.memory_space<hbm>>
        %dma_start3A_1066 = tpu.memref_squeeze %dma_start3A_1065 : memref<1x64xi32, #tpu.memory_space<hbm>> -> memref<64xi32, #tpu.memory_space<hbm>>
        tpu.enqueue_dma source(%dma_start3A_1066 : memref<64xi32, #tpu.memory_space<hbm>>) target(%dma_start3A_1063 : memref<64xi32, #tpu.memory_space<vmem>>) target_semaphore(%arg20 : memref<!tpu.dma_semaphore, #tpu.memory_space<semaphore_mem>>)
      } else {
      }
      %add3A_942 = arith.constant 4 : i32
      %add3A_943 = arith.addi %add3A_920, %add3A_942 : i32
      %lt3A_944 = arith.cmpi slt, %add3A_943, %select_n3A_2 : i32
      %convert_element_type3A_945 = arith.extui %lt3A_944 : i1 to i32
      %cond3A_946 = arith.constant 0 : i32
      %cond3A_947 = arith.cmpi ne, %convert_element_type3A_945, %cond3A_946 : i32
      scf.if %cond3A_947 {
        %dma_wait3A_1007 = arith.constant 0 : i32
        %dma_wait3A_1008 = arith.constant 0 : i32
        %dma_wait3A_1009 = arith.constant 0 : i32
        %dma_wait3A_1010 = tpu.memref_slice %arg6[%dma_wait3A_1008, %dma_wait3A_1009] : memref<8x64xi32, #tpu.memory_space<vmem>> -> memref<1x64xi32, #tpu.memory_space<vmem>>
        %dma_wait3A_1011 = tpu.memref_squeeze %dma_wait3A_1010 : memref<1x64xi32, #tpu.memory_space<vmem>> -> memref<64xi32, #tpu.memory_space<vmem>>
        %dma_wait3A_1012 = arith.constant 0 : i32
        %dma_wait3A_1013 = tpu.memref_slice %arg2[%dma_wait3A_1007, %dma_wait3A_1012] : memref<5056x64xi32, #tpu.memory_space<hbm>> -> memref<1x64xi32, #tpu.memory_space<hbm>>
        %dma_wait3A_1014 = tpu.memref_squeeze %dma_wait3A_1013 : memref<1x64xi32, #tpu.memory_space<hbm>> -> memref<64xi32, #tpu.memory_space<hbm>>
        %dma_wait3A_1015 = arith.constant 0 : i32
        %dma_wait3A_1016 = tpu.memref_slice %arg6[%dma_wait3A_1008, %dma_wait3A_1015] : memref<8x64xi32, #tpu.memory_space<vmem>> -> memref<1x64xi32, #tpu.memory_space<vmem>>
        %dma_wait3A_1017 = tpu.memref_squeeze %dma_wait3A_1016 : memref<1x64xi32, #tpu.memory_space<vmem>> -> memref<64xi32, #tpu.memory_space<vmem>>
        %dma_wait3A_1018 = arith.constant 0 : i32
        %dma_wait3A_1019 = tpu.memref_slice %arg2[%dma_wait3A_1007, %dma_wait3A_1018] : memref<5056x64xi32, #tpu.memory_space<hbm>> -> memref<1x64xi32, #tpu.memory_space<hbm>>
        %dma_wait3A_1020 = tpu.memref_squeeze %dma_wait3A_1019 : memref<1x64xi32, #tpu.memory_space<hbm>> -> memref<64xi32, #tpu.memory_space<hbm>>
        tpu.wait_dma2 semaphore(%arg18 : memref<!tpu.dma_semaphore, #tpu.memory_space<semaphore_mem>>) src(%dma_wait3A_1020 : memref<64xi32, #tpu.memory_space<hbm>>) dst(%dma_wait3A_1017 : memref<64xi32, #tpu.memory_space<vmem>>)
        %dma_wait3A_1021 = arith.constant 0 : i32
        %dma_wait3A_1022 = arith.constant 0 : i32
        %dma_wait3A_1023 = arith.constant 0 : i32
        %dma_wait3A_1024 = tpu.memref_slice %arg7[%dma_wait3A_1022, %dma_wait3A_1023] : memref<8x64xi32, #tpu.memory_space<vmem>> -> memref<1x64xi32, #tpu.memory_space<vmem>>
        %dma_wait3A_1025 = tpu.memref_squeeze %dma_wait3A_1024 : memref<1x64xi32, #tpu.memory_space<vmem>> -> memref<64xi32, #tpu.memory_space<vmem>>
        %dma_wait3A_1026 = arith.constant 0 : i32
        %dma_wait3A_1027 = tpu.memref_slice %arg3[%dma_wait3A_1021, %dma_wait3A_1026] : memref<5056x64xi32, #tpu.memory_space<hbm>> -> memref<1x64xi32, #tpu.memory_space<hbm>>
        %dma_wait3A_1028 = tpu.memref_squeeze %dma_wait3A_1027 : memref<1x64xi32, #tpu.memory_space<hbm>> -> memref<64xi32, #tpu.memory_space<hbm>>
        %dma_wait3A_1029 = arith.constant 0 : i32
        %dma_wait3A_1030 = tpu.memref_slice %arg7[%dma_wait3A_1022, %dma_wait3A_1029] : memref<8x64xi32, #tpu.memory_space<vmem>> -> memref<1x64xi32, #tpu.memory_space<vmem>>
        %dma_wait3A_1031 = tpu.memref_squeeze %dma_wait3A_1030 : memref<1x64xi32, #tpu.memory_space<vmem>> -> memref<64xi32, #tpu.memory_space<vmem>>
        %dma_wait3A_1032 = arith.constant 0 : i32
        %dma_wait3A_1033 = tpu.memref_slice %arg3[%dma_wait3A_1021, %dma_wait3A_1032] : memref<5056x64xi32, #tpu.memory_space<hbm>> -> memref<1x64xi32, #tpu.memory_space<hbm>>
        %dma_wait3A_1034 = tpu.memref_squeeze %dma_wait3A_1033 : memref<1x64xi32, #tpu.memory_space<hbm>> -> memref<64xi32, #tpu.memory_space<hbm>>
        tpu.wait_dma2 semaphore(%arg20 : memref<!tpu.dma_semaphore, #tpu.memory_space<semaphore_mem>>) src(%dma_wait3A_1034 : memref<64xi32, #tpu.memory_space<hbm>>) dst(%dma_wait3A_1031 : memref<64xi32, #tpu.memory_space<vmem>>)
        %add3A_1035 = arith.constant 4 : i32
        %add3A_1036 = arith.addi %add3A_920, %add3A_1035 : i32
        %jit3A_1037 = arith.constant 8 : i32
        %eq3A_1038 = arith.constant 0 : i32
        %eq3A_1039 = arith.cmpi eq, %jit3A_1037, %eq3A_1038 : i32
        %jit3A_1040 = arith.constant 1 : i32
        %select_n3A_1041 = arith.select %eq3A_1039, %jit3A_1040, %jit3A_1037 : i32
        %rem3A_1042 = arith.remsi %add3A_1036, %select_n3A_1041 : i32
        %ne3A_1043 = arith.constant 0 : i32
        %ne3A_1044 = arith.cmpi ne, %rem3A_1042, %ne3A_1043 : i32
        %lt3A_1045 = arith.constant 0 : i32
        %lt3A_1046 = arith.cmpi slt, %rem3A_1042, %lt3A_1045 : i32
        %lt3A_1047 = arith.constant 0 : i32
        %lt3A_1048 = arith.cmpi slt, %select_n3A_1041, %lt3A_1047 : i32
        %ne3A_1049 = arith.xori %lt3A_1046, %lt3A_1048 : i1
        %and3A_1050 = arith.andi %ne3A_1049, %ne3A_1044 : i1
        %add3A_1051 = arith.addi %rem3A_1042, %select_n3A_1041 : i32
        %select_n3A_1052 = arith.select %and3A_1050, %add3A_1051, %rem3A_1042 : i32
        %dma_start3A_1053 = arith.constant 1 : i32
        %dma_start3A_1054 = arith.constant 0 : i32
        %dma_start3A_1055 = arith.constant 0 : i32
        %dma_start3A_1056 = tpu.memref_slice %arg8[%dma_start3A_1053, %dma_start3A_1054, %dma_start3A_1055] : memref<4x64x128xf32, #tpu.memory_space<vmem>> -> memref<1x64x128xf32, #tpu.memory_space<vmem>>
        %dma_start3A_1057 = tpu.memref_squeeze %dma_start3A_1056 : memref<1x64x128xf32, #tpu.memory_space<vmem>> -> memref<64x128xf32, #tpu.memory_space<vmem>>
        %dma_start3A_1058 = arith.constant 0 : i32
        %dma_start3A_1059 = tpu.memref_slice %arg6[%select_n3A_1052, %dma_start3A_1058] : memref<8x64xi32, #tpu.memory_space<vmem>> -> memref<1x64xi32, #tpu.memory_space<vmem>>
        %dma_start3A_1060 = tpu.memref_squeeze %dma_start3A_1059 : memref<1x64xi32, #tpu.memory_space<vmem>> -> memref<64xi32, #tpu.memory_space<vmem>>
        %dma_start3A_1061 = arith.constant 0 : i32
        %dma_start3A_1062 = arith.constant 0 : i32
        %dma_start3A_1063 = tpu.memref_slice %arg4[%dma_start3A_1061, %dma_start3A_1062] : memref<10000x128xf32, #tpu.memory_space<hbm>> -> memref<10000x128xf32, #tpu.memory_space<hbm>>
        tpu.enqueue_indirect_dma source(%dma_start3A_1063 : memref<10000x128xf32, #tpu.memory_space<hbm>>) target(%dma_start3A_1057 : memref<64x128xf32, #tpu.memory_space<vmem>>) offsets(%dma_start3A_1060 : memref<64xi32, #tpu.memory_space<vmem>>) semaphore(%arg10 : memref<!tpu.dma_semaphore, #tpu.memory_space<semaphore_mem>>)
      } else {
      }
      %add3A_948 = arith.constant 2 : i32
      %add3A_949 = arith.addi %mul3A_713, %add3A_948 : i32
      %dma_wait3A_950 = arith.constant 2 : i32
      %dma_wait3A_951 = arith.constant 0 : i32
      %dma_wait3A_952 = arith.constant 0 : i32
      %dma_wait3A_953 = tpu.memref_slice %arg8[%dma_wait3A_950, %dma_wait3A_951, %dma_wait3A_952] : memref<4x64x128xf32, #tpu.memory_space<vmem>> -> memref<1x64x128xf32, #tpu.memory_space<vmem>>
      %dma_wait3A_954 = tpu.memref_squeeze %dma_wait3A_953 : memref<1x64x128xf32, #tpu.memory_space<vmem>> -> memref<64x128xf32, #tpu.memory_space<vmem>>
      %dma_wait3A_955 = arith.constant 0 : i32
      %dma_wait3A_956 = arith.constant 0 : i32
      %dma_wait3A_957 = tpu.memref_slice %arg21[%dma_wait3A_955, %dma_wait3A_956] : memref<10048x128xf32, #tpu.memory_space<vmem_shared>> -> memref<64x128xf32, #tpu.memory_space<vmem_shared>>
      %dma_wait3A_958 = arith.constant 0 : i32
      %dma_wait3A_959 = arith.constant 0 : i32
      %dma_wait3A_960 = tpu.memref_slice %arg21[%dma_wait3A_958, %dma_wait3A_959] : memref<10048x128xf32, #tpu.memory_space<vmem_shared>> -> memref<64x128xf32, #tpu.memory_space<vmem_shared>>
      %dma_wait3A_961 = arith.constant 0 : i32
      %dma_wait3A_962 = arith.constant 0 : i32
      %dma_wait3A_963 = tpu.memref_slice %arg8[%dma_wait3A_950, %dma_wait3A_961, %dma_wait3A_962] : memref<4x64x128xf32, #tpu.memory_space<vmem>> -> memref<1x64x128xf32, #tpu.memory_space<vmem>>
      %dma_wait3A_964 = tpu.memref_squeeze %dma_wait3A_963 : memref<1x64x128xf32, #tpu.memory_space<vmem>> -> memref<64x128xf32, #tpu.memory_space<vmem>>
      tpu.wait_dma2 semaphore(%arg15 : memref<!tpu.dma_semaphore, #tpu.memory_space<semaphore_mem>>) src(%dma_wait3A_964 : memref<64x128xf32, #tpu.memory_space<vmem>>) dst(%dma_wait3A_960 : memref<64x128xf32, #tpu.memory_space<vmem_shared>>)
      %add3A_965 = arith.constant 8 : i32
      %add3A_966 = arith.addi %add3A_949, %add3A_965 : i32
      %lt3A_967 = arith.cmpi slt, %add3A_966, %select_n3A_2 : i32
      %convert_element_type3A_968 = arith.extui %lt3A_967 : i1 to i32
      %cond3A_969 = arith.constant 0 : i32
      %cond3A_970 = arith.cmpi ne, %convert_element_type3A_968, %cond3A_969 : i32
      scf.if %cond3A_970 {
        %add3A_1007 = arith.constant 8 : i32
        %add3A_1008 = arith.addi %add3A_949, %add3A_1007 : i32
        %add3A_1009 = arith.addi %add3A, %add3A_1008 : i32
        %jit3A_1010 = arith.constant 8 : i32
        %eq3A_1011 = arith.constant 0 : i32
        %eq3A_1012 = arith.cmpi eq, %jit3A_1010, %eq3A_1011 : i32
        %jit3A_1013 = arith.constant 1 : i32
        %select_n3A_1014 = arith.select %eq3A_1012, %jit3A_1013, %jit3A_1010 : i32
        %rem3A_1015 = arith.remsi %add3A_1008, %select_n3A_1014 : i32
        %ne3A_1016 = arith.constant 0 : i32
        %ne3A_1017 = arith.cmpi ne, %rem3A_1015, %ne3A_1016 : i32
        %lt3A_1018 = arith.constant 0 : i32
        %lt3A_1019 = arith.cmpi slt, %rem3A_1015, %lt3A_1018 : i32
        %lt3A_1020 = arith.constant 0 : i32
        %lt3A_1021 = arith.cmpi slt, %select_n3A_1014, %lt3A_1020 : i32
        %ne3A_1022 = arith.xori %lt3A_1019, %lt3A_1021 : i1
        %and3A_1023 = arith.andi %ne3A_1022, %ne3A_1017 : i1
        %add3A_1024 = arith.addi %rem3A_1015, %select_n3A_1014 : i32
        %select_n3A_1025 = arith.select %and3A_1023, %add3A_1024, %rem3A_1015 : i32
        %dma_start3A_1026 = arith.constant 0 : i32
        %dma_start3A_1027 = tpu.memref_slice %arg6[%select_n3A_1025, %dma_start3A_1026] : memref<8x64xi32, #tpu.memory_space<vmem>> -> memref<1x64xi32, #tpu.memory_space<vmem>>
        %dma_start3A_1028 = tpu.memref_squeeze %dma_start3A_1027 : memref<1x64xi32, #tpu.memory_space<vmem>> -> memref<64xi32, #tpu.memory_space<vmem>>
        %dma_start3A_1029 = arith.constant 0 : i32
        %dma_start3A_1030 = tpu.memref_slice %arg2[%add3A_1009, %dma_start3A_1029] : memref<5056x64xi32, #tpu.memory_space<hbm>> -> memref<1x64xi32, #tpu.memory_space<hbm>>
        %dma_start3A_1031 = tpu.memref_squeeze %dma_start3A_1030 : memref<1x64xi32, #tpu.memory_space<hbm>> -> memref<64xi32, #tpu.memory_space<hbm>>
        %dma_start3A_1032 = arith.constant 0 : i32
        %dma_start3A_1033 = tpu.memref_slice %arg6[%select_n3A_1025, %dma_start3A_1032] : memref<8x64xi32, #tpu.memory_space<vmem>> -> memref<1x64xi32, #tpu.memory_space<vmem>>
        %dma_start3A_1034 = tpu.memref_squeeze %dma_start3A_1033 : memref<1x64xi32, #tpu.memory_space<vmem>> -> memref<64xi32, #tpu.memory_space<vmem>>
        %dma_start3A_1035 = arith.constant 0 : i32
        %dma_start3A_1036 = tpu.memref_slice %arg2[%add3A_1009, %dma_start3A_1035] : memref<5056x64xi32, #tpu.memory_space<hbm>> -> memref<1x64xi32, #tpu.memory_space<hbm>>
        %dma_start3A_1037 = tpu.memref_squeeze %dma_start3A_1036 : memref<1x64xi32, #tpu.memory_space<hbm>> -> memref<64xi32, #tpu.memory_space<hbm>>
        tpu.enqueue_dma source(%dma_start3A_1037 : memref<64xi32, #tpu.memory_space<hbm>>) target(%dma_start3A_1034 : memref<64xi32, #tpu.memory_space<vmem>>) target_semaphore(%arg17 : memref<!tpu.dma_semaphore, #tpu.memory_space<semaphore_mem>>)
        %add3A_1038 = arith.addi %add3A, %add3A_1008 : i32
        %jit3A_1039 = arith.constant 8 : i32
        %eq3A_1040 = arith.constant 0 : i32
        %eq3A_1041 = arith.cmpi eq, %jit3A_1039, %eq3A_1040 : i32
        %jit3A_1042 = arith.constant 1 : i32
        %select_n3A_1043 = arith.select %eq3A_1041, %jit3A_1042, %jit3A_1039 : i32
        %rem3A_1044 = arith.remsi %add3A_1008, %select_n3A_1043 : i32
        %ne3A_1045 = arith.constant 0 : i32
        %ne3A_1046 = arith.cmpi ne, %rem3A_1044, %ne3A_1045 : i32
        %lt3A_1047 = arith.constant 0 : i32
        %lt3A_1048 = arith.cmpi slt, %rem3A_1044, %lt3A_1047 : i32
        %lt3A_1049 = arith.constant 0 : i32
        %lt3A_1050 = arith.cmpi slt, %select_n3A_1043, %lt3A_1049 : i32
        %ne3A_1051 = arith.xori %lt3A_1048, %lt3A_1050 : i1
        %and3A_1052 = arith.andi %ne3A_1051, %ne3A_1046 : i1
        %add3A_1053 = arith.addi %rem3A_1044, %select_n3A_1043 : i32
        %select_n3A_1054 = arith.select %and3A_1052, %add3A_1053, %rem3A_1044 : i32
        %dma_start3A_1055 = arith.constant 0 : i32
        %dma_start3A_1056 = tpu.memref_slice %arg7[%select_n3A_1054, %dma_start3A_1055] : memref<8x64xi32, #tpu.memory_space<vmem>> -> memref<1x64xi32, #tpu.memory_space<vmem>>
        %dma_start3A_1057 = tpu.memref_squeeze %dma_start3A_1056 : memref<1x64xi32, #tpu.memory_space<vmem>> -> memref<64xi32, #tpu.memory_space<vmem>>
        %dma_start3A_1058 = arith.constant 0 : i32
        %dma_start3A_1059 = tpu.memref_slice %arg3[%add3A_1038, %dma_start3A_1058] : memref<5056x64xi32, #tpu.memory_space<hbm>> -> memref<1x64xi32, #tpu.memory_space<hbm>>
        %dma_start3A_1060 = tpu.memref_squeeze %dma_start3A_1059 : memref<1x64xi32, #tpu.memory_space<hbm>> -> memref<64xi32, #tpu.memory_space<hbm>>
        %dma_start3A_1061 = arith.constant 0 : i32
        %dma_start3A_1062 = tpu.memref_slice %arg7[%select_n3A_1054, %dma_start3A_1061] : memref<8x64xi32, #tpu.memory_space<vmem>> -> memref<1x64xi32, #tpu.memory_space<vmem>>
        %dma_start3A_1063 = tpu.memref_squeeze %dma_start3A_1062 : memref<1x64xi32, #tpu.memory_space<vmem>> -> memref<64xi32, #tpu.memory_space<vmem>>
        %dma_start3A_1064 = arith.constant 0 : i32
        %dma_start3A_1065 = tpu.memref_slice %arg3[%add3A_1038, %dma_start3A_1064] : memref<5056x64xi32, #tpu.memory_space<hbm>> -> memref<1x64xi32, #tpu.memory_space<hbm>>
        %dma_start3A_1066 = tpu.memref_squeeze %dma_start3A_1065 : memref<1x64xi32, #tpu.memory_space<hbm>> -> memref<64xi32, #tpu.memory_space<hbm>>
        tpu.enqueue_dma source(%dma_start3A_1066 : memref<64xi32, #tpu.memory_space<hbm>>) target(%dma_start3A_1063 : memref<64xi32, #tpu.memory_space<vmem>>) target_semaphore(%arg19 : memref<!tpu.dma_semaphore, #tpu.memory_space<semaphore_mem>>)
      } else {
      }
      %add3A_971 = arith.constant 4 : i32
      %add3A_972 = arith.addi %add3A_949, %add3A_971 : i32
      %lt3A_973 = arith.cmpi slt, %add3A_972, %select_n3A_2 : i32
      %convert_element_type3A_974 = arith.extui %lt3A_973 : i1 to i32
      %cond3A_975 = arith.constant 0 : i32
      %cond3A_976 = arith.cmpi ne, %convert_element_type3A_974, %cond3A_975 : i32
      scf.if %cond3A_976 {
        %dma_wait3A_1007 = arith.constant 0 : i32
        %dma_wait3A_1008 = arith.constant 0 : i32
        %dma_wait3A_1009 = arith.constant 0 : i32
        %dma_wait3A_1010 = tpu.memref_slice %arg6[%dma_wait3A_1008, %dma_wait3A_1009] : memref<8x64xi32, #tpu.memory_space<vmem>> -> memref<1x64xi32, #tpu.memory_space<vmem>>
        %dma_wait3A_1011 = tpu.memref_squeeze %dma_wait3A_1010 : memref<1x64xi32, #tpu.memory_space<vmem>> -> memref<64xi32, #tpu.memory_space<vmem>>
        %dma_wait3A_1012 = arith.constant 0 : i32
        %dma_wait3A_1013 = tpu.memref_slice %arg2[%dma_wait3A_1007, %dma_wait3A_1012] : memref<5056x64xi32, #tpu.memory_space<hbm>> -> memref<1x64xi32, #tpu.memory_space<hbm>>
        %dma_wait3A_1014 = tpu.memref_squeeze %dma_wait3A_1013 : memref<1x64xi32, #tpu.memory_space<hbm>> -> memref<64xi32, #tpu.memory_space<hbm>>
        %dma_wait3A_1015 = arith.constant 0 : i32
        %dma_wait3A_1016 = tpu.memref_slice %arg6[%dma_wait3A_1008, %dma_wait3A_1015] : memref<8x64xi32, #tpu.memory_space<vmem>> -> memref<1x64xi32, #tpu.memory_space<vmem>>
        %dma_wait3A_1017 = tpu.memref_squeeze %dma_wait3A_1016 : memref<1x64xi32, #tpu.memory_space<vmem>> -> memref<64xi32, #tpu.memory_space<vmem>>
        %dma_wait3A_1018 = arith.constant 0 : i32
        %dma_wait3A_1019 = tpu.memref_slice %arg2[%dma_wait3A_1007, %dma_wait3A_1018] : memref<5056x64xi32, #tpu.memory_space<hbm>> -> memref<1x64xi32, #tpu.memory_space<hbm>>
        %dma_wait3A_1020 = tpu.memref_squeeze %dma_wait3A_1019 : memref<1x64xi32, #tpu.memory_space<hbm>> -> memref<64xi32, #tpu.memory_space<hbm>>
        tpu.wait_dma2 semaphore(%arg17 : memref<!tpu.dma_semaphore, #tpu.memory_space<semaphore_mem>>) src(%dma_wait3A_1020 : memref<64xi32, #tpu.memory_space<hbm>>) dst(%dma_wait3A_1017 : memref<64xi32, #tpu.memory_space<vmem>>)
        %dma_wait3A_1021 = arith.constant 0 : i32
        %dma_wait3A_1022 = arith.constant 0 : i32
        %dma_wait3A_1023 = arith.constant 0 : i32
        %dma_wait3A_1024 = tpu.memref_slice %arg7[%dma_wait3A_1022, %dma_wait3A_1023] : memref<8x64xi32, #tpu.memory_space<vmem>> -> memref<1x64xi32, #tpu.memory_space<vmem>>
        %dma_wait3A_1025 = tpu.memref_squeeze %dma_wait3A_1024 : memref<1x64xi32, #tpu.memory_space<vmem>> -> memref<64xi32, #tpu.memory_space<vmem>>
        %dma_wait3A_1026 = arith.constant 0 : i32
        %dma_wait3A_1027 = tpu.memref_slice %arg3[%dma_wait3A_1021, %dma_wait3A_1026] : memref<5056x64xi32, #tpu.memory_space<hbm>> -> memref<1x64xi32, #tpu.memory_space<hbm>>
        %dma_wait3A_1028 = tpu.memref_squeeze %dma_wait3A_1027 : memref<1x64xi32, #tpu.memory_space<hbm>> -> memref<64xi32, #tpu.memory_space<hbm>>
        %dma_wait3A_1029 = arith.constant 0 : i32
        %dma_wait3A_1030 = tpu.memref_slice %arg7[%dma_wait3A_1022, %dma_wait3A_1029] : memref<8x64xi32, #tpu.memory_space<vmem>> -> memref<1x64xi32, #tpu.memory_space<vmem>>
        %dma_wait3A_1031 = tpu.memref_squeeze %dma_wait3A_1030 : memref<1x64xi32, #tpu.memory_space<vmem>> -> memref<64xi32, #tpu.memory_space<vmem>>
        %dma_wait3A_1032 = arith.constant 0 : i32
        %dma_wait3A_1033 = tpu.memref_slice %arg3[%dma_wait3A_1021, %dma_wait3A_1032] : memref<5056x64xi32, #tpu.memory_space<hbm>> -> memref<1x64xi32, #tpu.memory_space<hbm>>
        %dma_wait3A_1034 = tpu.memref_squeeze %dma_wait3A_1033 : memref<1x64xi32, #tpu.memory_space<hbm>> -> memref<64xi32, #tpu.memory_space<hbm>>
        tpu.wait_dma2 semaphore(%arg19 : memref<!tpu.dma_semaphore, #tpu.memory_space<semaphore_mem>>) src(%dma_wait3A_1034 : memref<64xi32, #tpu.memory_space<hbm>>) dst(%dma_wait3A_1031 : memref<64xi32, #tpu.memory_space<vmem>>)
        %add3A_1035 = arith.constant 4 : i32
        %add3A_1036 = arith.addi %add3A_949, %add3A_1035 : i32
        %jit3A_1037 = arith.constant 8 : i32
        %eq3A_1038 = arith.constant 0 : i32
        %eq3A_1039 = arith.cmpi eq, %jit3A_1037, %eq3A_1038 : i32
        %jit3A_1040 = arith.constant 1 : i32
        %select_n3A_1041 = arith.select %eq3A_1039, %jit3A_1040, %jit3A_1037 : i32
        %rem3A_1042 = arith.remsi %add3A_1036, %select_n3A_1041 : i32
        %ne3A_1043 = arith.constant 0 : i32
        %ne3A_1044 = arith.cmpi ne, %rem3A_1042, %ne3A_1043 : i32
        %lt3A_1045 = arith.constant 0 : i32
        %lt3A_1046 = arith.cmpi slt, %rem3A_1042, %lt3A_1045 : i32
        %lt3A_1047 = arith.constant 0 : i32
        %lt3A_1048 = arith.cmpi slt, %select_n3A_1041, %lt3A_1047 : i32
        %ne3A_1049 = arith.xori %lt3A_1046, %lt3A_1048 : i1
        %and3A_1050 = arith.andi %ne3A_1049, %ne3A_1044 : i1
        %add3A_1051 = arith.addi %rem3A_1042, %select_n3A_1041 : i32
        %select_n3A_1052 = arith.select %and3A_1050, %add3A_1051, %rem3A_1042 : i32
        %dma_start3A_1053 = arith.constant 2 : i32
        %dma_start3A_1054 = arith.constant 0 : i32
        %dma_start3A_1055 = arith.constant 0 : i32
        %dma_start3A_1056 = tpu.memref_slice %arg8[%dma_start3A_1053, %dma_start3A_1054, %dma_start3A_1055] : memref<4x64x128xf32, #tpu.memory_space<vmem>> -> memref<1x64x128xf32, #tpu.memory_space<vmem>>
        %dma_start3A_1057 = tpu.memref_squeeze %dma_start3A_1056 : memref<1x64x128xf32, #tpu.memory_space<vmem>> -> memref<64x128xf32, #tpu.memory_space<vmem>>
        %dma_start3A_1058 = arith.constant 0 : i32
        %dma_start3A_1059 = tpu.memref_slice %arg6[%select_n3A_1052, %dma_start3A_1058] : memref<8x64xi32, #tpu.memory_space<vmem>> -> memref<1x64xi32, #tpu.memory_space<vmem>>
        %dma_start3A_1060 = tpu.memref_squeeze %dma_start3A_1059 : memref<1x64xi32, #tpu.memory_space<vmem>> -> memref<64xi32, #tpu.memory_space<vmem>>
        %dma_start3A_1061 = arith.constant 0 : i32
        %dma_start3A_1062 = arith.constant 0 : i32
        %dma_start3A_1063 = tpu.memref_slice %arg4[%dma_start3A_1061, %dma_start3A_1062] : memref<10000x128xf32, #tpu.memory_space<hbm>> -> memref<10000x128xf32, #tpu.memory_space<hbm>>
        tpu.enqueue_indirect_dma source(%dma_start3A_1063 : memref<10000x128xf32, #tpu.memory_space<hbm>>) target(%dma_start3A_1057 : memref<64x128xf32, #tpu.memory_space<vmem>>) offsets(%dma_start3A_1060 : memref<64xi32, #tpu.memory_space<vmem>>) semaphore(%arg11 : memref<!tpu.dma_semaphore, #tpu.memory_space<semaphore_mem>>)
      } else {
      }
      %add3A_977 = arith.constant 3 : i32
      %add3A_978 = arith.addi %mul3A_713, %add3A_977 : i32
      %dma_wait3A_979 = arith.constant 3 : i32
      %dma_wait3A_980 = arith.constant 0 : i32
      %dma_wait3A_981 = arith.constant 0 : i32
      %dma_wait3A_982 = tpu.memref_slice %arg8[%dma_wait3A_979, %dma_wait3A_980, %dma_wait3A_981] : memref<4x64x128xf32, #tpu.memory_space<vmem>> -> memref<1x64x128xf32, #tpu.memory_space<vmem>>
      %dma_wait3A_983 = tpu.memref_squeeze %dma_wait3A_982 : memref<1x64x128xf32, #tpu.memory_space<vmem>> -> memref<64x128xf32, #tpu.memory_space<vmem>>
      %dma_wait3A_984 = arith.constant 0 : i32
      %dma_wait3A_985 = arith.constant 0 : i32
      %dma_wait3A_986 = tpu.memref_slice %arg21[%dma_wait3A_984, %dma_wait3A_985] : memref<10048x128xf32, #tpu.memory_space<vmem_shared>> -> memref<64x128xf32, #tpu.memory_space<vmem_shared>>
      %dma_wait3A_987 = arith.constant 0 : i32
      %dma_wait3A_988 = arith.constant 0 : i32
      %dma_wait3A_989 = tpu.memref_slice %arg21[%dma_wait3A_987, %dma_wait3A_988] : memref<10048x128xf32, #tpu.memory_space<vmem_shared>> -> memref<64x128xf32, #tpu.memory_space<vmem_shared>>
      %dma_wait3A_990 = arith.constant 0 : i32
      %dma_wait3A_991 = arith.constant 0 : i32
      %dma_wait3A_992 = tpu.memref_slice %arg8[%dma_wait3A_979, %dma_wait3A_990, %dma_wait3A_991] : memref<4x64x128xf32, #tpu.memory_space<vmem>> -> memref<1x64x128xf32, #tpu.memory_space<vmem>>
      %dma_wait3A_993 = tpu.memref_squeeze %dma_wait3A_992 : memref<1x64x128xf32, #tpu.memory_space<vmem>> -> memref<64x128xf32, #tpu.memory_space<vmem>>
      tpu.wait_dma2 semaphore(%arg16 : memref<!tpu.dma_semaphore, #tpu.memory_space<semaphore_mem>>) src(%dma_wait3A_993 : memref<64x128xf32, #tpu.memory_space<vmem>>) dst(%dma_wait3A_989 : memref<64x128xf32, #tpu.memory_space<vmem_shared>>)
      %add3A_994 = arith.constant 8 : i32
      %add3A_995 = arith.addi %add3A_978, %add3A_994 : i32
      %lt3A_996 = arith.cmpi slt, %add3A_995, %select_n3A_2 : i32
      %convert_element_type3A_997 = arith.extui %lt3A_996 : i1 to i32
      %cond3A_998 = arith.constant 0 : i32
      %cond3A_999 = arith.cmpi ne, %convert_element_type3A_997, %cond3A_998 : i32
      scf.if %cond3A_999 {
        %add3A_1007 = arith.constant 8 : i32
        %add3A_1008 = arith.addi %add3A_978, %add3A_1007 : i32
        %add3A_1009 = arith.addi %add3A, %add3A_1008 : i32
        %jit3A_1010 = arith.constant 8 : i32
        %eq3A_1011 = arith.constant 0 : i32
        %eq3A_1012 = arith.cmpi eq, %jit3A_1010, %eq3A_1011 : i32
        %jit3A_1013 = arith.constant 1 : i32
        %select_n3A_1014 = arith.select %eq3A_1012, %jit3A_1013, %jit3A_1010 : i32
        %rem3A_1015 = arith.remsi %add3A_1008, %select_n3A_1014 : i32
        %ne3A_1016 = arith.constant 0 : i32
        %ne3A_1017 = arith.cmpi ne, %rem3A_1015, %ne3A_1016 : i32
        %lt3A_1018 = arith.constant 0 : i32
        %lt3A_1019 = arith.cmpi slt, %rem3A_1015, %lt3A_1018 : i32
        %lt3A_1020 = arith.constant 0 : i32
        %lt3A_1021 = arith.cmpi slt, %select_n3A_1014, %lt3A_1020 : i32
        %ne3A_1022 = arith.xori %lt3A_1019, %lt3A_1021 : i1
        %and3A_1023 = arith.andi %ne3A_1022, %ne3A_1017 : i1
        %add3A_1024 = arith.addi %rem3A_1015, %select_n3A_1014 : i32
        %select_n3A_1025 = arith.select %and3A_1023, %add3A_1024, %rem3A_1015 : i32
        %dma_start3A_1026 = arith.constant 0 : i32
        %dma_start3A_1027 = tpu.memref_slice %arg6[%select_n3A_1025, %dma_start3A_1026] : memref<8x64xi32, #tpu.memory_space<vmem>> -> memref<1x64xi32, #tpu.memory_space<vmem>>
        %dma_start3A_1028 = tpu.memref_squeeze %dma_start3A_1027 : memref<1x64xi32, #tpu.memory_space<vmem>> -> memref<64xi32, #tpu.memory_space<vmem>>
        %dma_start3A_1029 = arith.constant 0 : i32
        %dma_start3A_1030 = tpu.memref_slice %arg2[%add3A_1009, %dma_start3A_1029] : memref<5056x64xi32, #tpu.memory_space<hbm>> -> memref<1x64xi32, #tpu.memory_space<hbm>>
        %dma_start3A_1031 = tpu.memref_squeeze %dma_start3A_1030 : memref<1x64xi32, #tpu.memory_space<hbm>> -> memref<64xi32, #tpu.memory_space<hbm>>
        %dma_start3A_1032 = arith.constant 0 : i32
        %dma_start3A_1033 = tpu.memref_slice %arg6[%select_n3A_1025, %dma_start3A_1032] : memref<8x64xi32, #tpu.memory_space<vmem>> -> memref<1x64xi32, #tpu.memory_space<vmem>>
        %dma_start3A_1034 = tpu.memref_squeeze %dma_start3A_1033 : memref<1x64xi32, #tpu.memory_space<vmem>> -> memref<64xi32, #tpu.memory_space<vmem>>
        %dma_start3A_1035 = arith.constant 0 : i32
        %dma_start3A_1036 = tpu.memref_slice %arg2[%add3A_1009, %dma_start3A_1035] : memref<5056x64xi32, #tpu.memory_space<hbm>> -> memref<1x64xi32, #tpu.memory_space<hbm>>
        %dma_start3A_1037 = tpu.memref_squeeze %dma_start3A_1036 : memref<1x64xi32, #tpu.memory_space<hbm>> -> memref<64xi32, #tpu.memory_space<hbm>>
        tpu.enqueue_dma source(%dma_start3A_1037 : memref<64xi32, #tpu.memory_space<hbm>>) target(%dma_start3A_1034 : memref<64xi32, #tpu.memory_space<vmem>>) target_semaphore(%arg18 : memref<!tpu.dma_semaphore, #tpu.memory_space<semaphore_mem>>)
        %add3A_1038 = arith.addi %add3A, %add3A_1008 : i32
        %jit3A_1039 = arith.constant 8 : i32
        %eq3A_1040 = arith.constant 0 : i32
        %eq3A_1041 = arith.cmpi eq, %jit3A_1039, %eq3A_1040 : i32
        %jit3A_1042 = arith.constant 1 : i32
        %select_n3A_1043 = arith.select %eq3A_1041, %jit3A_1042, %jit3A_1039 : i32
        %rem3A_1044 = arith.remsi %add3A_1008, %select_n3A_1043 : i32
        %ne3A_1045 = arith.constant 0 : i32
        %ne3A_1046 = arith.cmpi ne, %rem3A_1044, %ne3A_1045 : i32
        %lt3A_1047 = arith.constant 0 : i32
        %lt3A_1048 = arith.cmpi slt, %rem3A_1044, %lt3A_1047 : i32
        %lt3A_1049 = arith.constant 0 : i32
        %lt3A_1050 = arith.cmpi slt, %select_n3A_1043, %lt3A_1049 : i32
        %ne3A_1051 = arith.xori %lt3A_1048, %lt3A_1050 : i1
        %and3A_1052 = arith.andi %ne3A_1051, %ne3A_1046 : i1
        %add3A_1053 = arith.addi %rem3A_1044, %select_n3A_1043 : i32
        %select_n3A_1054 = arith.select %and3A_1052, %add3A_1053, %rem3A_1044 : i32
        %dma_start3A_1055 = arith.constant 0 : i32
        %dma_start3A_1056 = tpu.memref_slice %arg7[%select_n3A_1054, %dma_start3A_1055] : memref<8x64xi32, #tpu.memory_space<vmem>> -> memref<1x64xi32, #tpu.memory_space<vmem>>
        %dma_start3A_1057 = tpu.memref_squeeze %dma_start3A_1056 : memref<1x64xi32, #tpu.memory_space<vmem>> -> memref<64xi32, #tpu.memory_space<vmem>>
        %dma_start3A_1058 = arith.constant 0 : i32
        %dma_start3A_1059 = tpu.memref_slice %arg3[%add3A_1038, %dma_start3A_1058] : memref<5056x64xi32, #tpu.memory_space<hbm>> -> memref<1x64xi32, #tpu.memory_space<hbm>>
        %dma_start3A_1060 = tpu.memref_squeeze %dma_start3A_1059 : memref<1x64xi32, #tpu.memory_space<hbm>> -> memref<64xi32, #tpu.memory_space<hbm>>
        %dma_start3A_1061 = arith.constant 0 : i32
        %dma_start3A_1062 = tpu.memref_slice %arg7[%select_n3A_1054, %dma_start3A_1061] : memref<8x64xi32, #tpu.memory_space<vmem>> -> memref<1x64xi32, #tpu.memory_space<vmem>>
        %dma_start3A_1063 = tpu.memref_squeeze %dma_start3A_1062 : memref<1x64xi32, #tpu.memory_space<vmem>> -> memref<64xi32, #tpu.memory_space<vmem>>
        %dma_start3A_1064 = arith.constant 0 : i32
        %dma_start3A_1065 = tpu.memref_slice %arg3[%add3A_1038, %dma_start3A_1064] : memref<5056x64xi32, #tpu.memory_space<hbm>> -> memref<1x64xi32, #tpu.memory_space<hbm>>
        %dma_start3A_1066 = tpu.memref_squeeze %dma_start3A_1065 : memref<1x64xi32, #tpu.memory_space<hbm>> -> memref<64xi32, #tpu.memory_space<hbm>>
        tpu.enqueue_dma source(%dma_start3A_1066 : memref<64xi32, #tpu.memory_space<hbm>>) target(%dma_start3A_1063 : memref<64xi32, #tpu.memory_space<vmem>>) target_semaphore(%arg20 : memref<!tpu.dma_semaphore, #tpu.memory_space<semaphore_mem>>)
      } else {
      }
      %add3A_1000 = arith.constant 4 : i32
      %add3A_1001 = arith.addi %add3A_978, %add3A_1000 : i32
      %lt3A_1002 = arith.cmpi slt, %add3A_1001, %select_n3A_2 : i32
      %convert_element_type3A_1003 = arith.extui %lt3A_1002 : i1 to i32
      %cond3A_1004 = arith.constant 0 : i32
      %cond3A_1005 = arith.cmpi ne, %convert_element_type3A_1003, %cond3A_1004 : i32
      scf.if %cond3A_1005 {
        %dma_wait3A_1007 = arith.constant 0 : i32
        %dma_wait3A_1008 = arith.constant 0 : i32
        %dma_wait3A_1009 = arith.constant 0 : i32
        %dma_wait3A_1010 = tpu.memref_slice %arg6[%dma_wait3A_1008, %dma_wait3A_1009] : memref<8x64xi32, #tpu.memory_space<vmem>> -> memref<1x64xi32, #tpu.memory_space<vmem>>
        %dma_wait3A_1011 = tpu.memref_squeeze %dma_wait3A_1010 : memref<1x64xi32, #tpu.memory_space<vmem>> -> memref<64xi32, #tpu.memory_space<vmem>>
        %dma_wait3A_1012 = arith.constant 0 : i32
        %dma_wait3A_1013 = tpu.memref_slice %arg2[%dma_wait3A_1007, %dma_wait3A_1012] : memref<5056x64xi32, #tpu.memory_space<hbm>> -> memref<1x64xi32, #tpu.memory_space<hbm>>
        %dma_wait3A_1014 = tpu.memref_squeeze %dma_wait3A_1013 : memref<1x64xi32, #tpu.memory_space<hbm>> -> memref<64xi32, #tpu.memory_space<hbm>>
        %dma_wait3A_1015 = arith.constant 0 : i32
        %dma_wait3A_1016 = tpu.memref_slice %arg6[%dma_wait3A_1008, %dma_wait3A_1015] : memref<8x64xi32, #tpu.memory_space<vmem>> -> memref<1x64xi32, #tpu.memory_space<vmem>>
        %dma_wait3A_1017 = tpu.memref_squeeze %dma_wait3A_1016 : memref<1x64xi32, #tpu.memory_space<vmem>> -> memref<64xi32, #tpu.memory_space<vmem>>
        %dma_wait3A_1018 = arith.constant 0 : i32
        %dma_wait3A_1019 = tpu.memref_slice %arg2[%dma_wait3A_1007, %dma_wait3A_1018] : memref<5056x64xi32, #tpu.memory_space<hbm>> -> memref<1x64xi32, #tpu.memory_space<hbm>>
        %dma_wait3A_1020 = tpu.memref_squeeze %dma_wait3A_1019 : memref<1x64xi32, #tpu.memory_space<hbm>> -> memref<64xi32, #tpu.memory_space<hbm>>
        tpu.wait_dma2 semaphore(%arg18 : memref<!tpu.dma_semaphore, #tpu.memory_space<semaphore_mem>>) src(%dma_wait3A_1020 : memref<64xi32, #tpu.memory_space<hbm>>) dst(%dma_wait3A_1017 : memref<64xi32, #tpu.memory_space<vmem>>)
        %dma_wait3A_1021 = arith.constant 0 : i32
        %dma_wait3A_1022 = arith.constant 0 : i32
        %dma_wait3A_1023 = arith.constant 0 : i32
        %dma_wait3A_1024 = tpu.memref_slice %arg7[%dma_wait3A_1022, %dma_wait3A_1023] : memref<8x64xi32, #tpu.memory_space<vmem>> -> memref<1x64xi32, #tpu.memory_space<vmem>>
        %dma_wait3A_1025 = tpu.memref_squeeze %dma_wait3A_1024 : memref<1x64xi32, #tpu.memory_space<vmem>> -> memref<64xi32, #tpu.memory_space<vmem>>
        %dma_wait3A_1026 = arith.constant 0 : i32
        %dma_wait3A_1027 = tpu.memref_slice %arg3[%dma_wait3A_1021, %dma_wait3A_1026] : memref<5056x64xi32, #tpu.memory_space<hbm>> -> memref<1x64xi32, #tpu.memory_space<hbm>>
        %dma_wait3A_1028 = tpu.memref_squeeze %dma_wait3A_1027 : memref<1x64xi32, #tpu.memory_space<hbm>> -> memref<64xi32, #tpu.memory_space<hbm>>
        %dma_wait3A_1029 = arith.constant 0 : i32
        %dma_wait3A_1030 = tpu.memref_slice %arg7[%dma_wait3A_1022, %dma_wait3A_1029] : memref<8x64xi32, #tpu.memory_space<vmem>> -> memref<1x64xi32, #tpu.memory_space<vmem>>
        %dma_wait3A_1031 = tpu.memref_squeeze %dma_wait3A_1030 : memref<1x64xi32, #tpu.memory_space<vmem>> -> memref<64xi32, #tpu.memory_space<vmem>>
        %dma_wait3A_1032 = arith.constant 0 : i32
        %dma_wait3A_1033 = tpu.memref_slice %arg3[%dma_wait3A_1021, %dma_wait3A_1032] : memref<5056x64xi32, #tpu.memory_space<hbm>> -> memref<1x64xi32, #tpu.memory_space<hbm>>
        %dma_wait3A_1034 = tpu.memref_squeeze %dma_wait3A_1033 : memref<1x64xi32, #tpu.memory_space<hbm>> -> memref<64xi32, #tpu.memory_space<hbm>>
        tpu.wait_dma2 semaphore(%arg20 : memref<!tpu.dma_semaphore, #tpu.memory_space<semaphore_mem>>) src(%dma_wait3A_1034 : memref<64xi32, #tpu.memory_space<hbm>>) dst(%dma_wait3A_1031 : memref<64xi32, #tpu.memory_space<vmem>>)
        %add3A_1035 = arith.constant 4 : i32
        %add3A_1036 = arith.addi %add3A_978, %add3A_1035 : i32
        %jit3A_1037 = arith.constant 8 : i32
        %eq3A_1038 = arith.constant 0 : i32
        %eq3A_1039 = arith.cmpi eq, %jit3A_1037, %eq3A_1038 : i32
        %jit3A_1040 = arith.constant 1 : i32
        %select_n3A_1041 = arith.select %eq3A_1039, %jit3A_1040, %jit3A_1037 : i32
        %rem3A_1042 = arith.remsi %add3A_1036, %select_n3A_1041 : i32
        %ne3A_1043 = arith.constant 0 : i32
        %ne3A_1044 = arith.cmpi ne, %rem3A_1042, %ne3A_1043 : i32
        %lt3A_1045 = arith.constant 0 : i32
        %lt3A_1046 = arith.cmpi slt, %rem3A_1042, %lt3A_1045 : i32
        %lt3A_1047 = arith.constant 0 : i32
        %lt3A_1048 = arith.cmpi slt, %select_n3A_1041, %lt3A_1047 : i32
        %ne3A_1049 = arith.xori %lt3A_1046, %lt3A_1048 : i1
        %and3A_1050 = arith.andi %ne3A_1049, %ne3A_1044 : i1
        %add3A_1051 = arith.addi %rem3A_1042, %select_n3A_1041 : i32
        %select_n3A_1052 = arith.select %and3A_1050, %add3A_1051, %rem3A_1042 : i32
        %dma_start3A_1053 = arith.constant 3 : i32
        %dma_start3A_1054 = arith.constant 0 : i32
        %dma_start3A_1055 = arith.constant 0 : i32
        %dma_start3A_1056 = tpu.memref_slice %arg8[%dma_start3A_1053, %dma_start3A_1054, %dma_start3A_1055] : memref<4x64x128xf32, #tpu.memory_space<vmem>> -> memref<1x64x128xf32, #tpu.memory_space<vmem>>
        %dma_start3A_1057 = tpu.memref_squeeze %dma_start3A_1056 : memref<1x64x128xf32, #tpu.memory_space<vmem>> -> memref<64x128xf32, #tpu.memory_space<vmem>>
        %dma_start3A_1058 = arith.constant 0 : i32
        %dma_start3A_1059 = tpu.memref_slice %arg6[%select_n3A_1052, %dma_start3A_1058] : memref<8x64xi32, #tpu.memory_space<vmem>> -> memref<1x64xi32, #tpu.memory_space<vmem>>
        %dma_start3A_1060 = tpu.memref_squeeze %dma_start3A_1059 : memref<1x64xi32, #tpu.memory_space<vmem>> -> memref<64xi32, #tpu.memory_space<vmem>>
        %dma_start3A_1061 = arith.constant 0 : i32
        %dma_start3A_1062 = arith.constant 0 : i32
        %dma_start3A_1063 = tpu.memref_slice %arg4[%dma_start3A_1061, %dma_start3A_1062] : memref<10000x128xf32, #tpu.memory_space<hbm>> -> memref<10000x128xf32, #tpu.memory_space<hbm>>
        tpu.enqueue_indirect_dma source(%dma_start3A_1063 : memref<10000x128xf32, #tpu.memory_space<hbm>>) target(%dma_start3A_1057 : memref<64x128xf32, #tpu.memory_space<vmem>>) offsets(%dma_start3A_1060 : memref<64xi32, #tpu.memory_space<vmem>>) semaphore(%arg12 : memref<!tpu.dma_semaphore, #tpu.memory_space<semaphore_mem>>)
      } else {
      }
      %while3A_1006 = arith.constant 0 : i32
      scf.yield %while3A_1006 : i32
    }
    %barrier3A_699 = arith.constant 0 : index
    tpu.barrier barrier_id(%barrier3A_699)
    %scan3A_700 = arith.constant 0 : i32
    %scan3A_701 = arith.constant 0 : i32
    %scan3A_702 = arith.constant 10 : i32
    %scan3A_703 = arith.addi %scan3A_701, %scan3A_702 : i32
    %scan3A_704 = arith.constant 1 : i32
    %scan3A_705 = scf.for %scan3A_710 = %scan3A_701 to %scan3A_703 step %scan3A_704 iter_args(%scan3A_711 = %scan3A_700) -> (i32)  : i32 {
      %mul3A_712 = arith.constant 16 : i32
      %mul3A_713 = arith.muli %mul3A_712, %scan3A_710 : i32
      %add3A_714 = arith.addi %arg1, %mul3A_713 : i32
      %lt3A_715 = arith.constant 156 : i32
      %lt3A_716 = arith.cmpi slt, %add3A_714, %lt3A_715 : i32
      %convert_element_type3A_717 = arith.extui %lt3A_716 : i1 to i32
      %cond3A_718 = arith.constant 0 : i32
      %cond3A_719 = arith.cmpi ne, %convert_element_type3A_717, %cond3A_718 : i32
      scf.if %cond3A_719 {
        %mul3A_721 = arith.constant 64 : i32
        %mul3A_722 = arith.muli %add3A_714, %mul3A_721 : i32
        %mul3A_723 = arith.constant 64 : i32
        %mul3A_724 = arith.muli %add3A_714, %mul3A_723 : i32
        "tpu.region"() ({
          %run_scoped3A = tpu.sem_alloc : memref<!tpu.dma_semaphore, #tpu.memory_space<semaphore_mem>>
          %dma_start3A_725 = arith.constant 0 : i32
          %dma_start3A_726 = arith.constant 0 : i32
          %dma_start3A_727 = tpu.memref_slice %arg5[%arg0, %dma_start3A_725, %dma_start3A_726] : memref<2x10000x128xf32, #tpu.memory_space<hbm>> -> memref<1x10000x128xf32, #tpu.memory_space<hbm>>
          %dma_start3A_728 = tpu.memref_squeeze %dma_start3A_727 : memref<1x10000x128xf32, #tpu.memory_space<hbm>> -> memref<10000x128xf32, #tpu.memory_space<hbm>>
          %dma_start3A_729 = arith.constant 0 : i32
          %dma_start3A_730 = tpu.memref_slice %dma_start3A_728[%mul3A_724, %dma_start3A_729] : memref<10000x128xf32, #tpu.memory_space<hbm>> -> memref<64x128xf32, #tpu.memory_space<hbm>>
          %dma_start3A_731 = arith.constant 0 : i32
          %dma_start3A_732 = tpu.memref_slice %arg21[%mul3A_722, %dma_start3A_731] : memref<10048x128xf32, #tpu.memory_space<vmem_shared>> -> memref<64x128xf32, #tpu.memory_space<vmem_shared>>
          tpu.enqueue_dma source(%dma_start3A_732 : memref<64x128xf32, #tpu.memory_space<vmem_shared>>) target(%dma_start3A_730 : memref<64x128xf32, #tpu.memory_space<hbm>>) target_semaphore(%run_scoped3A : memref<!tpu.dma_semaphore, #tpu.memory_space<semaphore_mem>>)
          %dma_wait3A_733 = arith.constant 0 : i32
          %dma_wait3A_734 = arith.constant 0 : i32
          %dma_wait3A_735 = tpu.memref_slice %arg5[%arg0, %dma_wait3A_733, %dma_wait3A_734] : memref<2x10000x128xf32, #tpu.memory_space<hbm>> -> memref<1x10000x128xf32, #tpu.memory_space<hbm>>
          %dma_wait3A_736 = tpu.memref_squeeze %dma_wait3A_735 : memref<1x10000x128xf32, #tpu.memory_space<hbm>> -> memref<10000x128xf32, #tpu.memory_space<hbm>>
          %dma_wait3A_737 = arith.constant 0 : i32
          %dma_wait3A_738 = tpu.memref_slice %dma_wait3A_736[%mul3A_724, %dma_wait3A_737] : memref<10000x128xf32, #tpu.memory_space<hbm>> -> memref<64x128xf32, #tpu.memory_space<hbm>>
          %dma_wait3A_739 = arith.constant 0 : i32
          %dma_wait3A_740 = tpu.memref_slice %arg21[%mul3A_722, %dma_wait3A_739] : memref<10048x128xf32, #tpu.memory_space<vmem_shared>> -> memref<64x128xf32, #tpu.memory_space<vmem_shared>>
          tpu.wait_dma2 semaphore(%run_scoped3A : memref<!tpu.dma_semaphore, #tpu.memory_space<semaphore_mem>>) src(%dma_wait3A_740 : memref<64x128xf32, #tpu.memory_space<vmem_shared>>) dst(%dma_wait3A_738 : memref<64x128xf32, #tpu.memory_space<hbm>>)
          tpu.yield
        }) : () -> ()
      } else {
      }
      %scan3A_720 = arith.constant 0 : i32
      scf.yield %scan3A_720 : i32
    }
    %scan3A_706 = arith.constant 10 : i32
    %eq3A_707 = arith.constant 0 : i32
    %eq3A_708 = arith.cmpi eq, %arg1, %eq3A_707 : i32
    %convert_element_type3A = arith.extui %eq3A_708 : i1 to i32
    %cond3A = arith.constant 0 : i32
    %cond3A_709 = arith.cmpi ne, %convert_element_type3A, %cond3A : i32
    scf.if %cond3A_709 {
      "tpu.region"() ({
        %run_scoped3A = tpu.sem_alloc : memref<!tpu.dma_semaphore, #tpu.memory_space<semaphore_mem>>
        %dma_start3A_710 = arith.constant 0 : i32
        %dma_start3A_711 = arith.constant 0 : i32
        %dma_start3A_712 = tpu.memref_slice %arg5[%arg0, %dma_start3A_710, %dma_start3A_711] : memref<2x10000x128xf32, #tpu.memory_space<hbm>> -> memref<1x10000x128xf32, #tpu.memory_space<hbm>>
        %dma_start3A_713 = tpu.memref_squeeze %dma_start3A_712 : memref<1x10000x128xf32, #tpu.memory_space<hbm>> -> memref<10000x128xf32, #tpu.memory_space<hbm>>
        %dma_start3A_714 = arith.constant 9984 : i32
        %dma_start3A_715 = arith.constant 0 : i32
        %dma_start3A_716 = tpu.memref_slice %dma_start3A_713[%dma_start3A_714, %dma_start3A_715] : memref<10000x128xf32, #tpu.memory_space<hbm>> -> memref<16x128xf32, #tpu.memory_space<hbm>>
        %dma_start3A_717 = arith.constant 9984 : i32
        %dma_start3A_718 = arith.constant 0 : i32
        %dma_start3A_719 = tpu.memref_slice %arg21[%dma_start3A_717, %dma_start3A_718] : memref<10048x128xf32, #tpu.memory_space<vmem_shared>> -> memref<16x128xf32, #tpu.memory_space<vmem_shared>>
        tpu.enqueue_dma source(%dma_start3A_719 : memref<16x128xf32, #tpu.memory_space<vmem_shared>>) target(%dma_start3A_716 : memref<16x128xf32, #tpu.memory_space<hbm>>) target_semaphore(%run_scoped3A : memref<!tpu.dma_semaphore, #tpu.memory_space<semaphore_mem>>)
        %dma_wait3A_720 = arith.constant 0 : i32
        %dma_wait3A_721 = arith.constant 0 : i32
        %dma_wait3A_722 = tpu.memref_slice %arg5[%arg0, %dma_wait3A_720, %dma_wait3A_721] : memref<2x10000x128xf32, #tpu.memory_space<hbm>> -> memref<1x10000x128xf32, #tpu.memory_space<hbm>>
        %dma_wait3A_723 = tpu.memref_squeeze %dma_wait3A_722 : memref<1x10000x128xf32, #tpu.memory_space<hbm>> -> memref<10000x128xf32, #tpu.memory_space<hbm>>
        %dma_wait3A_724 = arith.constant 9984 : i32
        %dma_wait3A_725 = arith.constant 0 : i32
        %dma_wait3A_726 = tpu.memref_slice %dma_wait3A_723[%dma_wait3A_724, %dma_wait3A_725] : memref<10000x128xf32, #tpu.memory_space<hbm>> -> memref<16x128xf32, #tpu.memory_space<hbm>>
        %dma_wait3A_727 = arith.constant 9984 : i32
        %dma_wait3A_728 = arith.constant 0 : i32
        %dma_wait3A_729 = tpu.memref_slice %arg21[%dma_wait3A_727, %dma_wait3A_728] : memref<10048x128xf32, #tpu.memory_space<vmem_shared>> -> memref<16x128xf32, #tpu.memory_space<vmem_shared>>
        tpu.wait_dma2 semaphore(%run_scoped3A : memref<!tpu.dma_semaphore, #tpu.memory_space<semaphore_mem>>) src(%dma_wait3A_729 : memref<16x128xf32, #tpu.memory_space<vmem_shared>>) dst(%dma_wait3A_726 : memref<16x128xf32, #tpu.memory_space<hbm>>)
        tpu.yield
      }) : () -> ()
    } else {
    }
    return
  }
}

module attributes {stable_mosaic.version = 14 : i64} {
  func.func @_mlp_body(%arg0: memref<10000x128xf32, #tpu.memory_space<vmem>>, %arg1: memref<2x10000x128xf32, #tpu.memory_space<vmem>>, %arg2: memref<1x1xf32, #tpu.memory_space<vmem>>, %arg3: memref<128x128xf32, #tpu.memory_space<vmem>>, %arg4: memref<1x128xf32, #tpu.memory_space<vmem>>, %arg5: memref<1x128xf32, #tpu.memory_space<vmem>>, %arg6: memref<1x128xf32, #tpu.memory_space<vmem>>, %arg7: memref<128x128xf32, #tpu.memory_space<vmem>>, %arg8: memref<1x128xf32, #tpu.memory_space<vmem>>, %arg9: memref<1x128xf32, #tpu.memory_space<vmem>>, %arg10: memref<1x128xf32, #tpu.memory_space<vmem>>, %arg11: memref<10000x128xf32, #tpu.memory_space<vmem>>) attributes {dimension_semantics = [], scalar_prefetch = 0 : i64, scratch_operands = 0 : i64, tpu.core_type = #tpu.core_type<tc>} {
    %get3A = arith.constant 0 : index
    %get3A_0 = arith.constant 0 : index
    %get3A_1 = vector.load %arg0[%get3A, %get3A_0] : memref<10000x128xf32, #tpu.memory_space<vmem>>, vector<10000x128xf32>
    %get3A_2 = arith.constant 0 : index
    %get3A_3 = arith.constant 0 : index
    %get3A_4 = vector.load %arg2[%get3A_2, %get3A_3] : memref<1x1xf32, #tpu.memory_space<vmem>>, vector<1x1xf32>
    %get3A_5 = arith.constant 0 : index
    %get3A_6 = arith.constant 0 : index
    %get3A_7 = vector.load %arg0[%get3A_5, %get3A_6] : memref<10000x128xf32, #tpu.memory_space<vmem>>, vector<10000x128xf32>
    %mul3A = vector.broadcast %get3A_4 : vector<1x1xf32> to vector<10000x128xf32>
    %mul3A_8 = arith.mulf %mul3A, %get3A_7 : vector<10000x128xf32>
    %add3A = arith.addf %get3A_1, %mul3A_8 : vector<10000x128xf32>
    %get3A_9 = arith.constant 0 : index
    %get3A_10 = arith.constant 0 : index
    %get3A_11 = arith.constant 0 : index
    %get3A_12 = vector.load %arg1[%get3A_9, %get3A_10, %get3A_11] : memref<2x10000x128xf32, #tpu.memory_space<vmem>>, vector<1x10000x128xf32>
    %get3A_13 = vector.shape_cast %get3A_12 : vector<1x10000x128xf32> to vector<10000x128xf32>
    %add3A_14 = arith.addf %add3A, %get3A_13 : vector<10000x128xf32>
    %get3A_15 = arith.constant 1 : index
    %get3A_16 = arith.constant 0 : index
    %get3A_17 = arith.constant 0 : index
    %get3A_18 = vector.load %arg1[%get3A_15, %get3A_16, %get3A_17] : memref<2x10000x128xf32, #tpu.memory_space<vmem>>, vector<1x10000x128xf32>
    %get3A_19 = vector.shape_cast %get3A_18 : vector<1x10000x128xf32> to vector<10000x128xf32>
    %add3A_20 = arith.addf %add3A_14, %get3A_19 : vector<10000x128xf32>
    %get3A_21 = arith.constant 0 : index
    %get3A_22 = arith.constant 0 : index
    %get3A_23 = vector.load %arg3[%get3A_21, %get3A_22] : memref<128x128xf32, #tpu.memory_space<vmem>>, vector<128x128xf32>
    %dot_general3A = arith.constant dense<0.000000e+00> : vector<10000x128xf32>
    %dot_general3A_24 = tpu.matmul %add3A_20, %get3A_23, %dot_general3A {dimension_numbers = #tpu.dot_dimension_numbers<[1], [0], [0], [1], [0, 0, 1, 1], [], []>, transpose_lhs_hint = false} : vector<10000x128xf32>, vector<128x128xf32>, vector<10000x128xf32> -> vector<10000x128xf32>
    %get3A_25 = arith.constant 0 : index
    %get3A_26 = arith.constant 0 : index
    %get3A_27 = vector.load %arg4[%get3A_25, %get3A_26] : memref<1x128xf32, #tpu.memory_space<vmem>>, vector<1x128xf32>
    %add3A_28 = vector.broadcast %get3A_27 : vector<1x128xf32> to vector<10000x128xf32>
    %add3A_29 = arith.addf %dot_general3A_24, %add3A_28 : vector<10000x128xf32>
    %reduce_sum3A = arith.constant dense<0.000000e+00> : vector<128xf32>
    %reduce_sum3A_30 = vector.multi_reduction <add>, %add3A_29, %reduce_sum3A [0] : vector<10000x128xf32> to vector<128xf32>
    %broadcast_in_dim3A = vector.shape_cast %reduce_sum3A_30 : vector<128xf32> to vector<1x128xf32>
    %div3A = arith.constant 1.000000e+04 : f32
    %div3A_31 = vector.broadcast %div3A : f32 to vector<1x128xf32>
    %div3A_32 = arith.divf %broadcast_in_dim3A, %div3A_31 : vector<1x128xf32>
    %sub3A = vector.broadcast %div3A_32 : vector<1x128xf32> to vector<10000x128xf32>
    %sub3A_33 = arith.subf %add3A_29, %sub3A : vector<10000x128xf32>
    %sub3A_34 = vector.broadcast %div3A_32 : vector<1x128xf32> to vector<10000x128xf32>
    %sub3A_35 = arith.subf %add3A_29, %sub3A_34 : vector<10000x128xf32>
    %mul3A_36 = arith.mulf %sub3A_33, %sub3A_35 : vector<10000x128xf32>
    %reduce_sum3A_37 = arith.constant dense<0.000000e+00> : vector<128xf32>
    %reduce_sum3A_38 = vector.multi_reduction <add>, %mul3A_36, %reduce_sum3A_37 [0] : vector<10000x128xf32> to vector<128xf32>
    %broadcast_in_dim3A_39 = vector.shape_cast %reduce_sum3A_38 : vector<128xf32> to vector<1x128xf32>
    %div3A_40 = arith.constant 1.000000e+04 : f32
    %div3A_41 = vector.broadcast %div3A_40 : f32 to vector<1x128xf32>
    %div3A_42 = arith.divf %broadcast_in_dim3A_39, %div3A_41 : vector<1x128xf32>
    %get3A_43 = arith.constant 0 : index
    %get3A_44 = arith.constant 0 : index
    %get3A_45 = vector.load %arg5[%get3A_43, %get3A_44] : memref<1x128xf32, #tpu.memory_space<vmem>>, vector<1x128xf32>
    %sub3A_46 = vector.broadcast %div3A_32 : vector<1x128xf32> to vector<10000x128xf32>
    %sub3A_47 = arith.subf %add3A_29, %sub3A_46 : vector<10000x128xf32>
    %mul3A_48 = vector.broadcast %get3A_45 : vector<1x128xf32> to vector<10000x128xf32>
    %mul3A_49 = arith.mulf %mul3A_48, %sub3A_47 : vector<10000x128xf32>
    %add3A_50 = arith.constant 9.99999974E-6 : f32
    %add3A_51 = vector.broadcast %add3A_50 : f32 to vector<1x128xf32>
    %add3A_52 = arith.addf %div3A_42, %add3A_51 : vector<1x128xf32>
    %rsqrt3A = math.rsqrt %add3A_52 : vector<1x128xf32>
    %mul3A_53 = vector.broadcast %rsqrt3A : vector<1x128xf32> to vector<10000x128xf32>
    %mul3A_54 = arith.mulf %mul3A_49, %mul3A_53 : vector<10000x128xf32>
    %get3A_55 = arith.constant 0 : index
    %get3A_56 = arith.constant 0 : index
    %get3A_57 = vector.load %arg6[%get3A_55, %get3A_56] : memref<1x128xf32, #tpu.memory_space<vmem>>, vector<1x128xf32>
    %add3A_58 = vector.broadcast %get3A_57 : vector<1x128xf32> to vector<10000x128xf32>
    %add3A_59 = arith.addf %mul3A_54, %add3A_58 : vector<10000x128xf32>
    %max3A = arith.constant 0.000000e+00 : f32
    %max3A_60 = vector.broadcast %max3A : f32 to vector<10000x128xf32>
    %max3A_61 = arith.maximumf %add3A_59, %max3A_60 : vector<10000x128xf32>
    %get3A_62 = arith.constant 0 : index
    %get3A_63 = arith.constant 0 : index
    %get3A_64 = vector.load %arg7[%get3A_62, %get3A_63] : memref<128x128xf32, #tpu.memory_space<vmem>>, vector<128x128xf32>
    %dot_general3A_65 = arith.constant dense<0.000000e+00> : vector<10000x128xf32>
    %dot_general3A_66 = tpu.matmul %max3A_61, %get3A_64, %dot_general3A_65 {dimension_numbers = #tpu.dot_dimension_numbers<[1], [0], [0], [1], [0, 0, 1, 1], [], []>, transpose_lhs_hint = false} : vector<10000x128xf32>, vector<128x128xf32>, vector<10000x128xf32> -> vector<10000x128xf32>
    %get3A_67 = arith.constant 0 : index
    %get3A_68 = arith.constant 0 : index
    %get3A_69 = vector.load %arg8[%get3A_67, %get3A_68] : memref<1x128xf32, #tpu.memory_space<vmem>>, vector<1x128xf32>
    %add3A_70 = vector.broadcast %get3A_69 : vector<1x128xf32> to vector<10000x128xf32>
    %add3A_71 = arith.addf %dot_general3A_66, %add3A_70 : vector<10000x128xf32>
    %reduce_sum3A_72 = arith.constant dense<0.000000e+00> : vector<128xf32>
    %reduce_sum3A_73 = vector.multi_reduction <add>, %add3A_71, %reduce_sum3A_72 [0] : vector<10000x128xf32> to vector<128xf32>
    %broadcast_in_dim3A_74 = vector.shape_cast %reduce_sum3A_73 : vector<128xf32> to vector<1x128xf32>
    %div3A_75 = arith.constant 1.000000e+04 : f32
    %div3A_76 = vector.broadcast %div3A_75 : f32 to vector<1x128xf32>
    %div3A_77 = arith.divf %broadcast_in_dim3A_74, %div3A_76 : vector<1x128xf32>
    %sub3A_78 = vector.broadcast %div3A_77 : vector<1x128xf32> to vector<10000x128xf32>
    %sub3A_79 = arith.subf %add3A_71, %sub3A_78 : vector<10000x128xf32>
    %sub3A_80 = vector.broadcast %div3A_77 : vector<1x128xf32> to vector<10000x128xf32>
    %sub3A_81 = arith.subf %add3A_71, %sub3A_80 : vector<10000x128xf32>
    %mul3A_82 = arith.mulf %sub3A_79, %sub3A_81 : vector<10000x128xf32>
    %reduce_sum3A_83 = arith.constant dense<0.000000e+00> : vector<128xf32>
    %reduce_sum3A_84 = vector.multi_reduction <add>, %mul3A_82, %reduce_sum3A_83 [0] : vector<10000x128xf32> to vector<128xf32>
    %broadcast_in_dim3A_85 = vector.shape_cast %reduce_sum3A_84 : vector<128xf32> to vector<1x128xf32>
    %div3A_86 = arith.constant 1.000000e+04 : f32
    %div3A_87 = vector.broadcast %div3A_86 : f32 to vector<1x128xf32>
    %div3A_88 = arith.divf %broadcast_in_dim3A_85, %div3A_87 : vector<1x128xf32>
    %get3A_89 = arith.constant 0 : index
    %get3A_90 = arith.constant 0 : index
    %get3A_91 = vector.load %arg9[%get3A_89, %get3A_90] : memref<1x128xf32, #tpu.memory_space<vmem>>, vector<1x128xf32>
    %sub3A_92 = vector.broadcast %div3A_77 : vector<1x128xf32> to vector<10000x128xf32>
    %sub3A_93 = arith.subf %add3A_71, %sub3A_92 : vector<10000x128xf32>
    %mul3A_94 = vector.broadcast %get3A_91 : vector<1x128xf32> to vector<10000x128xf32>
    %mul3A_95 = arith.mulf %mul3A_94, %sub3A_93 : vector<10000x128xf32>
    %add3A_96 = arith.constant 9.99999974E-6 : f32
    %add3A_97 = vector.broadcast %add3A_96 : f32 to vector<1x128xf32>
    %add3A_98 = arith.addf %div3A_88, %add3A_97 : vector<1x128xf32>
    %rsqrt3A_99 = math.rsqrt %add3A_98 : vector<1x128xf32>
    %mul3A_100 = vector.broadcast %rsqrt3A_99 : vector<1x128xf32> to vector<10000x128xf32>
    %mul3A_101 = arith.mulf %mul3A_95, %mul3A_100 : vector<10000x128xf32>
    %get3A_102 = arith.constant 0 : index
    %get3A_103 = arith.constant 0 : index
    %get3A_104 = vector.load %arg10[%get3A_102, %get3A_103] : memref<1x128xf32, #tpu.memory_space<vmem>>, vector<1x128xf32>
    %add3A_105 = vector.broadcast %get3A_104 : vector<1x128xf32> to vector<10000x128xf32>
    %add3A_106 = arith.addf %mul3A_101, %add3A_105 : vector<10000x128xf32>
    %max3A_107 = arith.constant 0.000000e+00 : f32
    %max3A_108 = vector.broadcast %max3A_107 : f32 to vector<10000x128xf32>
    %max3A_109 = arith.maximumf %add3A_106, %max3A_108 : vector<10000x128xf32>
    %swap3A = arith.constant 0 : index
    %swap3A_110 = arith.constant 0 : index
    %swap3A_111 = vector.load %arg11[%swap3A, %swap3A_110] : memref<10000x128xf32, #tpu.memory_space<vmem>>, vector<10000x128xf32>
    tpu.vector_store %arg11[%swap3A, %swap3A_110], %max3A_109 {strides = array<i32>} : memref<10000x128xf32, #tpu.memory_space<vmem>>, vector<10000x128xf32>,
    return
  }
}

</mosaic_0001>

<sc_bundles>
// kernel: kernel.4.cloned.1.call-start
scs
__scs_entry_jumppad:
0x0: {  	(pc) =	sbr.rel $0x88, $3  }
0x1: {  	(tag) =	ssettag $0x0;
	lr =	simm.s32 $0x1  }
0x2: {  	[smem:$0x3F96] =	sst lr;
	_ =	strace $0xD0000000  }
0x3: {  	_ = 	snop  }
0x4: {  	_ = 	snop  }
0x5: {  	_ = 	snop  }
0x6: {  	_ = 	snop  }
0x7: {  	_ = 	snop  }
__scs_overlays_trampoline_lowered:
0x8: {  	[smem:$0x3FA5] =	sst s0  }
0x9: {  	[smem:$0x3FA6] =	sst s1  }
0xa: {  	[smem:$0x3FA7] =	sst s2  }
0xb: {  	[smem:$0x3FA8] =	sst s3  }
0xc: {  	[smem:$0x3FA9] =	sst s4  }
0xd: {  	[smem:$0x3FAA] =	sst s5  }
0xe: {  	[smem:$0x3FAB] =	sst s6  }
0xf: {  	[smem:$0x3FAC] =	sst s7  }
0x10: {  	[smem:$0x3FAD] =	sst s8  }
0x11: {  	[smem:$0x3FAE] =	sst s9;
	s0 =	simm.s32 @!p0 $0x0  }
0x12: {  	s1 =	sld [smem:$0x3F94];
	s0 =	simm.s32 @p0 $0x1  }
0x13: {  	[smem:$0x3FAF] =	sst s0;
	s0 =	simm.s32 @!p1 $0x0  }
0x14: {  	s2 =	sld [smem:$0x3F93];
	s0 =	simm.s32 @p1 $0x1  }
0x15: {  	[smem:$0x3FB0] =	sst s0;
	s0 =	simm.s32 @!p2 $0x0  }
0x16: {  	s3 =	sld [smem:$0x3FDB];
	s0 =	simm.s32 @p2 $0x1  }
0x17: {  	s4 =	simm.s32 $0x1BF5;
	[smem:$0x3FB2] =	sst s0  }
0x18: {  	s0 =	sld [smem:$0x3F95];
	_ =	swait.ge [sflag:s4], $0x0  }
0x19: {  	s7 =	sld [smem:$0x3F96]  }
0x1a: {  	s8 =	sadd.s32 $0xFFFFE003, lr  }
0x1b: {  	s9 =	sadd.s32 $0xFFFFFEF7, lr;
	s5 =	simm.s32 $0xFFFFFFFF;
	p2 =	slt.u32 s8, $0xFFFFF086  }
0x1c: {  	p1 =	slt.u32 s9, $0xF7A;
	s5 =	simm.s32 @!p2 $0x0  }
0x1d: {  	s5 =	simm.s32 @p1 $0x1;
	p0 =	seq.s32 s7, s2  }
0x1e: {  	s7 =	smul.u32 @!p0 $0xF7A, s2;
	p2 =	seq.s32 @!p0 s5, $0x0  }
0x1f: {  	s9 =	smul.u32 $0xF7A, s1;
	s8 =	simm.s32 @!p0 $0x1BF5;
	p2 =	por !p2, p0  }
0x20: {  	[sflag:s8] =	ssyncset.s32 @!p0 $0xFFFFF086;
	s6 =	sadd.s32 @!p0 s3, s7;
	s7 =	simm.s32 @!p0 $0x108  }
0x21: {  	s3 =	sadd.s32 s3, s9;
	s6 =	sadd.s32 @!p0 $0x88, s6;
	s7 =	simm.s32 @p2 $0x1082  }
0x22: {  	[simem:s7], [sflag:s8] =	dma.local @!p0 [hbm:s6], $0xF7A  }
0x23: {  	s9 =	sor.u32 $0xD0000000, s2;
	s6 =	simm.s32 $0x108;
	_ =	swait.ge @!p0 [sflag:s8], $0x0  }
0x24: {  	s3 =	sadd.s32 $0x88, s3;
	s6 =	simm.s32 @!p1 $0x1082;
	[sflag:s4] =	ssyncset.s32 $0xFFFFF086  }
0x25: {  	[simem:s6], [sflag:s4] =	dma.local [hbm:s3], $0xF7A  }
0x26: {  	[smem:$0x3F96] =	sst s1;
	(tag) =	ssettag s2;
	_ =	strace s9  }
0x27: {  	s1 =	sld [smem:$0x3FA6]  }
0x28: {  	s2 =	sld [smem:$0x3FA7]  }
0x29: {  	s4 =	sld [smem:$0x3FA9]  }
0x2a: {  	p0 =	seq.s32 s5, $0x0;
	s5 =	sld [smem:$0x3FAA]  }
0x2b: {  	s6 =	sld [smem:$0x3FAB]  }
0x2c: {  	s7 =	sld [smem:$0x3FAC]  }
0x2d: {  	s3 =	simm.s32 $0x108;
	s8 =	sld [smem:$0x3FAD]  }
0x2e: {  	s3 =	simm.s32 @!p0 $0x1082;
	s9 =	sld [smem:$0x3FAE]  }
0x2f: {  	lr =	sadd.s32 s0, s3;
	s0 =	sld [smem:$0x3FA5]  }
0x30: {  	s3 =	sld [smem:$0x3FA8]  }
0x31: {  	[smem:$0x3FB1] =	sst s10  }
0x32: {  	s10 =	sld [smem:$0x3FAF];
	_ =	sdelay $0x3  }
0x33: {  	p0 =	seq.s32 s10, $0x1;
	s10 =	sld [smem:$0x3FB1];
	_ =	sdelay $0x3  }
0x34: {  	[smem:$0x3FB1] =	sst s10  }
0x35: {  	s10 =	sld [smem:$0x3FB0];
	_ =	sdelay $0x3  }
0x36: {  	p1 =	seq.s32 s10, $0x1;
	s10 =	sld [smem:$0x3FB1];
	_ =	sdelay $0x3  }
0x37: {  	[smem:$0x3FB1] =	sst s10  }
0x38: {  	s10 =	sld [smem:$0x3FB2]  }
0x39: {  	_ = 	snop;
	(pc) =	sbr.ind lr, $3  }
0x3a: {  	_ = 	snop  }
0x3b: {  	_ = 	snop  }
0x3c: {  	p2 =	seq.s32 s10, $0x1;
	s10 =	sld [smem:$0x3FB1]  }
0x3d: {  	_ =	shalt  }
0x3e: {  	_ =	shalt  }
0x3f: {  	_ =	shalt  }
0x40: {  	_ =	shalt  }
0x41: {  	_ =	shalt  }
0x42: {  	_ =	shalt  }
0x43: {  	_ =	shalt  }
0x44: {  	_ =	shalt  }
0x45: {  	_ =	shalt  }
0x46: {  	_ =	shalt  }
0x47: {  	_ =	shalt  }
0x48: {  	_ =	shalt  }
0x49: {  	_ =	shalt  }
0x4a: {  	_ =	shalt  }
0x4b: {  	_ =	shalt  }
0x4c: {  	_ =	shalt  }
0x4d: {  	_ =	shalt  }
0x4e: {  	_ =	shalt  }
0x4f: {  	_ =	shalt  }
0x50: {  	_ =	shalt  }
0x51: {  	_ =	shalt  }
0x52: {  	_ =	shalt  }
0x53: {  	_ =	shalt  }
0x54: {  	_ =	shalt  }
0x55: {  	_ =	shalt  }
0x56: {  	_ =	shalt  }
0x57: {  	_ =	shalt  }
0x58: {  	_ =	shalt  }
0x59: {  	_ =	shalt  }
0x5a: {  	_ =	shalt  }
0x5b: {  	_ =	shalt  }
0x5c: {  	_ =	shalt  }
0x5d: {  	_ =	shalt  }
0x5e: {  	_ =	shalt  }
0x5f: {  	_ =	shalt  }
0x60: {  	_ =	shalt  }
0x61: {  	_ =	shalt  }
0x62: {  	_ =	shalt  }
0x63: {  	_ =	shalt  }
0x64: {  	_ =	shalt  }
0x65: {  	_ =	shalt  }
0x66: {  	_ =	shalt  }
0x67: {  	_ =	shalt  }
0x68: {  	_ =	shalt  }
0x69: {  	_ =	shalt  }
0x6a: {  	_ =	shalt  }
0x6b: {  	_ =	shalt  }
0x6c: {  	_ =	shalt  }
0x6d: {  	_ =	shalt  }
0x6e: {  	_ =	shalt  }
0x6f: {  	_ =	shalt  }
0x70: {  	_ =	shalt  }
0x71: {  	_ =	shalt  }
0x72: {  	_ =	shalt  }
0x73: {  	_ =	shalt  }
0x74: {  	_ =	shalt  }
0x75: {  	_ =	shalt  }
0x76: {  	_ =	shalt  }
0x77: {  	_ =	shalt  }
0x78: {  	_ =	shalt  }
0x79: {  	_ =	shalt  }
0x7a: {  	_ =	shalt  }
0x7b: {  	_ =	shalt  }
0x7c: {  	_ =	shalt  }
0x7d: {  	_ =	shalt  }
0x7e: {  	_ =	shalt  }
0x7f: {  	_ =	shalt  }
0x80: {  	_ =	shalt  }
0x81: {  	_ =	shalt  }
0x82: {  	_ =	shalt  }
0x83: {  	_ =	shalt  }
0x84: {  	_ =	shalt  }
0x85: {  	_ =	shalt  }
0x86: {  	_ =	shalt  }
0x87: {  	_ =	shalt  }
.Lfunc_end0:
.L_simem_size_0:
called_computation_lowered:
.L_overlay_start_0:
0x88: {  	s2 =	sld [smem:$0x3FD9]  }
0x89: {  	s3 =	sld [smem:$0x3FFE];
	_ =	sdelay $0x1  }
0x8a: {  	s1 =	srdreg.scid  }
0x8b: {  	s0 =	sand.u32 $0x1, s1  }
0x8c: {  	s17 =	sshll.u32 s0, $0xA;
	s2 =	sadd.s32 s3, s2  }
0x8d: {  	s2 =	sadd.s32 s2, s17  }
0x8e: {  	[smem:$0x3FBD] =	sst s2  }
0x8f: {  	_ = 	snop  }
0x90: {  	s2 =	sld [smem:$0x3FC9]  }
0x91: {  	s18 =	sld [smem:$0x3FD0];
	(tm) =	ssettm $0x1  }
0x92: {  	s4 =	sld [smem:$0x3FFB];
	_ =	sdelay $0x3  }
0x93: {  	_ =	strace s4  }
0x94: {  	s4 =	sld [smem:$0x3FFC];
	_ =	sdelay $0x3  }
0x95: {  	_ =	strace s4  }
0x96: {  	s4 =	sld [smem:$0x3FFD];
	_ =	sdelay $0x3  }
0x97: {  	_ =	strace s4  }
0x98: {  	_ =	strace $0x8FFFFFFF  }
0x99: {  	s19 =	sld [smem:$0x3FDB];
	_ =	sdelay $0x1  }
0x9a: {  	s5 =	simm.s32 $_scs_section_size  }
0x9b: {  	s6 =	simm.s32 $_size__tile_overlayer_lowered;
	s7 =	simm.s32 $_tile_overlayer_lowered  }
0x9c: {  	s22 =	simm.s32 $0x1BFF;
	s21 =	sshll.u32 s7, $0x1;
	s4 =	sadd.s32 s5, s19  }
0x9d: {  	s8 =	simm.s32 $0x0;
	s20 =	sshll.u32 s6, $0x1;
	s6 =	sadd.s32 s21, s4  }
0x9e: {  	[timem:s8], [sflag:s22] =	dma.local [hbm:s6], s20  }
0x9f: {  	_ =	swait.ge [sflag:s22], s20  }
0xa0: {  	s5 =	ssub.s32 $0x0, s20;
	[sflag:s22] =	ssyncset.done $0x0  }
0xa1: {  	[sflag:s22] =	ssyncadd.s32 s5;
	_ =	sdelay $0x1  }
0xa2: {  	s23 =	simm.s32 $0x1B8B  }
0xa3: {  	_ =	swait.ge [sflag:s23], $0x1  }
0xa4: {  	[sflag:s23] =	ssyncset.done $0x0  }
0xa5: {  	s25 =	simm.s32 $0x1B8E;
	s24 =	sld [smem:$0x3FFE];
	[sflag:s23] =	ssyncadd.s32 $0xFFFFFFFF  }
0xa6: {  	s26 =	simm.s32 $execute0_lowered;
	[smem:$0x3FD2] =	sst s25  }
0xa7: {  	s6 =	sshll.u32 s26, $0x1;
	_ =	strace $0x80000046;
	[dreg:$0x1] =	wrdreg $0xFFFFFFFF  }
0xa8: {  	s28 =	simm.s32 $_size_execute0_lowered;
	s4 =	sadd.s32 s4, s6;
	[dreg:$0x0] =	wrdreg $0x0  }
0xa9: {  	s6 =	sshll.u32 s28, $0x1;
	[dreg:$0x2] =	wrdreg s4  }
0xaa: {  	[dreg:$0x3] =	wrdreg s6  }
0xab: {  	[dreg:$0x4] =	wrdreg $0xC0  }
0xac: {  	_ =	task [dreg:s8], $0x5FFFF  }
0xad: {  	[dreg:$0x1] =	wrdreg $0xFFFFFFFF  }
0xae: {  	[dreg:$0x0] =	wrdreg $0x60  }
0xaf: {  	[dreg:$0x2] =	wrdreg s18  }
0xb0: {  	[dreg:$0x3] =	wrdreg s24  }
0xb1: {  	[dreg:$0x4] =	wrdreg s2  }
0xb2: {  	[dreg:$0x5] =	wrdreg $0x88000  }
0xb3: {  	[dreg:$0x6] =	wrdreg $0x9  }
0xb4: {  	_ =	task.clear_ibuf [dreg:s8], $0x7FFFF;
	_ =	strace $0x90000046  }
0xb5: {  	s29 =	simm.s32 $0x9;
	_ =	strace $0x80000048  }
0xb6: {  	_ =	swait.ge [sflag:s29], $0x1  }
0xb7: {  	[sflag:s29] =	ssyncadd.s32 $0xFFFFFFFF  }
0xb8: {  	_ =	strace $0x90000048  }
0xb9: {  	_ =	sfence  }
0xba: {  	s30 =	sld [smem:$0x0];
	_ =	sdelay $0x2  }
0xbb: {  	s31 =	sshll.u32 s1, $0xD;
	s1 =	sshrl.u32 s1, $0x2  }
0xbc: {  	s3 =	sand.u32 $0x4000, s31;
	s1 =	sadd.s32 s1, s30  }
0xbd: {  	s0 =	sor.u32 s3, s0;
	s1 =	sshll.u32 s1, $0x11  }
0xbe: {  	s0 =	sor.u32 s1, s0  }
0xbf: {  	s0 =	sadd.s32 $0x8F2B, s0  }
0xc0: {  	[sflag:s0] =	ssyncadd.remote.s32 $0x1  }
0xc1: {  	_ =	sfence.sel $0xFFFF  }
0xc2: {  	[dreg:$0x0] =	wrdreg $0xFFFFFFFF;
	(pc) =	sbr.abs _section_cstart, $3  }
0xc3: {  	[dreg:$0x1] =	wrdreg $0xFFFFFFFF  }
0xc4: {  	_ =	task.clear_ibuf [dreg:s8], $0x2FFFF;
	_ =	strace $0x9FFFFFFF  }
0xc5: {  	(tm) =	ssettm $0x7FFFFFFF  }
tec
execute0_lowered:
.L_overlay_start_1:
0x0: {  	(tag) =	ssettag $0x1  }
0x1: {  	s1 =	rddreg [dreg:$0x0];
	s4 =	srdreg.scid  }
0x2: {  	s3 =	rddreg [dreg:$0x1];
	s5 =	sand.u32 $0x1, s4  }
0x3: {  	s0 =	rddreg [dreg:$0x2];
	s4 =	simm.s32 $0xFC;
	p0 =	seq.s32 s5, $0x0  }
0x4: {  	s16 =	stileid.u32;
	s6 =	smul.u32 $0xFC0, s5;
	s4 =	simm.s32 @!p0 $0x40  }
0x5: {  	s2 =	rddreg [dreg:$0x3];
	s8 =	simm.s32 $0x0;
	s7 =	smul.u32 s16, s4  }
0x6: {  	[smem:$0x7FF] =	sst s8;
	s25 =	smul.u32 $0x27100, s5  }
0x7: {  	s10 =	sadd.s32 $0x1600, s3;
	_ =	strace $0x80000047;
	s6 =	sadd.s32 s6, s7  }
0x8: {  	s3 =	sadd.s32 s25, s3;
	s20 =	sshll.u32 s4, $0x7;
	s6 =	sshll.u32 s6, $0x4  }
0x9: {  	[dreg:$0x5] =	wrdreg s20;
	s7 =	sshll.u32 s7, $0x4;
	s14 =	sadd.s32 $0x40, s6  }
0xa: {  	s7 =	sand.u32 $0x40, s7;
	s15 =	sadd.s32 $0x50, s6;
	s17 =	sadd.s32 s1, s14  }
0xb: {  	s9 =	sand.u32 $0x1FF80, s6;
	s18 =	sadd.s32 s1, s15;
	[dreg:$0x10] =	wrdreg s17  }
0xc: {  	s21 =	sadd.s32 $0xA0, s6;
	s19 =	sadd.s32 s10, s15;
	[dreg:$0x12] =	wrdreg s18  }
0xd: {  	s23 =	sadd.s32 $0x60, s6;
	s24 =	sadd.s32 s21, s1;
	[dreg:$0x13] =	wrdreg s19  }
0xe: {  	s7 =	sor.u32 s7, s9;
	s25 =	sadd.s32 s1, s23;
	[dreg:$0x6] =	wrdreg s24  }
0xf: {  	s5 =	ssub.s32 $0x2, s5;
	s9 =	sadd.s32 s1, s7;
	[dreg:$0x14] =	wrdreg s25  }
0x10: {  	s11 =	sshrl.u32 s5, $0x1;
	s30 =	sadd.s32 s10, s7;
	[dreg:$0x8] =	wrdreg s9  }
0x11: {  	s26 =	sor.u32 $0x10, s7;
	s17 =	sadd.s32 $0x15200, s3;
	[dreg:$0x9] =	wrdreg s30  }
0x12: {  	s5 =	ssub.s32 s5, s11;
	s31 =	sadd.s32 s1, s26;
	[dreg:$0x18] =	wrdreg s17  }
0x13: {  	s11 =	sor.u32 $0x20, s7;
	s8 =	sadd.s32 s10, s26;
	[dreg:$0xa] =	wrdreg s31  }
0x14: {  	s7 =	sor.u32 $0x30, s7;
	s12 =	sadd.s32 s1, s11;
	[dreg:$0xb] =	wrdreg s8  }
0x15: {  	s28 =	simm.s32 $0x8;
	s13 =	sadd.s32 s1, s7;
	[dreg:$0xc] =	wrdreg s12  }
0x16: {  	s29 =	simm.s32 $0x0;
	s7 =	sadd.s32 s10, s7;
	[dreg:$0xe] =	wrdreg s13  }
0x17: {  	s26 =	sadd.s32 $0x70, s6;
	s9 =	sadd.s32 s10, s23;
	[dreg:$0xf] =	wrdreg s7  }
0x18: {  	s6 =	sadd.s32 $0x80, s6;
	s8 =	sadd.s32 s10, s11;
	[dreg:$0x15] =	wrdreg s9  }
0x19: {  	s7 =	sadd.s32 s10, s14;
	s30 =	sadd.s32 s1, s26;
	[dreg:$0xd] =	wrdreg s8  }
0x1a: {  	s22 =	sadd.s32 s6, s1;
	s31 =	sadd.s32 s21, s10;
	[dreg:$0x11] =	wrdreg s7  }
0x1b: {  	s23 =	sadd.s32 s6, s10;
	s9 =	sor.u32 $0x10, s16;
	[dreg:$0x16] =	wrdreg s30  }
0x1c: {  	s11 =	sor.u32 $0x30, s16;
	s7 =	sadd.s32 s10, s26;
	[dreg:$0x7] =	wrdreg s31  }
0x1d: {  	s8 =	smax.u32 s5, $0x1;
	s10 =	sor.u32 $0x20, s16;
	s19 =	sshll.u32 s9, $0xD  }
0x1e: {  	s21 =	sshll.u32 s11, $0xD;
	s26 =	sor.u32 $0x40, s16;
	s30 =	sor.u32 $0x50, s16  }
0x1f: {  	s31 =	sor.u32 $0x60, s16;
	[dreg:$0x17] =	wrdreg s7;
	s7 =	sshll.u32 s16, $0xD  }
0x20: {  	[dreg:$0x19] =	wrdreg s8;
	s20 =	sshll.u32 s10, $0xD;
	s5 =	sadd.s32 s19, s2  }
0x21: {  	s25 =	sadd.s32 s21, s2;
	s6 =	sshll.u32 s26, $0xD;
	s12 =	sshll.u32 s31, $0xD  }
0x22: {  	s3 =	sshll.u32 s10, $0xA;
	s8 =	sshll.u32 s11, $0xA;
	s10 =	sshll.u32 s30, $0xA  }
0x23: {  	s11 =	sshll.u32 s31, $0xA;
	s1 =	sadd.s32 s7, s2;
	[dreg:$0x1b] =	wrdreg s5  }
0x24: {  	s24 =	sadd.s32 s20, s2;
	[dreg:$0x1d] =	wrdreg s25;
	s7 =	sshll.u32 s30, $0xD  }
0x25: {  	s5 =	sadd.s32 s6, s2;
	s14 =	sadd.s32 s12, s2;
	[dreg:$0x1a] =	wrdreg s1  }
0x26: {  	s12 =	sor.u32 $0x70, s16;
	s20 =	sadd.s32 s3, s17;
	[dreg:$0x1c] =	wrdreg s24  }
0x27: {  	s21 =	sadd.s32 s8, s17;
	s25 =	sadd.s32 s10, s17;
	[dreg:$0x1e] =	wrdreg s5  }
0x28: {  	s10 =	simm.s32 $0xB;
	s8 =	simm.s32 $0x5;
	[smem:$0x7EF] =	sst s14  }
0x29: {  	s13 =	sadd.s32 s7, s2;
	s14 =	sor.u32 $0x90, s16;
	[smem:$0x7F2] =	sst s20  }
0x2a: {  	s15 =	sshll.u32 s12, $0xD;
	s1 =	sshll.u32 s9, $0xA;
	[smem:$0x7F3] =	sst s21  }
0x2b: {  	s9 =	sshll.u32 s26, $0xA;
	s12 =	sshll.u32 s12, $0xA;
	[smem:$0x7F5] =	sst s25  }
0x2c: {  	s26 =	sadd.s32 s11, s17;
	s20 =	simm.s32 $0xD;
	s11 =	simm.s32 $0x40  }
0x2d: {  	s21 =	simm.s32 $0x1;
	s25 =	simm.s32 $0x4;
	[dreg:$0x1f] =	wrdreg s13  }
0x2e: {  	s13 =	sor.u32 $0x80, s16;
	s19 =	sshll.u32 s14, $0xD;
	s5 =	sadd.s32 s15, s2  }
0x2f: {  	p0 =	sgt.u32 s14, $0x9C;
	p1 =	sgt.u32 s14, $0x9B;
	s14 =	sshll.u32 s14, $0xA  }
0x30: {  	s15 =	sshll.u32 s16, $0xA;
	s1 =	sadd.s32 s1, s17;
	s24 =	sadd.s32 s9, s17  }
0x31: {  	[smem:$0x7F6] =	sst s26;
	s30 =	sadd.s32 s12, s17;
	s12 =	simm.s32 $0xA  }
0x32: {  	s26 =	simm.s32 $0x7;
	s18 =	sshll.u32 s13, $0xD;
	[smem:$0x7F1] =	sst s1  }
0x33: {  	s7 =	sadd.s32 s19, s2;
	s13 =	sshll.u32 s13, $0xA;
	[smem:$0x7F4] =	sst s24  }
0x34: {  	s15 =	sadd.s32 s15, s17;
	[smem:$0x7F7] =	sst s30;
	p2 =	sne.s32 @!p1 s16, $0x0  }
0x35: {  	s1 =	sadd.s32 $0x138000, s2;
	s3 =	sadd.s32 @!p1 s14, s17;
	[smem:$0x7FB] =	sst s5  }
0x36: {  	s19 =	simm.s32 $0x800;
	s14 =	simm.s32 $0x2800;
	[smem:$0x7F0] =	sst s15  }
0x37: {  	s16 =	simm.s32 $0x6800;
	s24 =	simm.s32 $0x6;
	[smem:$0x7F9] =	sst s3  }
0x38: {  	s6 =	sadd.s32 s18, s2;
	s31 =	sadd.s32 s13, s17;
	[smem:$0x7FD] =	sst s7  }
0x39: {  	p2 =	por p2, p1;
	s13 =	simm.s32 $0xC;
	[smem:$0x7F8] =	sst s31  }
0x3a: {  	s15 =	simm.s32 $0x4800;
	s1 =	sshrl.u32 @!p2 s1, $0x3;
	[smem:$0x7FC] =	sst s6  }
0x3b: {  	v0 =	vimm.f32 $0.0e+00;
	s17 =	simm.s32 $0x2;
	s18 =	simm.s32 $0x3;
	[smem:$0x7FA] =	sst s1  }
.LBB2_1:
0x3c: {  	s3 =	simm.s32 $0x0  }
0x3d: {  	s1 =	sand.u32 $0x7E00, s3  }
0x3e: {  	s3 =	sand.u32 $0x70, s3;
	s30 =	sshrl.u32 s1, $0x2  }
0x3f: {  	s1 =	simm.s32 $0x40;
	s30 =	sor.u32 s3, s30;
	s3 =	simm.s32 $0x0  }
.LBB2_2:
0x40: {  	p3 =	sne.s32 s1, $0x7FC0  }
0x41: {  	[tilespmem:s30+$0x800] =	vst v0;
	s3 =	sadd.s32 $0x10, s3;
	s30 =	smov.u32 s1;
	s1 =	sadd.s32 $0x40, s1  }
.Ltmp0:
0x42: {  	(pc) =	sbr.rel @p3 .LBB2_2-.Ltmp0, $4  }
0x43: {  	_ = 	snop  }
0x44: {  	s30 =	sand.u32 $0x7E00, s30  }
0x45: {  	s31 =	sand.u32 $0x70, s3;
	s30 =	sshrl.u32 s30, $0x2  }
0x46: {  	s30 =	sor.u32 s31, s30  }
0x47: {  	[tilespmem:s30+$0x800] =	vst v0;
	s1 =	rddreg [dreg:$0x1a]  }
0x48: {  	[spmem:s1] =	stream.linear.scatter [tilespmem:s19], [sflag:$0xD], $0x2000, $0x38;
	[tilespmem:$0x1C200] =	vst v63  }
0x49: {  	_ =	swait.ge [sflag:s20], $0x2000  }
0x4a: {  	[sflag:s20] =	ssyncset.done $0x0  }
0x4b: {  	s9 =	rddreg [dreg:$0x1b];
	[sflag:s20] =	ssyncadd.s32 $0xFFFFE000  }
0x4c: {  	[spmem:s9] =	stream.linear.scatter [tilespmem:s19], [sflag:$0xD], $0x2000, $0x38;
	[tilespmem:$0x1C200] =	vst v63  }
0x4d: {  	_ =	swait.ge [sflag:s20], $0x2000  }
0x4e: {  	[sflag:s20] =	ssyncset.done $0x0  }
0x4f: {  	s3 =	rddreg [dreg:$0x1c];
	[sflag:s20] =	ssyncadd.s32 $0xFFFFE000  }
0x50: {  	[spmem:s3] =	stream.linear.scatter [tilespmem:s19], [sflag:$0xD], $0x2000, $0x38;
	[tilespmem:$0x1C200] =	vst v63  }
0x51: {  	_ =	swait.ge [sflag:s20], $0x2000  }
0x52: {  	[sflag:s20] =	ssyncset.done $0x0  }
0x53: {  	s9 =	rddreg [dreg:$0x1d];
	[sflag:s20] =	ssyncadd.s32 $0xFFFFE000  }
0x54: {  	[spmem:s9] =	stream.linear.scatter [tilespmem:s19], [sflag:$0xD], $0x2000, $0x38;
	[tilespmem:$0x1C200] =	vst v63  }
0x55: {  	_ =	swait.ge [sflag:s20], $0x2000  }
0x56: {  	[sflag:s20] =	ssyncset.done $0x0  }
0x57: {  	s3 =	rddreg [dreg:$0x1e];
	[sflag:s20] =	ssyncadd.s32 $0xFFFFE000  }
0x58: {  	[spmem:s3] =	stream.linear.scatter [tilespmem:s19], [sflag:$0xD], $0x2000, $0x38;
	[tilespmem:$0x1C200] =	vst v63  }
0x59: {  	_ =	swait.ge [sflag:s20], $0x2000  }
0x5a: {  	[sflag:s20] =	ssyncset.done $0x0  }
0x5b: {  	s9 =	rddreg [dreg:$0x1f];
	[sflag:s20] =	ssyncadd.s32 $0xFFFFE000  }
0x5c: {  	[spmem:s9] =	stream.linear.scatter [tilespmem:s19], [sflag:$0xD], $0x2000, $0x38;
	[tilespmem:$0x1C200] =	vst v63  }
0x5d: {  	_ =	swait.ge [sflag:s20], $0x2000  }
0x5e: {  	s3 =	sld [smem:$0x7EF]  }
0x5f: {  	[sflag:s20] =	ssyncset.done $0x0  }
0x60: {  	[sflag:s20] =	ssyncadd.s32 $0xFFFFE000  }
0x61: {  	[spmem:s3] =	stream.linear.scatter [tilespmem:s19], [sflag:$0xD], $0x2000, $0x38;
	[tilespmem:$0x1C200] =	vst v63  }
0x62: {  	_ =	swait.ge [sflag:s20], $0x2000  }
0x63: {  	[sflag:s20] =	ssyncset.done $0x0  }
0x64: {  	[sflag:s20] =	ssyncadd.s32 $0xFFFFE000  }
0x65: {  	[spmem:s5] =	stream.linear.scatter [tilespmem:s19], [sflag:$0xD], $0x2000, $0x38;
	[tilespmem:$0x1C200] =	vst v63  }
0x66: {  	_ =	swait.ge [sflag:s20], $0x2000  }
0x67: {  	[sflag:s20] =	ssyncset.done $0x0  }
0x68: {  	[sflag:s20] =	ssyncadd.s32 $0xFFFFE000  }
0x69: {  	[spmem:s6] =	stream.linear.scatter [tilespmem:s19], [sflag:$0xD], $0x2000, $0x38;
	[tilespmem:$0x1C200] =	vst v63  }
0x6a: {  	_ =	swait.ge [sflag:s20], $0x2000  }
0x6b: {  	[sflag:s20] =	ssyncset.done $0x0  }
0x6c: {  	s1 =	simm.s32 @!p0 $0x800;
	[sflag:s20] =	ssyncadd.s32 $0xFFFFE000  }
0x6d: {  	[spmem:s7] =	stream.linear.scatter @!p0 [tilespmem:s1], [sflag:$0xD], $0x2000, $0x38;
	[tilespmem:$0x1C200] =	vst v63  }
0x6e: {  	s1 =	simm.s32 @!p0 $0xD  }
0x6f: {  	_ =	swait.ge @!p0 [sflag:s1], $0x2000  }
0x70: {  	[sflag:s1] =	ssyncset.done @!p0 $0x0  }
0x71: {  	[sflag:s1] =	ssyncadd.s32 @!p0 $0xFFFFE000  }
0x72: {  	[bflag:$0x0] =	sbarrier.arrive $0xFFFF  }
0x73: {  	s30 =	simm.s32 $0x0;
	s7 =	rddreg [dreg:$0x8]  }
0x74: {  	[tilespmem:s30], [sflag:$0x9] =	stream.linear.gather [hbm4b:s7+s30], $0x80, $0x38;
	[tilespmem:$0x1C200] =	vst v63  }
0x75: {  	s3 =	simm.s32 $0x400;
	s9 =	rddreg [dreg:$0x9]  }
0x76: {  	[tilespmem:s3], [sflag:$0xB] =	stream.linear.gather [hbm4b:s9+s30], $0x80, $0x38;
	[tilespmem:$0x1C200] =	vst v63  }
0x77: {  	s5 =	rddreg [dreg:$0xa];
	s3 =	simm.s32 $0x80  }
0x78: {  	[tilespmem:s3], [sflag:$0xA] =	stream.linear.gather [hbm4b:s5+s30], $0x80, $0x38;
	[tilespmem:$0x1C200] =	vst v63  }
0x79: {  	s6 =	rddreg [dreg:$0xb];
	s7 =	simm.s32 $0x480  }
0x7a: {  	[tilespmem:s7], [sflag:$0xC] =	stream.linear.gather [hbm4b:s6+s30], $0x80, $0x38;
	[tilespmem:$0x1C200] =	vst v63  }
0x7b: {  	s9 =	rddreg [dreg:$0xc];
	s5 =	simm.s32 $0x100  }
0x7c: {  	[tilespmem:s5], [sflag:$0x9] =	stream.linear.gather [hbm4b:s9+s30], $0x80, $0x38;
	[tilespmem:$0x1C200] =	vst v63  }
0x7d: {  	s6 =	rddreg [dreg:$0xd];
	s7 =	simm.s32 $0x500  }
0x7e: {  	[tilespmem:s7], [sflag:$0xB] =	stream.linear.gather [hbm4b:s6+s30], $0x80, $0x38;
	[tilespmem:$0x1C200] =	vst v63  }
0x7f: {  	s9 =	rddreg [dreg:$0xe];
	s6 =	simm.s32 $0x180  }
0x80: {  	[tilespmem:s6], [sflag:$0xA] =	stream.linear.gather [hbm4b:s9+s30], $0x80, $0x38;
	[tilespmem:$0x1C200] =	vst v63  }
0x81: {  	s7 =	rddreg [dreg:$0xf];
	s9 =	simm.s32 $0x580  }
0x82: {  	[tilespmem:s9], [sflag:$0xC] =	stream.linear.gather [hbm4b:s7+s30], $0x80, $0x38;
	[tilespmem:$0x1C200] =	vst v63  }
0x83: {  	s7 =	rddreg [dreg:$0x10];
	s9 =	simm.s32 $0x200  }
0x84: {  	[tilespmem:s9], [sflag:$0x9] =	stream.linear.gather [hbm4b:s7+s30], $0x80, $0x38;
	[tilespmem:$0x1C200] =	vst v63  }
0x85: {  	s7 =	rddreg [dreg:$0x11];
	s9 =	simm.s32 $0x600  }
0x86: {  	[tilespmem:s9], [sflag:$0xB] =	stream.linear.gather [hbm4b:s7+s30], $0x80, $0x38;
	[tilespmem:$0x1C200] =	vst v63  }
0x87: {  	s7 =	rddreg [dreg:$0x12];
	s9 =	simm.s32 $0x280  }
0x88: {  	[tilespmem:s9], [sflag:$0xA] =	stream.linear.gather [hbm4b:s7+s30], $0x80, $0x38;
	[tilespmem:$0x1C200] =	vst v63  }
0x89: {  	s7 =	rddreg [dreg:$0x13];
	s9 =	simm.s32 $0x680  }
0x8a: {  	[tilespmem:s9], [sflag:$0xC] =	stream.linear.gather [hbm4b:s7+s30], $0x80, $0x38;
	[tilespmem:$0x1C200] =	vst v63  }
0x8b: {  	s7 =	rddreg [dreg:$0x14];
	s9 =	simm.s32 $0x300  }
0x8c: {  	[tilespmem:s9], [sflag:$0x9] =	stream.linear.gather [hbm4b:s7+s30], $0x80, $0x38;
	[tilespmem:$0x1C200] =	vst v63  }
0x8d: {  	s7 =	rddreg [dreg:$0x15];
	s9 =	simm.s32 $0x700  }
0x8e: {  	[tilespmem:s9], [sflag:$0xB] =	stream.linear.gather [hbm4b:s7+s30], $0x80, $0x38;
	[tilespmem:$0x1C200] =	vst v63  }
0x8f: {  	s7 =	rddreg [dreg:$0x16];
	s9 =	simm.s32 $0x380  }
0x90: {  	[tilespmem:s9], [sflag:$0xA] =	stream.linear.gather [hbm4b:s7+s30], $0x80, $0x38;
	[tilespmem:$0x1C200] =	vst v63  }
0x91: {  	s7 =	rddreg [dreg:$0x17];
	s9 =	simm.s32 $0x780  }
0x92: {  	[tilespmem:s9], [sflag:$0xC] =	stream.linear.gather [hbm4b:s7+s30], $0x80, $0x38;
	[tilespmem:$0x1C200] =	vst v63  }
0x93: {  	s9 =	simm.s32 $0x9  }
0x94: {  	_ =	swait.ge [sflag:s9], $0x80  }
0x95: {  	[sflag:s9] =	ssyncset.done $0x0  }
0x96: {  	[sflag:s9] =	ssyncadd.s32 $0xFFFFFF80  }
0x97: {  	_ =	swait.ge [sflag:s10], $0x80  }
0x98: {  	[sflag:s10] =	ssyncset.done $0x0  }
0x99: {  	[sflag:s10] =	ssyncadd.s32 $0xFFFFFF80  }
0x9a: {  	[tilespmem:s19], [sflag:$0x1] =	stream.indirect.gather [hbm4b:s0+s11], $0x80, s30, s11, $0xb8;
	[tilespmem:$0x1C200] =	vst v63  }
0x9b: {  	_ =	swait.ge [sflag:s12], $0x80  }
0x9c: {  	[sflag:s12] =	ssyncset.done $0x0  }
0x9d: {  	[sflag:s12] =	ssyncadd.s32 $0xFFFFFF80  }
0x9e: {  	_ =	swait.ge [sflag:s13], $0x80  }
0x9f: {  	[sflag:s13] =	ssyncset.done $0x0  }
0xa0: {  	[sflag:s13] =	ssyncadd.s32 $0xFFFFFF80  }
0xa1: {  	[tilespmem:s14], [sflag:$0x2] =	stream.indirect.gather [hbm4b:s0+s11], $0x80, s3, s11, $0xb8;
	[tilespmem:$0x1C200] =	vst v63  }
0xa2: {  	_ =	swait.ge [sflag:s9], $0x80  }
0xa3: {  	[sflag:s9] =	ssyncset.done $0x0  }
0xa4: {  	[sflag:s9] =	ssyncadd.s32 $0xFFFFFF80  }
0xa5: {  	_ =	swait.ge [sflag:s10], $0x80  }
0xa6: {  	[sflag:s10] =	ssyncset.done $0x0  }
0xa7: {  	[sflag:s10] =	ssyncadd.s32 $0xFFFFFF80  }
0xa8: {  	[tilespmem:s15], [sflag:$0x3] =	stream.indirect.gather [hbm4b:s0+s11], $0x80, s5, s11, $0xb8;
	[tilespmem:$0x1C200] =	vst v63  }
0xa9: {  	_ =	swait.ge [sflag:s12], $0x80  }
0xaa: {  	[sflag:s12] =	ssyncset.done $0x0  }
0xab: {  	[sflag:s12] =	ssyncadd.s32 $0xFFFFFF80  }
0xac: {  	_ =	swait.ge [sflag:s13], $0x80  }
0xad: {  	[sflag:s13] =	ssyncset.done $0x0  }
0xae: {  	s31 =	simm.s32 $0x0;
	s3 =	simm.s32 $0x5;
	[sflag:s13] =	ssyncadd.s32 $0xFFFFFF80  }
0xaf: {  	[tilespmem:s16], [sflag:$0x4] =	stream.indirect.gather [hbm4b:s0+s11], $0x80, s6, s11, $0xb8;
	[tilespmem:$0x1C200] =	vst v63  }
.LBB2_4:
0xb0: {  	_ =	swait.ge [sflag:s21], $0x2000  }
0xb1: {  	s1 =	sand.u32 $0x200, s31;
	[sflag:s21] =	ssyncset.done $0x0  }
0xb2: {  	s5 =	sor.u32 $0x400, s1;
	[sflag:s21] =	ssyncadd.s32 $0xFFFFE000  }
0xb3: {  	[spmem:s2] =	stream.indirect.scatter.add.f32 [tilespmem:s19], [sflag:$0x5], $0x80, s5, s11, $0xb8;
	[tilespmem:$0x1C200] =	vst v63  }
0xb4: {  	_ =	swait.ge [sflag:s17], $0x2000  }
0xb5: {  	[sflag:s17] =	ssyncset.done $0x0  }
0xb6: {  	s6 =	sor.u32 $0x480, s1;
	[sflag:s17] =	ssyncadd.s32 $0xFFFFE000  }
0xb7: {  	[spmem:s2] =	stream.indirect.scatter.add.f32 [tilespmem:s14], [sflag:$0x6], $0x80, s6, s11, $0xb8;
	[tilespmem:$0x1C200] =	vst v63  }
0xb8: {  	_ =	swait.ge [sflag:s18], $0x2000  }
0xb9: {  	[sflag:s18] =	ssyncset.done $0x0  }
0xba: {  	s9 =	sor.u32 $0x500, s1;
	[sflag:s18] =	ssyncadd.s32 $0xFFFFE000  }
0xbb: {  	[spmem:s2] =	stream.indirect.scatter.add.f32 [tilespmem:s15], [sflag:$0x7], $0x80, s9, s11, $0xb8;
	[tilespmem:$0x1C200] =	vst v63  }
0xbc: {  	_ =	swait.ge [sflag:s25], $0x2000  }
0xbd: {  	[sflag:s25] =	ssyncset.done $0x0  }
0xbe: {  	s7 =	sor.u32 $0x580, s1;
	[sflag:s25] =	ssyncadd.s32 $0xFFFFE000  }
0xbf: {  	[spmem:s2] =	stream.indirect.scatter.add.f32 [tilespmem:s16], [sflag:$0x8], $0x80, s7, s11, $0xb8;
	[tilespmem:$0x1C200] =	vst v63  }
0xc0: {  	s9 =	sadd.s32 $0x3, s3;
	_ =	swait.ge [sflag:s8], $0x2000  }
0xc1: {  	p3 =	sge.u32 s9, s4;
	[sflag:s8] =	ssyncset.done $0x0  }
0xc2: {  	s6 =	sadd.s32 @!p3 s30, s22;
	s7 =	simm.s32 @!p3 $0x0;
	[sflag:s8] =	ssyncadd.s32 $0xFFFFE000  }
0xc3: {  	[tilespmem:s1], [sflag:$0x9] =	stream.linear.gather @!p3 [hbm4b:s6+s7], $0x80, $0x38;
	[tilespmem:$0x1C200] =	vst v63  }
0xc4: {  	s1 =	sadd.s32 @!p3 s30, s23;
	s6 =	sadd.s32 $0xFFFFFFFF, s3  }
0xc5: {  	[tilespmem:s5], [sflag:$0xB] =	stream.linear.gather @!p3 [hbm4b:s1+s7], $0x80, $0x38;
	[tilespmem:$0x1C200] =	vst v63  }
0xc6: {  	p3 =	sge.u32 s6, s4  }
0xc7: {  	s1 =	simm.s32 @!p3 $0x9  }
0xc8: {  	_ =	swait.ge @!p3 [sflag:s1], $0x80  }
0xc9: {  	[sflag:s1] =	ssyncset.done @!p3 $0x0  }
0xca: {  	[sflag:s1] =	ssyncadd.s32 @!p3 $0xFFFFFF80;
	s1 =	simm.s32 @!p3 $0xB  }
0xcb: {  	_ =	swait.ge @!p3 [sflag:s1], $0x80  }
0xcc: {  	[sflag:s1] =	ssyncset.done @!p3 $0x0  }
0xcd: {  	[sflag:s1] =	ssyncadd.s32 @!p3 $0xFFFFFF80;
	s1 =	sxor.u32 @!p3 $0xFFFFFFFF, s31  }
0xce: {  	s5 =	simm.s32 @!p3 $0x40;
	s6 =	simm.s32 @!p3 $0x800;
	s1 =	sand.u32 @!p3 $0x200, s1  }
0xcf: {  	[tilespmem:s6], [sflag:$0x1] =	stream.indirect.gather @!p3 [hbm4b:s0+s5], $0x80, s1, s5, $0xb8;
	[tilespmem:$0x1C200] =	vst v63  }
0xd0: {  	s1 =	sadd.s32 $0x4, s3;
	_ =	swait.ge [sflag:s24], $0x2000  }
0xd1: {  	p3 =	sge.u32 s1, s4;
	[sflag:s24] =	ssyncset.done $0x0  }
0xd2: {  	s5 =	sadd.s32 @!p3 $0x480, s31;
	s6 =	sadd.s32 @!p3 s30, s22;
	s7 =	simm.s32 @!p3 $0x0  }
0xd3: {  	[sflag:s24] =	ssyncadd.s32 $0xFFFFE000;
	s5 =	sand.u32 @!p3 $0x280, s5;
	s6 =	sadd.s32 @!p3 $0x10, s6  }
0xd4: {  	[tilespmem:s5], [sflag:$0xA] =	stream.linear.gather @!p3 [hbm4b:s6+s7], $0x80, $0x38;
	[tilespmem:$0x1C200] =	vst v63  }
0xd5: {  	s6 =	sadd.s32 @!p3 s30, s23  }
0xd6: {  	s5 =	sor.u32 @!p3 $0x400, s5;
	s6 =	sadd.s32 @!p3 $0x10, s6  }
0xd7: {  	[tilespmem:s5], [sflag:$0xC] =	stream.linear.gather @!p3 [hbm4b:s6+s7], $0x80, $0x38;
	[tilespmem:$0x1C200] =	vst v63  }
0xd8: {  	p3 =	sge.u32 s3, s4  }
0xd9: {  	s5 =	simm.s32 @!p3 $0xA  }
0xda: {  	_ =	swait.ge @!p3 [sflag:s5], $0x80  }
0xdb: {  	[sflag:s5] =	ssyncset.done @!p3 $0x0  }
0xdc: {  	[sflag:s5] =	ssyncadd.s32 @!p3 $0xFFFFFF80;
	s5 =	simm.s32 @!p3 $0xC  }
0xdd: {  	_ =	swait.ge @!p3 [sflag:s5], $0x80  }
0xde: {  	[sflag:s5] =	ssyncset.done @!p3 $0x0  }
0xdf: {  	[sflag:s5] =	ssyncadd.s32 @!p3 $0xFFFFFF80;
	s5 =	sadd.s32 @!p3 $0x280, s31  }
0xe0: {  	s6 =	simm.s32 @!p3 $0x40;
	s7 =	simm.s32 @!p3 $0x2800;
	s5 =	sand.u32 @!p3 $0x280, s5  }
0xe1: {  	[tilespmem:s7], [sflag:$0x2] =	stream.indirect.gather @!p3 [hbm4b:s0+s6], $0x80, s5, s6, $0xb8;
	[tilespmem:$0x1C200] =	vst v63  }
0xe2: {  	s7 =	sadd.s32 $0x5, s3;
	_ =	swait.ge [sflag:s26], $0x2000  }
0xe3: {  	p3 =	sge.u32 s7, s4;
	s6 =	rddreg [dreg:$0x6];
	[sflag:s26] =	ssyncset.done $0x0  }
0xe4: {  	s5 =	sadd.s32 @!p3 $0x500, s31;
	s7 =	rddreg [dreg:$0x7];
	s9 =	simm.s32 @!p3 $0x0  }
0xe5: {  	[sflag:s26] =	ssyncadd.s32 $0xFFFFE000;
	s5 =	sand.u32 @!p3 $0x300, s5;
	s6 =	sadd.s32 @!p3 s30, s6  }
0xe6: {  	[tilespmem:s5], [sflag:$0x9] =	stream.linear.gather @!p3 [hbm4b:s6+s9], $0x80, $0x38;
	[tilespmem:$0x1C200] =	vst v63  }
0xe7: {  	s5 =	sor.u32 @!p3 $0x400, s5;
	s6 =	sadd.s32 @!p3 s30, s7  }
0xe8: {  	[tilespmem:s5], [sflag:$0xB] =	stream.linear.gather @!p3 [hbm4b:s6+s9], $0x80, $0x38;
	[tilespmem:$0x1C200] =	vst v63  }
0xe9: {  	s9 =	sadd.s32 $0x1, s3  }
0xea: {  	p3 =	sge.u32 s9, s4  }
0xeb: {  	s5 =	simm.s32 @!p3 $0x9  }
0xec: {  	_ =	swait.ge @!p3 [sflag:s5], $0x80  }
0xed: {  	[sflag:s5] =	ssyncset.done @!p3 $0x0  }
0xee: {  	[sflag:s5] =	ssyncadd.s32 @!p3 $0xFFFFFF80;
	s5 =	simm.s32 @!p3 $0xB  }
0xef: {  	_ =	swait.ge @!p3 [sflag:s5], $0x80  }
0xf0: {  	[sflag:s5] =	ssyncset.done @!p3 $0x0  }
0xf1: {  	[sflag:s5] =	ssyncadd.s32 @!p3 $0xFFFFFF80;
	s5 =	sadd.s32 @!p3 $0x300, s31  }
0xf2: {  	s6 =	simm.s32 @!p3 $0x40;
	s7 =	simm.s32 @!p3 $0x4800;
	s5 =	sand.u32 @!p3 $0x300, s5  }
0xf3: {  	[tilespmem:s7], [sflag:$0x3] =	stream.indirect.gather @!p3 [hbm4b:s0+s6], $0x80, s5, s6, $0xb8;
	[tilespmem:$0x1C200] =	vst v63  }
0xf4: {  	s6 =	sadd.s32 $0x6, s3;
	_ =	swait.ge [sflag:s28], $0x2000  }
0xf5: {  	p3 =	sge.u32 s6, s4;
	[sflag:s28] =	ssyncset.done $0x0  }
0xf6: {  	s5 =	sadd.s32 @!p3 $0x580, s31;
	s6 =	sadd.s32 @!p3 s30, s22;
	s7 =	simm.s32 @!p3 $0x0  }
0xf7: {  	[sflag:s28] =	ssyncadd.s32 $0xFFFFE000;
	s5 =	sand.u32 @!p3 $0x380, s5;
	s6 =	sadd.s32 @!p3 $0x30, s6  }
0xf8: {  	[tilespmem:s5], [sflag:$0xA] =	stream.linear.gather @!p3 [hbm4b:s6+s7], $0x80, $0x38;
	[tilespmem:$0x1C200] =	vst v63  }
0xf9: {  	s6 =	sadd.s32 @!p3 s30, s23  }
0xfa: {  	s5 =	sor.u32 @!p3 $0x400, s5;
	s6 =	sadd.s32 @!p3 $0x30, s6  }
0xfb: {  	[tilespmem:s5], [sflag:$0xC] =	stream.linear.gather @!p3 [hbm4b:s6+s7], $0x80, $0x38;
	[tilespmem:$0x1C200] =	vst v63  }
0xfc: {  	s7 =	sadd.s32 $0x2, s3  }
0xfd: {  	p3 =	sge.u32 s7, s4  }
0xfe: {  	s3 =	simm.s32 @!p3 $0xA  }
0xff: {  	_ =	swait.ge @!p3 [sflag:s3], $0x80  }
0x100: {  	[sflag:s3] =	ssyncset.done @!p3 $0x0  }
0x101: {  	[sflag:s3] =	ssyncadd.s32 @!p3 $0xFFFFFF80;
	s3 =	simm.s32 @!p3 $0xC  }
0x102: {  	s5 =	sadd.s32 @!p3 $0x380, s31;
	s6 =	simm.s32 @!p3 $0x6800;
	_ =	swait.ge @!p3 [sflag:s3], $0x80  }
0x103: {  	s31 =	sadd.s32 $0x200, s31;
	[sflag:s3] =	ssyncset.done @!p3 $0x0;
	s9 =	rddreg [dreg:$0x5]  }
0x104: {  	[sflag:s3] =	ssyncadd.s32 @!p3 $0xFFFFFF80;
	s3 =	sand.u32 @!p3 $0x380, s5;
	s5 =	simm.s32 @!p3 $0x40  }
0x105: {  	[tilespmem:s6], [sflag:$0x4] =	stream.indirect.gather @!p3 [hbm4b:s0+s5], $0x80, s3, s5, $0xb8;
	[tilespmem:$0x1C200] =	vst v63  }
0x106: {  	p3 =	sne.s32 s9, s31  }
.Ltmp1:
0x107: {  	_ = 	snop;
	(pc) =	sbr.rel @p3 .LBB2_4-.Ltmp1, $2  }
0x108: {  	_ =	sdelay $0x2  }
0x109: {  	s30 =	sadd.s32 $0x40, s30;
	s3 =	smov.u32 s1  }
0x10a: {  	[bflag:$0x0] =	sbarrier.arrive $0xFFFF  }
0x10b: {  	s1 =	stileid.u32;
	s5 =	sld [smem:$0x7F0]  }
0x10c: {  	s1 =	sshll.u32 s1, $0x6;
	s3 =	rddreg [dreg:$0x1a]  }
0x10d: {  	s1 =	sor.u32 $0x1C0D, s1;
	s3 =	sshrl.u32 s3, $0x3  }
0x10e: {  	[hbm:s5], [sflag:s1] =	dma.local [spmem:s3], $0x400  }
0x10f: {  	_ =	swait.ge [sflag:s20], $0x400  }
0x110: {  	s9 =	sld [smem:$0x7F1]  }
0x111: {  	[sflag:s20] =	ssyncset.done $0x0;
	s7 =	rddreg [dreg:$0x1b]  }
0x112: {  	[sflag:s20] =	ssyncadd.s32 $0xFFFFFC00;
	s3 =	sshrl.u32 s7, $0x3  }
0x113: {  	[hbm:s9], [sflag:s1] =	dma.local [spmem:s3], $0x400  }
0x114: {  	_ =	swait.ge [sflag:s20], $0x400  }
0x115: {  	s31 =	sld [smem:$0x7F2]  }
0x116: {  	[sflag:s20] =	ssyncset.done $0x0;
	s30 =	rddreg [dreg:$0x1c]  }
0x117: {  	[sflag:s20] =	ssyncadd.s32 $0xFFFFFC00;
	s3 =	sshrl.u32 s30, $0x3  }
0x118: {  	[hbm:s31], [sflag:s1] =	dma.local [spmem:s3], $0x400  }
0x119: {  	_ =	swait.ge [sflag:s20], $0x400  }
0x11a: {  	s6 =	sld [smem:$0x7F3]  }
0x11b: {  	[sflag:s20] =	ssyncset.done $0x0;
	s5 =	rddreg [dreg:$0x1d]  }
0x11c: {  	[sflag:s20] =	ssyncadd.s32 $0xFFFFFC00;
	s3 =	sshrl.u32 s5, $0x3  }
0x11d: {  	[hbm:s6], [sflag:s1] =	dma.local [spmem:s3], $0x400  }
0x11e: {  	_ =	swait.ge [sflag:s20], $0x400  }
0x11f: {  	s9 =	sld [smem:$0x7F4]  }
0x120: {  	[sflag:s20] =	ssyncset.done $0x0;
	s7 =	rddreg [dreg:$0x1e]  }
0x121: {  	[sflag:s20] =	ssyncadd.s32 $0xFFFFFC00;
	s3 =	sshrl.u32 s7, $0x3  }
0x122: {  	[hbm:s9], [sflag:s1] =	dma.local [spmem:s3], $0x400  }
0x123: {  	_ =	swait.ge [sflag:s20], $0x400  }
0x124: {  	s31 =	sld [smem:$0x7F5]  }
0x125: {  	[sflag:s20] =	ssyncset.done $0x0;
	s30 =	rddreg [dreg:$0x1f]  }
0x126: {  	[sflag:s20] =	ssyncadd.s32 $0xFFFFFC00;
	s3 =	sshrl.u32 s30, $0x3  }
0x127: {  	[hbm:s31], [sflag:s1] =	dma.local [spmem:s3], $0x400  }
0x128: {  	_ =	swait.ge [sflag:s20], $0x400  }
0x129: {  	s6 =	sld [smem:$0x7EF]  }
0x12a: {  	s7 =	sld [smem:$0x7F6]  }
0x12b: {  	[sflag:s20] =	ssyncset.done $0x0  }
0x12c: {  	[sflag:s20] =	ssyncadd.s32 $0xFFFFFC00;
	s3 =	sshrl.u32 s6, $0x3  }
0x12d: {  	[hbm:s7], [sflag:s1] =	dma.local [spmem:s3], $0x400  }
0x12e: {  	_ =	swait.ge [sflag:s20], $0x400  }
0x12f: {  	s5 =	sld [smem:$0x7FB]  }
0x130: {  	s6 =	sld [smem:$0x7F7]  }
0x131: {  	[sflag:s20] =	ssyncset.done $0x0  }
0x132: {  	[sflag:s20] =	ssyncadd.s32 $0xFFFFFC00;
	s9 =	sshrl.u32 s5, $0x3  }
0x133: {  	[hbm:s6], [sflag:s1] =	dma.local [spmem:s9], $0x400  }
0x134: {  	_ =	swait.ge [sflag:s20], $0x400  }
0x135: {  	s6 =	sld [smem:$0x7FC]  }
0x136: {  	s7 =	sld [smem:$0x7F8]  }
0x137: {  	[sflag:s20] =	ssyncset.done $0x0  }
0x138: {  	[sflag:s20] =	ssyncadd.s32 $0xFFFFFC00;
	s30 =	sshrl.u32 s6, $0x3  }
0x139: {  	[hbm:s7], [sflag:s1] =	dma.local [spmem:s30], $0x400  }
0x13a: {  	_ =	swait.ge [sflag:s20], $0x400  }
0x13b: {  	s7 =	sld [smem:$0x7FD]  }
0x13c: {  	s9 =	sld [smem:$0x7F9]  }
0x13d: {  	[sflag:s20] =	ssyncset.done $0x0  }
0x13e: {  	[sflag:s20] =	ssyncadd.s32 $0xFFFFFC00;
	s3 =	sshrl.u32 @!p1 s7, $0x3  }
0x13f: {  	[hbm:s9], [sflag:s1] =	dma.local @!p1 [spmem:s3], $0x400  }
0x140: {  	s1 =	simm.s32 @!p1 $0xD  }
0x141: {  	_ =	swait.ge @!p1 [sflag:s1], $0x400  }
0x142: {  	[sflag:s1] =	ssyncset.done @!p1 $0x0;
	s9 =	sld [smem:$0x7FA]  }
0x143: {  	[sflag:s1] =	ssyncadd.s32 @!p1 $0xFFFFFC00;
	s1 =	rddreg [dreg:$0x18]  }
0x144: {  	s3 =	simm.s32 @!p2 $0x1C0D;
	s1 =	sadd.s32 @!p2 $0x27000, s1  }
0x145: {  	[hbm:s1], [sflag:s3] =	dma.local @!p2 [spmem:s9], $0x100  }
0x146: {  	s1 =	simm.s32 @!p2 $0xD  }
0x147: {  	_ =	swait.ge @!p2 [sflag:s1], $0x100  }
0x148: {  	s29 =	sadd.s32 $0x1, s29;
	s31 =	rddreg [dreg:$0x19]  }
0x149: {  	p3 =	sne.s32 s29, s31  }
.Ltmp2:
0x14a: {  	_ = 	snop;
	(pc) =	sbr.rel @p3 .LBB2_1-.Ltmp2, $3  }
0x14b: {  	_ =	sdelay $0x1  }
0x14c: {  	[sflag:s1] =	ssyncset.done @!p2 $0x0  }
0x14d: {  	[sflag:s1] =	ssyncadd.s32 @!p2 $0xFFFFFF00  }
0x14e: {  	_ =	sfence.sel $0x180000  }
0x14f: {  	[bflag:$0x0] =	sbarrier.arrive $0xFFFF  }
0x150: {  	_ =	strace $0x90000047  }
0x151: {  	s0 =	stileid.u32;
	[bflag:$0x2] =	sbarrier.arrive $0xFFFF  }
0x152: {  	p0 =	sne.s32 s0, $0x0;
	s0 =	rddreg [dreg:$0x4]  }
0x153: {  	s0 =	sadd.s32 @!p0 $0x100000, s0  }
0x154: {  	[sflag:s0] =	ssyncadd.tile.s32 @!p0 $0x1;
	_ =	shalt  }
.Lfunc_end2:
_tile_overlayer_lowered:
.L_overlay_start_2:
0x155: {  	(tag) =	ssettag $0x2  }
0x156: {  	s0 =	rddreg [dreg:$0x0];
	s2 =	stileid.u32  }
0x157: {  	s1 =	rddreg [dreg:$0x1];
	p0 =	sne.s32 s2, $0x0  }
0x158: {  	s3 =	rddreg [dreg:$0x2];
	[bflag:$0x3] =	sbarrier.arrive $0xFFFF;
	s2 =	simm.s32 @!p0 $0x1C0D  }
0x159: {  	[timem:s3], [sflag:s2] =	dma.local @!p0 [hbm:s0], s1  }
0x15a: {  	s0 =	simm.s32 @!p0 $0xD  }
0x15b: {  	_ =	swait.ge @!p0 [sflag:s0], s1  }
0x15c: {  	s1 =	ssub.s32 @!p0 $0x0, s1;
	[sflag:s0] =	ssyncset.done @!p0 $0x0  }
0x15d: {  	[sflag:s0] =	ssyncadd.s32 @!p0 s1  }
0x15e: {  	[bflag:$0x3] =	sbarrier.arrive $0xFFFF  }
0x15f: {  	_ =	shalt  }

</sc_bundles>
